<compile_context>
chip_gen: v7x
topology: tpu7x:2x2x1
jax: 0.10.2.dev20260603
libtpu: 0.0.44.dev20260713+nightly
codegen_flags: <defaults>
</compile_context>

<pallas_src>
import functools

import jax
import jax.numpy as jnp
from jax import lax
from jax.experimental import pallas as pl
from jax.experimental.pallas import tpu as pltpu

IN_PLANES = 64
OUT_PLANES = 64
STRIDE = 4
NSAMPLE = 16
EPS = 1e-5

_BIG_I32 = 2**30
_INF_F32 = 3e38


def _fps_body(px_ref, py_ref, pz_ref, feats_ref, wt_ref,
              fidx_ref, npx_ref, npy_ref, npz_ref, u_ref, *, seg, n, m, C):
    R = n // 128
    QR = m // 128
    px = px_ref[...]
    py = py_ref[...]
    pz = pz_ref[...]

    u_ref[...] = jnp.dot(
        feats_ref[...].reshape(seg * n, 128), wt_ref[...],
        preferred_element_type=jnp.float32).reshape(seg, n, 128)

    flat = jnp.broadcast_to(
        lax.broadcasted_iota(jnp.int32, (R, 128), 0) * 128
        + lax.broadcasted_iota(jnp.int32, (R, 128), 1), (seg, R, 128))
    qflat = jnp.broadcast_to(
        lax.broadcasted_iota(jnp.int32, (QR, 128), 0) * 128
        + lax.broadcasted_iota(jnp.int32, (QR, 128), 1), (seg, QR, 128))

    dist0 = jnp.full((seg, R, 128), 1e10, dtype=jnp.float32)
    lx0 = px[:, 0:1, 0:1]
    ly0 = py[:, 0:1, 0:1]
    lz0 = pz[:, 0:1, 0:1]
    idx0 = jnp.zeros((seg, QR, 128), dtype=jnp.int32)
    zero_q = jnp.zeros((seg, QR, 128), dtype=jnp.float32)
    sel0 = qflat == 0
    nx0 = jnp.where(sel0, lx0, zero_q)
    ny0 = jnp.where(sel0, ly0, zero_q)
    nz0 = jnp.where(sel0, lz0, zero_q)

    def body(i, st):
        dist, lx, ly, lz, idxv, nx, ny, nz = st
        dx = px - lx
        dy = py - ly
        dz = pz - lz
        d = dx * dx + dy * dy + dz * dz
        dist = jnp.minimum(dist, d)
        mx = jnp.max(dist, axis=(1, 2), keepdims=True)
        sel = jnp.min(jnp.where(dist == mx, flat, _BIG_I32),
                      axis=(1, 2), keepdims=True)
        hit = flat == sel
        sx = jnp.sum(jnp.where(hit, px, 0.0), axis=(1, 2), keepdims=True)
        sy = jnp.sum(jnp.where(hit, py, 0.0), axis=(1, 2), keepdims=True)
        sz = jnp.sum(jnp.where(hit, pz, 0.0), axis=(1, 2), keepdims=True)
        q = qflat == i
        idxv = jnp.where(q, sel, idxv)
        nx = jnp.where(q, sx, nx)
        ny = jnp.where(q, sy, ny)
        nz = jnp.where(q, sz, nz)
        return (dist, sx, sy, sz, idxv, nx, ny, nz)

    st = lax.fori_loop(1, m, body,
                       (dist0, lx0, ly0, lz0, idx0, nx0, ny0, nz0),
                       unroll=4)
    _, _, _, _, idxv, nx, ny, nz = st
    fidx_ref[...] = idxv
    npx_ref[...] = nx
    npy_ref[...] = ny
    npz_ref[...] = nz


def _run_fps(px, py, pz, feats, wt, *, seg, n, m, C):
    R = n // 128
    QR = m // 128
    body = functools.partial(_fps_body, seg=seg, n=n, m=m, C=C)
    out_shapes = (
        jax.ShapeDtypeStruct((seg, QR, 128), jnp.int32),
        jax.ShapeDtypeStruct((seg, QR, 128), jnp.float32),
        jax.ShapeDtypeStruct((seg, QR, 128), jnp.float32),
        jax.ShapeDtypeStruct((seg, QR, 128), jnp.float32),
        jax.ShapeDtypeStruct((seg, n, 128), jnp.float32),
    )
    full = lambda shape: pl.BlockSpec(shape, lambda: tuple(0 for _ in shape))
    return pl.pallas_call(
        body,
        in_specs=[
            full((seg, R, 128)), full((seg, R, 128)), full((seg, R, 128)),
            full((seg, n, 128)), full((128, 128)),
        ],
        out_specs=(
            full((seg, QR, 128)), full((seg, QR, 128)), full((seg, QR, 128)),
            full((seg, QR, 128)), full((seg, n, 128)),
        ),
        out_shape=out_shapes,
    )(px, py, pz, feats, wt)


_NPRE = 5
_CHW = 64


def _knn_body(pxb_ref, pyb_ref, pzb_ref, qx_ref, qy_ref, qz_ref,
              knn_ref, *, n, QB):
    seg = pl.program_id(0)
    NCH = n // _CHW
    px = pxb_ref[0][None]
    py = pyb_ref[0][None]
    pz = pzb_ref[0][None]
    qx = qx_ref[0][:, :, None]
    qy = qy_ref[0][:, :, None]
    qz = qz_ref[0][:, :, None]
    dx = qx - px
    dy = qy - py
    dz = qz - pz
    d2 = dx * dx + dy * dy + dz * dz

    row = lax.broadcasted_iota(jnp.int32, (QB, _CHW, NCH), 1)
    chunk64 = lax.broadcasted_iota(jnp.int32, (QB, 1, NCH), 2) * _CHW
    cvs, cis = [], []
    for _ in range(_NPRE):
        mv = jnp.min(d2, axis=1, keepdims=True)
        am = jnp.min(jnp.where(d2 == mv, row, _BIG_I32),
                     axis=1, keepdims=True)
        cvs.append(mv[:, 0, :])
        cis.append((chunk64 + am)[:, 0, :])
        d2 = jnp.where(row == am, _INF_F32, d2)
    cv = jnp.concatenate(cvs, axis=1)
    ci = jnp.concatenate(cis, axis=1)

    laneNS = lax.broadcasted_iota(jnp.int32, (QB, NSAMPLE), 1)
    knn = jnp.zeros((QB, NSAMPLE), dtype=jnp.int32)
    for t in range(NSAMPLE):
        mv = jnp.min(cv, axis=1, keepdims=True)
        am = jnp.min(jnp.where(cv == mv, ci, _BIG_I32),
                     axis=1, keepdims=True)
        knn = jnp.where(laneNS == t, am, knn)
        cv = jnp.where((cv == mv) & (ci == am), _INF_F32, cv)
    knn_ref[0] = knn + seg * n


def _run_knn(pxb, pyb, pzb, qx, qy, qz, *, seg, n, m, QB):
    nqb = m // QB
    NCH = n // _CHW
    body = functools.partial(_knn_body, n=n, QB=QB)
    pspec = pl.BlockSpec((1, _CHW, NCH), lambda s, q: (s, 0, 0))
    qspec = pl.BlockSpec((1, QB, 1), lambda s, q: (s, q, 0))
    return pl.pallas_call(
        body,
        grid=(seg, nqb),
        in_specs=[pspec, pspec, pspec, qspec, qspec, qspec],
        out_specs=pl.BlockSpec((1, QB, NSAMPLE), lambda s, q: (s, q, 0)),
        out_shape=jax.ShapeDtypeStruct((seg, m, NSAMPLE), jnp.int32),
    )(pxb, pyb, pzb, qx, qy, qz)


def _run_gather_sc(u_all, knn1d, *, M, Ntot, C):
    import jax.experimental.pallas.tpu_sc as plsc
    info = plsc.get_sparse_core_info()
    NC, NS_SC = info.num_cores, info.num_subcores
    NW = NC * NS_SC
    qpw = M // NW
    CQ = 16
    nch = qpw // CQ
    ROWS = CQ * NSAMPLE
    mesh = plsc.VectorSubcoreMesh(core_axis_name="c", subcore_axis_name="s")

    @functools.partial(
        pl.kernel, mesh=mesh,
        out_type=tuple(jax.ShapeDtypeStruct((M, C), jnp.float32)
                       for _ in range(4)),
        scratch_types=[
            pltpu.VMEM((ROWS,), jnp.int32),
            pltpu.VMEM((ROWS, 128), jnp.float32),
            pltpu.VMEM((CQ, C), jnp.float32),
            pltpu.VMEM((CQ, C), jnp.float32),
            pltpu.VMEM((CQ, C), jnp.float32),
            pltpu.VMEM((CQ, C), jnp.float32),
            pltpu.SemaphoreType.DMA,
        ],
    )
    def body(u_hbm, knn_hbm, gsum_hbm, gsq_hbm, gmx_hbm, gmn_hbm,
             idx_v, rows_v, st_sum, st_sq, st_mx, st_mn, sem):
        wid = lax.axis_index("s") * NC + lax.axis_index("c")
        qbase0 = wid * qpw

        def chunk(t, carry):
            qbase = qbase0 + t * CQ
            pltpu.sync_copy(knn_hbm.at[pl.ds(qbase * NSAMPLE, ROWS)], idx_v)
            pltpu.async_copy(u_hbm.at[idx_v], rows_v, sem).wait()

            def per_q(q, c2):
                b = q * NSAMPLE
                for v in range(C // 16):
                    sl = pl.ds(v * 16, 16)
                    r = rows_v[b, sl]
                    ssum = r
                    ssq = r * r
                    smx = r
                    smn = r
                    for s in range(1, NSAMPLE):
                        r = rows_v[b + s, sl]
                        ssum = ssum + r
                        ssq = ssq + r * r
                        smx = jnp.maximum(smx, r)
                        smn = jnp.minimum(smn, r)
                    st_sum[q, sl] = ssum
                    st_sq[q, sl] = ssq
                    st_mx[q, sl] = smx
                    st_mn[q, sl] = smn
                return c2

            lax.fori_loop(0, CQ, per_q, 0)
            pltpu.sync_copy(st_sum, gsum_hbm.at[pl.ds(qbase, CQ)])
            pltpu.sync_copy(st_sq, gsq_hbm.at[pl.ds(qbase, CQ)])
            pltpu.sync_copy(st_mx, gmx_hbm.at[pl.ds(qbase, CQ)])
            pltpu.sync_copy(st_mn, gmn_hbm.at[pl.ds(qbase, CQ)])
            return carry

        lax.fori_loop(0, nch, chunk, 0)

    return body(u_all, knn1d)


def _final_body(np_ref, wp_ref, gsum_ref, gsq_ref, gmx_ref, gmn_ref,
                g_ref, b_ref, out_ref, *, M, C):
    zq = jnp.dot(np_ref[...], wp_ref[...], preferred_element_type=jnp.float32)
    gsum = gsum_ref[...]
    cnt = jnp.float32(M * NSAMPLE)
    s1 = (jnp.sum(gsum, axis=0, keepdims=True)
          - NSAMPLE * jnp.sum(zq, axis=0, keepdims=True))
    s2 = (jnp.sum(gsq_ref[...], axis=0, keepdims=True)
          - 2.0 * jnp.sum(zq * gsum, axis=0, keepdims=True)
          + NSAMPLE * jnp.sum(zq * zq, axis=0, keepdims=True))
    mean = s1 / cnt
    var = s2 / cnt - mean * mean
    a = g_ref[...] * lax.rsqrt(var + EPS)
    hsel = jnp.where(a >= 0.0, gmx_ref[...], gmn_ref[...]) - zq
    out_ref[...] = jnp.maximum(a * (hsel - mean) + b_ref[...], 0.0)


def _run_final(np_pad, wp_pad, gsum, gsq, gmx, gmn, g2, b2, *, M, C):
    body = functools.partial(_final_body, M=M, C=C)
    full = lambda shape: pl.BlockSpec(shape, lambda: tuple(0 for _ in shape))
    return pl.pallas_call(
        body,
        in_specs=[full((M, 128)), full((128, C)), full((M, C)), full((M, C)),
                  full((M, C)), full((M, C)), full((1, C)), full((1, C))],
        out_specs=full((M, C)),
        out_shape=jax.ShapeDtypeStruct((M, C), jnp.float32),
    )(np_pad, wp_pad, gsum, gsq, gmx, gmn, g2, b2)


def kernel(p, x, o, W, gamma, beta):
    N = p.shape[0]
    seg = o.shape[0]
    n = N // seg
    m = n // STRIDE
    M = seg * m
    C = OUT_PLANES
    R = n // 128
    QR = m // 128
    QB = 128

    pseg = p.reshape(seg, n, 3)
    px = pseg[..., 0].reshape(seg, R, 128)
    py = pseg[..., 1].reshape(seg, R, 128)
    pz = pseg[..., 2].reshape(seg, R, 128)

    feats = jnp.concatenate(
        [p, x, jnp.zeros((N, 125 - IN_PLANES), jnp.float32)], axis=1)
    featsr = feats.reshape(seg, n, 128)
    wt = jnp.zeros((128, 128), jnp.float32).at[:3 + IN_PLANES, :C].set(W.T)

    fidx, npx, npy, npz, u = _run_fps(px, py, pz, featsr, wt,
                                      seg=seg, n=n, m=m, C=C)

    pxb = pseg[..., 0].reshape(seg, n // _CHW, _CHW).transpose(0, 2, 1)
    pyb = pseg[..., 1].reshape(seg, n // _CHW, _CHW).transpose(0, 2, 1)
    pzb = pseg[..., 2].reshape(seg, n // _CHW, _CHW).transpose(0, 2, 1)
    qx = npx.reshape(seg, m, 1)
    qy = npy.reshape(seg, m, 1)
    qz = npz.reshape(seg, m, 1)
    knn = _run_knn(pxb, pyb, pzb, qx, qy, qz, seg=seg, n=n, m=m, QB=QB)

    u_all = u.reshape(seg * n, 128)
    knn1d = knn.reshape(M * NSAMPLE)
    gsum, gsq, gmx, gmn = _run_gather_sc(u_all, knn1d,
                                         M=M, Ntot=seg * n, C=C)

    n_p = jnp.stack([npx.reshape(M), npy.reshape(M), npz.reshape(M)],
                    axis=-1)
    np_pad = jnp.concatenate([n_p, jnp.zeros((M, 125), jnp.float32)], axis=1)
    wp_pad = jnp.zeros((128, C), jnp.float32).at[:3].set(W[:, :3].T)
    out = _run_final(np_pad, wp_pad, gsum, gsq, gmx, gmn,
                     gamma.reshape(1, C), beta.reshape(1, C), M=M, C=C)

    return n_p, out, (o // STRIDE).astype(jnp.int32)

# --- scband reference (transcript-rebuilt; emitter-appended) ---
"""Pipeline reference for scband-transition-down-420906795556 (READ-ONLY COPY).

The authoritative reference and input builder live on the scoring server;
editing this copy changes nothing except your own understanding.
"""

import jax, jax.numpy as jnp
import numpy as np

IN_PLANES = 64
OUT_PLANES = 64
STRIDE = 4
NSAMPLE = 16
EPS = 1e-5

def setup_inputs(seed: int = 0):
    key = jax.random.key(seed)
    k1, k2, k3 = jax.random.split(key, 3)
    N = 16384
    p = jax.random.uniform(k1, (N, 3), dtype=jnp.float32) * 10.0
    x = jax.random.normal(k2, (N, IN_PLANES), dtype=jnp.float32)
    o = jnp.array([8192, 16384], dtype=jnp.int32)
    W = jax.random.normal(k3, (OUT_PLANES, 3 + IN_PLANES), dtype=jnp.float32) * 0.05
    gamma = jnp.ones((OUT_PLANES,), dtype=jnp.float32)
    beta = jnp.zeros((OUT_PLANES,), dtype=jnp.float32)
    return {"p": p, "x": x, "o": o, "W": W, "gamma": gamma, "beta": beta}

def _fps(pts, m):
    # furthest point sampling over one segment; returns m local indices
    n = pts.shape[0]
    def body(i, state):
        idx, dist = state
        last = pts[idx[i - 1]]
        d = jnp.sum((pts - last[None, :]) ** 2, axis=1)
        dist = jnp.minimum(dist, d)
        idx = idx.at[i].set(jnp.argmax(dist).astype(jnp.int32))
        return idx, dist
    idx0 = jnp.zeros((m,), dtype=jnp.int32)
    dist0 = jnp.full((n,), 1e10, dtype=jnp.float32)
    idx, _ = jax.lax.fori_loop(1, m, body, (idx0, dist0))
    return idx

def _segments(n, k):
    offs = [n * (i + 1) // k for i in range(k)]
    starts = [0] + offs[:-1]
    return list(zip(starts, offs))

def reference(p, x, o, W, gamma, beta):
    segs = _segments(p.shape[0], o.shape[0])
    groups = []
    new_ps = []
    for (s, e) in segs:
        pseg = p[s:e]
        xseg = x[s:e]
        m = (e - s) // STRIDE
        fidx = _fps(pseg, m)                      # pointops.furthestsampling
        npnts = pseg[fidx]                        # n_p = p[idx]
        # pointops.queryandgroup with use_xyz=True: kNN then group (rel_xyz, feat)
        d2 = jnp.sum((npnts[:, None, :] - pseg[None, :, :]) ** 2, axis=-1)
        _, knn = jax.lax.top_k(-d2, NSAMPLE)
        gx = pseg[knn] - npnts[:, None, :]        # [m, nsample, 3]
        gf = xseg[knn]                            # [m, nsample, C]
        groups.append(jnp.concatenate([gx, gf], axis=-1))
        new_ps.append(npnts)
    grouped = jnp.concatenate(groups, axis=0)     # [M, nsample, 3+C]
    n_p = jnp.concatenate(new_ps, axis=0)
    h = jnp.dot(grouped, W.T)                     # linear, bias=False -> [M, ns, out]
    h = jnp.transpose(h, (0, 2, 1))               # [M, out, ns]
    # BatchNorm1d (training-mode batch stats) over (batch, length) per channel
    mean = jnp.mean(h, axis=(0, 2), keepdims=True)
    var = jnp.var(h, axis=(0, 2), keepdims=True)
    h = (h - mean) / jnp.sqrt(var + EPS) * gamma[None, :, None] + beta[None, :, None]
    h = jnp.maximum(h, 0.0)                       # ReLU
    out = jnp.max(h, axis=2)                      # MaxPool1d(nsample).squeeze(-1)
    return n_p, out, (o // STRIDE).astype(jnp.int32)

if __name__ == "__main__":
    import jax
    _d = setup_inputs()
    print(jax.jit(kernel)(*tuple(_d.values())))

</pallas_src>

<mosaic_0001>
#map = affine_map<(d0, d1) -> (0, 0)>
#map1 = affine_map<(d0, d1) -> (0)>
module attributes {stable_mosaic.version = 14 : i64} {
  func.func @body(%arg0: i32, %arg1: i32, %arg2: memref<16384x128xf32, #tpu.memory_space<hbm>>, %arg3: memref<65536xi32, #tpu.memory_space<hbm>>, %arg4: memref<4096x64xf32, #tpu.memory_space<hbm>>, %arg5: memref<4096x64xf32, #tpu.memory_space<hbm>>, %arg6: memref<4096x64xf32, #tpu.memory_space<hbm>>, %arg7: memref<4096x64xf32, #tpu.memory_space<hbm>>, %arg8: memref<256xi32, #tpu.memory_space<vmem>>, %arg9: memref<256x128xf32, #tpu.memory_space<vmem>>, %arg10: memref<16x64xf32, #tpu.memory_space<vmem>>, %arg11: memref<16x64xf32, #tpu.memory_space<vmem>>, %arg12: memref<16x64xf32, #tpu.memory_space<vmem>>, %arg13: memref<16x64xf32, #tpu.memory_space<vmem>>, %arg14: memref<!tpu.dma_semaphore, #tpu.memory_space<semaphore_mem>>) attributes {dimension_semantics = [#tpu.dimension_semantics<core_parallel>, #tpu.dimension_semantics<subcore_parallel>], iteration_bounds = array<i64: 2, 16>, scalar_prefetch = 0 : i64, scratch_operands = 7 : i64, tpu.core_type = #tpu.core_type<sc_vector_subcore>, window_params = [{transform_indices = #map}, {transform_indices = #map1}, {transform_indices = #map}, {transform_indices = #map}, {transform_indices = #map}, {transform_indices = #map}]} {
    %mul3A = arith.constant 2 : i32
    %mul3A_0 = arith.muli %arg1, %mul3A : i32
    %add3A = arith.addi %mul3A_0, %arg0 : i32
    %mul3A_1 = arith.constant 128 : i32
    %mul3A_2 = arith.muli %add3A, %mul3A_1 : i32
    %scan3A = arith.constant 0 : i32
    %scan3A_3 = arith.constant 0 : i32
    %scan3A_4 = arith.constant 8 : i32
    %scan3A_5 = arith.addi %scan3A_3, %scan3A_4 : i32
    %scan3A_6 = arith.constant 1 : i32
    scf.for %scan3A_8 = %scan3A_3 to %scan3A_5 step %scan3A_6  : i32 {
      %mul3A_9 = arith.constant 16 : i32
      %mul3A_10 = arith.muli %scan3A_8, %mul3A_9 : i32
      %add3A_11 = arith.addi %mul3A_2, %mul3A_10 : i32
      %mul3A_12 = arith.constant 16 : i32
      %mul3A_13 = arith.muli %add3A_11, %mul3A_12 : i32
      "tpu.region"() ({
        %run_scoped3A = tpu.sem_alloc : memref<!tpu.dma_semaphore, #tpu.memory_space<semaphore_mem>>
        %dma_start3A_24 = tpu.memref_slice %arg3[%mul3A_13] : memref<65536xi32, #tpu.memory_space<hbm>> -> memref<256xi32, #tpu.memory_space<hbm>>
        %dma_start3A_25 = tpu.memref_slice %arg3[%mul3A_13] : memref<65536xi32, #tpu.memory_space<hbm>> -> memref<256xi32, #tpu.memory_space<hbm>>
        tpu.enqueue_dma source(%dma_start3A_25 : memref<256xi32, #tpu.memory_space<hbm>>) target(%arg8 : memref<256xi32, #tpu.memory_space<vmem>>) target_semaphore(%run_scoped3A : memref<!tpu.dma_semaphore, #tpu.memory_space<semaphore_mem>>)
        %dma_wait3A_26 = tpu.memref_slice %arg3[%mul3A_13] : memref<65536xi32, #tpu.memory_space<hbm>> -> memref<256xi32, #tpu.memory_space<hbm>>
        %dma_wait3A_27 = tpu.memref_slice %arg3[%mul3A_13] : memref<65536xi32, #tpu.memory_space<hbm>> -> memref<256xi32, #tpu.memory_space<hbm>>
        tpu.wait_dma2 semaphore(%run_scoped3A : memref<!tpu.dma_semaphore, #tpu.memory_space<semaphore_mem>>) src(%dma_wait3A_27 : memref<256xi32, #tpu.memory_space<hbm>>) dst(%arg8 : memref<256xi32, #tpu.memory_space<vmem>>)
        tpu.yield
      }) : () -> ()
      %dma_start3A = arith.constant 0 : i32
      %dma_start3A_14 = arith.constant 0 : i32
      %dma_start3A_15 = tpu.memref_slice %arg2[%dma_start3A, %dma_start3A_14] : memref<16384x128xf32, #tpu.memory_space<hbm>> -> memref<16384x128xf32, #tpu.memory_space<hbm>>
      tpu.enqueue_indirect_dma source(%dma_start3A_15 : memref<16384x128xf32, #tpu.memory_space<hbm>>) target(%arg9 : memref<256x128xf32, #tpu.memory_space<vmem>>) offsets(%arg8 : memref<256xi32, #tpu.memory_space<vmem>>) semaphore(%arg14 : memref<!tpu.dma_semaphore, #tpu.memory_space<semaphore_mem>>)
      %dma_wait3A = arith.constant 0 : i32
      %dma_wait3A_16 = arith.constant 0 : i32
      %dma_wait3A_17 = tpu.memref_slice %arg2[%dma_wait3A, %dma_wait3A_16] : memref<16384x128xf32, #tpu.memory_space<hbm>> -> memref<16384x128xf32, #tpu.memory_space<hbm>>
      tpu.wait_indirect_dma semaphore(%arg14 : memref<!tpu.dma_semaphore, #tpu.memory_space<semaphore_mem>>) src(%dma_wait3A_17 : memref<16384x128xf32, #tpu.memory_space<hbm>>) dst(%arg9 : memref<256x128xf32, #tpu.memory_space<vmem>>)
      %scan3A_18 = arith.constant 0 : i32
      %scan3A_19 = arith.constant 0 : i32
      %scan3A_20 = arith.constant 16 : i32
      %scan3A_21 = arith.addi %scan3A_19, %scan3A_20 : i32
      %scan3A_22 = arith.constant 1 : i32
      scf.for %scan3A_24 = %scan3A_19 to %scan3A_21 step %scan3A_22  : i32 {
        %mul3A_25 = arith.constant 16 : i32
        %mul3A_26 = arith.muli %scan3A_24, %mul3A_25 : i32
        %get3A = arith.index_cast %mul3A_26 : i32 to index
        %get3A_27 = arith.constant 0 : index
        %get3A_28 = tpu.vector_load %arg9[%get3A, %get3A_27] {strides = array<i32>} : memref<256x128xf32, #tpu.memory_space<vmem>>, vector<1x16xf32>,
        %get3A_29 = vector.shape_cast %get3A_28 : vector<1x16xf32> to vector<16xf32>
        %mul3A_30 = arith.mulf %get3A_29, %get3A_29 : vector<16xf32>
        %add3A_31 = arith.constant 1 : i32
        %add3A_32 = arith.addi %mul3A_26, %add3A_31 : i32
        %get3A_33 = arith.index_cast %add3A_32 : i32 to index
        %get3A_34 = arith.constant 0 : index
        %get3A_35 = tpu.vector_load %arg9[%get3A_33, %get3A_34] {strides = array<i32>} : memref<256x128xf32, #tpu.memory_space<vmem>>, vector<1x16xf32>,
        %get3A_36 = vector.shape_cast %get3A_35 : vector<1x16xf32> to vector<16xf32>
        %add3A_37 = arith.addf %get3A_29, %get3A_36 : vector<16xf32>
        %mul3A_38 = arith.mulf %get3A_36, %get3A_36 : vector<16xf32>
        %add3A_39 = arith.addf %mul3A_30, %mul3A_38 : vector<16xf32>
        %max3A = arith.maximumf %get3A_29, %get3A_36 : vector<16xf32>
        %min3A = arith.minimumf %get3A_29, %get3A_36 : vector<16xf32>
        %add3A_40 = arith.constant 2 : i32
        %add3A_41 = arith.addi %mul3A_26, %add3A_40 : i32
        %get3A_42 = arith.index_cast %add3A_41 : i32 to index
        %get3A_43 = arith.constant 0 : index
        %get3A_44 = tpu.vector_load %arg9[%get3A_42, %get3A_43] {strides = array<i32>} : memref<256x128xf32, #tpu.memory_space<vmem>>, vector<1x16xf32>,
        %get3A_45 = vector.shape_cast %get3A_44 : vector<1x16xf32> to vector<16xf32>
        %add3A_46 = arith.addf %add3A_37, %get3A_45 : vector<16xf32>
        %mul3A_47 = arith.mulf %get3A_45, %get3A_45 : vector<16xf32>
        %add3A_48 = arith.addf %add3A_39, %mul3A_47 : vector<16xf32>
        %max3A_49 = arith.maximumf %max3A, %get3A_45 : vector<16xf32>
        %min3A_50 = arith.minimumf %min3A, %get3A_45 : vector<16xf32>
        %add3A_51 = arith.constant 3 : i32
        %add3A_52 = arith.addi %mul3A_26, %add3A_51 : i32
        %get3A_53 = arith.index_cast %add3A_52 : i32 to index
        %get3A_54 = arith.constant 0 : index
        %get3A_55 = tpu.vector_load %arg9[%get3A_53, %get3A_54] {strides = array<i32>} : memref<256x128xf32, #tpu.memory_space<vmem>>, vector<1x16xf32>,
        %get3A_56 = vector.shape_cast %get3A_55 : vector<1x16xf32> to vector<16xf32>
        %add3A_57 = arith.addf %add3A_46, %get3A_56 : vector<16xf32>
        %mul3A_58 = arith.mulf %get3A_56, %get3A_56 : vector<16xf32>
        %add3A_59 = arith.addf %add3A_48, %mul3A_58 : vector<16xf32>
        %max3A_60 = arith.maximumf %max3A_49, %get3A_56 : vector<16xf32>
        %min3A_61 = arith.minimumf %min3A_50, %get3A_56 : vector<16xf32>
        %add3A_62 = arith.constant 4 : i32
        %add3A_63 = arith.addi %mul3A_26, %add3A_62 : i32
        %get3A_64 = arith.index_cast %add3A_63 : i32 to index
        %get3A_65 = arith.constant 0 : index
        %get3A_66 = tpu.vector_load %arg9[%get3A_64, %get3A_65] {strides = array<i32>} : memref<256x128xf32, #tpu.memory_space<vmem>>, vector<1x16xf32>,
        %get3A_67 = vector.shape_cast %get3A_66 : vector<1x16xf32> to vector<16xf32>
        %add3A_68 = arith.addf %add3A_57, %get3A_67 : vector<16xf32>
        %mul3A_69 = arith.mulf %get3A_67, %get3A_67 : vector<16xf32>
        %add3A_70 = arith.addf %add3A_59, %mul3A_69 : vector<16xf32>
        %max3A_71 = arith.maximumf %max3A_60, %get3A_67 : vector<16xf32>
        %min3A_72 = arith.minimumf %min3A_61, %get3A_67 : vector<16xf32>
        %add3A_73 = arith.constant 5 : i32
        %add3A_74 = arith.addi %mul3A_26, %add3A_73 : i32
        %get3A_75 = arith.index_cast %add3A_74 : i32 to index
        %get3A_76 = arith.constant 0 : index
        %get3A_77 = tpu.vector_load %arg9[%get3A_75, %get3A_76] {strides = array<i32>} : memref<256x128xf32, #tpu.memory_space<vmem>>, vector<1x16xf32>,
        %get3A_78 = vector.shape_cast %get3A_77 : vector<1x16xf32> to vector<16xf32>
        %add3A_79 = arith.addf %add3A_68, %get3A_78 : vector<16xf32>
        %mul3A_80 = arith.mulf %get3A_78, %get3A_78 : vector<16xf32>
        %add3A_81 = arith.addf %add3A_70, %mul3A_80 : vector<16xf32>
        %max3A_82 = arith.maximumf %max3A_71, %get3A_78 : vector<16xf32>
        %min3A_83 = arith.minimumf %min3A_72, %get3A_78 : vector<16xf32>
        %add3A_84 = arith.constant 6 : i32
        %add3A_85 = arith.addi %mul3A_26, %add3A_84 : i32
        %get3A_86 = arith.index_cast %add3A_85 : i32 to index
        %get3A_87 = arith.constant 0 : index
        %get3A_88 = tpu.vector_load %arg9[%get3A_86, %get3A_87] {strides = array<i32>} : memref<256x128xf32, #tpu.memory_space<vmem>>, vector<1x16xf32>,
        %get3A_89 = vector.shape_cast %get3A_88 : vector<1x16xf32> to vector<16xf32>
        %add3A_90 = arith.addf %add3A_79, %get3A_89 : vector<16xf32>
        %mul3A_91 = arith.mulf %get3A_89, %get3A_89 : vector<16xf32>
        %add3A_92 = arith.addf %add3A_81, %mul3A_91 : vector<16xf32>
        %max3A_93 = arith.maximumf %max3A_82, %get3A_89 : vector<16xf32>
        %min3A_94 = arith.minimumf %min3A_83, %get3A_89 : vector<16xf32>
        %add3A_95 = arith.constant 7 : i32
        %add3A_96 = arith.addi %mul3A_26, %add3A_95 : i32
        %get3A_97 = arith.index_cast %add3A_96 : i32 to index
        %get3A_98 = arith.constant 0 : index
        %get3A_99 = tpu.vector_load %arg9[%get3A_97, %get3A_98] {strides = array<i32>} : memref<256x128xf32, #tpu.memory_space<vmem>>, vector<1x16xf32>,
        %get3A_100 = vector.shape_cast %get3A_99 : vector<1x16xf32> to vector<16xf32>
        %add3A_101 = arith.addf %add3A_90, %get3A_100 : vector<16xf32>
        %mul3A_102 = arith.mulf %get3A_100, %get3A_100 : vector<16xf32>
        %add3A_103 = arith.addf %add3A_92, %mul3A_102 : vector<16xf32>
        %max3A_104 = arith.maximumf %max3A_93, %get3A_100 : vector<16xf32>
        %min3A_105 = arith.minimumf %min3A_94, %get3A_100 : vector<16xf32>
        %add3A_106 = arith.constant 8 : i32
        %add3A_107 = arith.addi %mul3A_26, %add3A_106 : i32
        %get3A_108 = arith.index_cast %add3A_107 : i32 to index
        %get3A_109 = arith.constant 0 : index
        %get3A_110 = tpu.vector_load %arg9[%get3A_108, %get3A_109] {strides = array<i32>} : memref<256x128xf32, #tpu.memory_space<vmem>>, vector<1x16xf32>,
        %get3A_111 = vector.shape_cast %get3A_110 : vector<1x16xf32> to vector<16xf32>
        %add3A_112 = arith.addf %add3A_101, %get3A_111 : vector<16xf32>
        %mul3A_113 = arith.mulf %get3A_111, %get3A_111 : vector<16xf32>
        %add3A_114 = arith.addf %add3A_103, %mul3A_113 : vector<16xf32>
        %max3A_115 = arith.maximumf %max3A_104, %get3A_111 : vector<16xf32>
        %min3A_116 = arith.minimumf %min3A_105, %get3A_111 : vector<16xf32>
        %add3A_117 = arith.constant 9 : i32
        %add3A_118 = arith.addi %mul3A_26, %add3A_117 : i32
        %get3A_119 = arith.index_cast %add3A_118 : i32 to index
        %get3A_120 = arith.constant 0 : index
        %get3A_121 = tpu.vector_load %arg9[%get3A_119, %get3A_120] {strides = array<i32>} : memref<256x128xf32, #tpu.memory_space<vmem>>, vector<1x16xf32>,
        %get3A_122 = vector.shape_cast %get3A_121 : vector<1x16xf32> to vector<16xf32>
        %add3A_123 = arith.addf %add3A_112, %get3A_122 : vector<16xf32>
        %mul3A_124 = arith.mulf %get3A_122, %get3A_122 : vector<16xf32>
        %add3A_125 = arith.addf %add3A_114, %mul3A_124 : vector<16xf32>
        %max3A_126 = arith.maximumf %max3A_115, %get3A_122 : vector<16xf32>
        %min3A_127 = arith.minimumf %min3A_116, %get3A_122 : vector<16xf32>
        %add3A_128 = arith.constant 10 : i32
        %add3A_129 = arith.addi %mul3A_26, %add3A_128 : i32
        %get3A_130 = arith.index_cast %add3A_129 : i32 to index
        %get3A_131 = arith.constant 0 : index
        %get3A_132 = tpu.vector_load %arg9[%get3A_130, %get3A_131] {strides = array<i32>} : memref<256x128xf32, #tpu.memory_space<vmem>>, vector<1x16xf32>,
        %get3A_133 = vector.shape_cast %get3A_132 : vector<1x16xf32> to vector<16xf32>
        %add3A_134 = arith.addf %add3A_123, %get3A_133 : vector<16xf32>
        %mul3A_135 = arith.mulf %get3A_133, %get3A_133 : vector<16xf32>
        %add3A_136 = arith.addf %add3A_125, %mul3A_135 : vector<16xf32>
        %max3A_137 = arith.maximumf %max3A_126, %get3A_133 : vector<16xf32>
        %min3A_138 = arith.minimumf %min3A_127, %get3A_133 : vector<16xf32>
        %add3A_139 = arith.constant 11 : i32
        %add3A_140 = arith.addi %mul3A_26, %add3A_139 : i32
        %get3A_141 = arith.index_cast %add3A_140 : i32 to index
        %get3A_142 = arith.constant 0 : index
        %get3A_143 = tpu.vector_load %arg9[%get3A_141, %get3A_142] {strides = array<i32>} : memref<256x128xf32, #tpu.memory_space<vmem>>, vector<1x16xf32>,
        %get3A_144 = vector.shape_cast %get3A_143 : vector<1x16xf32> to vector<16xf32>
        %add3A_145 = arith.addf %add3A_134, %get3A_144 : vector<16xf32>
        %mul3A_146 = arith.mulf %get3A_144, %get3A_144 : vector<16xf32>
        %add3A_147 = arith.addf %add3A_136, %mul3A_146 : vector<16xf32>
        %max3A_148 = arith.maximumf %max3A_137, %get3A_144 : vector<16xf32>
        %min3A_149 = arith.minimumf %min3A_138, %get3A_144 : vector<16xf32>
        %add3A_150 = arith.constant 12 : i32
        %add3A_151 = arith.addi %mul3A_26, %add3A_150 : i32
        %get3A_152 = arith.index_cast %add3A_151 : i32 to index
        %get3A_153 = arith.constant 0 : index
        %get3A_154 = tpu.vector_load %arg9[%get3A_152, %get3A_153] {strides = array<i32>} : memref<256x128xf32, #tpu.memory_space<vmem>>, vector<1x16xf32>,
        %get3A_155 = vector.shape_cast %get3A_154 : vector<1x16xf32> to vector<16xf32>
        %add3A_156 = arith.addf %add3A_145, %get3A_155 : vector<16xf32>
        %mul3A_157 = arith.mulf %get3A_155, %get3A_155 : vector<16xf32>
        %add3A_158 = arith.addf %add3A_147, %mul3A_157 : vector<16xf32>
        %max3A_159 = arith.maximumf %max3A_148, %get3A_155 : vector<16xf32>
        %min3A_160 = arith.minimumf %min3A_149, %get3A_155 : vector<16xf32>
        %add3A_161 = arith.constant 13 : i32
        %add3A_162 = arith.addi %mul3A_26, %add3A_161 : i32
        %get3A_163 = arith.index_cast %add3A_162 : i32 to index
        %get3A_164 = arith.constant 0 : index
        %get3A_165 = tpu.vector_load %arg9[%get3A_163, %get3A_164] {strides = array<i32>} : memref<256x128xf32, #tpu.memory_space<vmem>>, vector<1x16xf32>,
        %get3A_166 = vector.shape_cast %get3A_165 : vector<1x16xf32> to vector<16xf32>
        %add3A_167 = arith.addf %add3A_156, %get3A_166 : vector<16xf32>
        %mul3A_168 = arith.mulf %get3A_166, %get3A_166 : vector<16xf32>
        %add3A_169 = arith.addf %add3A_158, %mul3A_168 : vector<16xf32>
        %max3A_170 = arith.maximumf %max3A_159, %get3A_166 : vector<16xf32>
        %min3A_171 = arith.minimumf %min3A_160, %get3A_166 : vector<16xf32>
        %add3A_172 = arith.constant 14 : i32
        %add3A_173 = arith.addi %mul3A_26, %add3A_172 : i32
        %get3A_174 = arith.index_cast %add3A_173 : i32 to index
        %get3A_175 = arith.constant 0 : index
        %get3A_176 = tpu.vector_load %arg9[%get3A_174, %get3A_175] {strides = array<i32>} : memref<256x128xf32, #tpu.memory_space<vmem>>, vector<1x16xf32>,
        %get3A_177 = vector.shape_cast %get3A_176 : vector<1x16xf32> to vector<16xf32>
        %add3A_178 = arith.addf %add3A_167, %get3A_177 : vector<16xf32>
        %mul3A_179 = arith.mulf %get3A_177, %get3A_177 : vector<16xf32>
        %add3A_180 = arith.addf %add3A_169, %mul3A_179 : vector<16xf32>
        %max3A_181 = arith.maximumf %max3A_170, %get3A_177 : vector<16xf32>
        %min3A_182 = arith.minimumf %min3A_171, %get3A_177 : vector<16xf32>
        %add3A_183 = arith.constant 15 : i32
        %add3A_184 = arith.addi %mul3A_26, %add3A_183 : i32
        %get3A_185 = arith.index_cast %add3A_184 : i32 to index
        %get3A_186 = arith.constant 0 : index
        %get3A_187 = tpu.vector_load %arg9[%get3A_185, %get3A_186] {strides = array<i32>} : memref<256x128xf32, #tpu.memory_space<vmem>>, vector<1x16xf32>,
        %get3A_188 = vector.shape_cast %get3A_187 : vector<1x16xf32> to vector<16xf32>
        %add3A_189 = arith.addf %add3A_178, %get3A_188 : vector<16xf32>
        %mul3A_190 = arith.mulf %get3A_188, %get3A_188 : vector<16xf32>
        %add3A_191 = arith.addf %add3A_180, %mul3A_190 : vector<16xf32>
        %max3A_192 = arith.maximumf %max3A_181, %get3A_188 : vector<16xf32>
        %min3A_193 = arith.minimumf %min3A_182, %get3A_188 : vector<16xf32>
        %swap3A = arith.index_cast %scan3A_24 : i32 to index
        %swap3A_194 = arith.constant 0 : index
        %swap3A_195 = tpu.vector_load %arg10[%swap3A, %swap3A_194] {strides = array<i32>} : memref<16x64xf32, #tpu.memory_space<vmem>>, vector<1x16xf32>,
        %swap3A_196 = vector.shape_cast %swap3A_195 : vector<1x16xf32> to vector<16xf32>
        %swap3A_197 = vector.shape_cast %add3A_189 : vector<16xf32> to vector<1x16xf32>
        tpu.vector_store %arg10[%swap3A, %swap3A_194], %swap3A_197 {strides = array<i32>} : memref<16x64xf32, #tpu.memory_space<vmem>>, vector<1x16xf32>,
        %swap3A_198 = arith.index_cast %scan3A_24 : i32 to index
        %swap3A_199 = arith.constant 0 : index
        %swap3A_200 = tpu.vector_load %arg11[%swap3A_198, %swap3A_199] {strides = array<i32>} : memref<16x64xf32, #tpu.memory_space<vmem>>, vector<1x16xf32>,
        %swap3A_201 = vector.shape_cast %swap3A_200 : vector<1x16xf32> to vector<16xf32>
        %swap3A_202 = vector.shape_cast %add3A_191 : vector<16xf32> to vector<1x16xf32>
        tpu.vector_store %arg11[%swap3A_198, %swap3A_199], %swap3A_202 {strides = array<i32>} : memref<16x64xf32, #tpu.memory_space<vmem>>, vector<1x16xf32>,
        %swap3A_203 = arith.index_cast %scan3A_24 : i32 to index
        %swap3A_204 = arith.constant 0 : index
        %swap3A_205 = tpu.vector_load %arg12[%swap3A_203, %swap3A_204] {strides = array<i32>} : memref<16x64xf32, #tpu.memory_space<vmem>>, vector<1x16xf32>,
        %swap3A_206 = vector.shape_cast %swap3A_205 : vector<1x16xf32> to vector<16xf32>
        %swap3A_207 = vector.shape_cast %max3A_192 : vector<16xf32> to vector<1x16xf32>
        tpu.vector_store %arg12[%swap3A_203, %swap3A_204], %swap3A_207 {strides = array<i32>} : memref<16x64xf32, #tpu.memory_space<vmem>>, vector<1x16xf32>,
        %swap3A_208 = arith.index_cast %scan3A_24 : i32 to index
        %swap3A_209 = arith.constant 0 : index
        %swap3A_210 = tpu.vector_load %arg13[%swap3A_208, %swap3A_209] {strides = array<i32>} : memref<16x64xf32, #tpu.memory_space<vmem>>, vector<1x16xf32>,
        %swap3A_211 = vector.shape_cast %swap3A_210 : vector<1x16xf32> to vector<16xf32>
        %swap3A_212 = vector.shape_cast %min3A_193 : vector<16xf32> to vector<1x16xf32>
        tpu.vector_store %arg13[%swap3A_208, %swap3A_209], %swap3A_212 {strides = array<i32>} : memref<16x64xf32, #tpu.memory_space<vmem>>, vector<1x16xf32>,
        %get3A_213 = arith.index_cast %mul3A_26 : i32 to index
        %get3A_214 = arith.constant 16 : index
        %get3A_215 = tpu.vector_load %arg9[%get3A_213, %get3A_214] {strides = array<i32>} : memref<256x128xf32, #tpu.memory_space<vmem>>, vector<1x16xf32>,
        %get3A_216 = vector.shape_cast %get3A_215 : vector<1x16xf32> to vector<16xf32>
        %mul3A_217 = arith.mulf %get3A_216, %get3A_216 : vector<16xf32>
        %add3A_218 = arith.constant 1 : i32
        %add3A_219 = arith.addi %mul3A_26, %add3A_218 : i32
        %get3A_220 = arith.index_cast %add3A_219 : i32 to index
        %get3A_221 = arith.constant 16 : index
        %get3A_222 = tpu.vector_load %arg9[%get3A_220, %get3A_221] {strides = array<i32>} : memref<256x128xf32, #tpu.memory_space<vmem>>, vector<1x16xf32>,
        %get3A_223 = vector.shape_cast %get3A_222 : vector<1x16xf32> to vector<16xf32>
        %add3A_224 = arith.addf %get3A_216, %get3A_223 : vector<16xf32>
        %mul3A_225 = arith.mulf %get3A_223, %get3A_223 : vector<16xf32>
        %add3A_226 = arith.addf %mul3A_217, %mul3A_225 : vector<16xf32>
        %max3A_227 = arith.maximumf %get3A_216, %get3A_223 : vector<16xf32>
        %min3A_228 = arith.minimumf %get3A_216, %get3A_223 : vector<16xf32>
        %add3A_229 = arith.constant 2 : i32
        %add3A_230 = arith.addi %mul3A_26, %add3A_229 : i32
        %get3A_231 = arith.index_cast %add3A_230 : i32 to index
        %get3A_232 = arith.constant 16 : index
        %get3A_233 = tpu.vector_load %arg9[%get3A_231, %get3A_232] {strides = array<i32>} : memref<256x128xf32, #tpu.memory_space<vmem>>, vector<1x16xf32>,
        %get3A_234 = vector.shape_cast %get3A_233 : vector<1x16xf32> to vector<16xf32>
        %add3A_235 = arith.addf %add3A_224, %get3A_234 : vector<16xf32>
        %mul3A_236 = arith.mulf %get3A_234, %get3A_234 : vector<16xf32>
        %add3A_237 = arith.addf %add3A_226, %mul3A_236 : vector<16xf32>
        %max3A_238 = arith.maximumf %max3A_227, %get3A_234 : vector<16xf32>
        %min3A_239 = arith.minimumf %min3A_228, %get3A_234 : vector<16xf32>
        %add3A_240 = arith.constant 3 : i32
        %add3A_241 = arith.addi %mul3A_26, %add3A_240 : i32
        %get3A_242 = arith.index_cast %add3A_241 : i32 to index
        %get3A_243 = arith.constant 16 : index
        %get3A_244 = tpu.vector_load %arg9[%get3A_242, %get3A_243] {strides = array<i32>} : memref<256x128xf32, #tpu.memory_space<vmem>>, vector<1x16xf32>,
        %get3A_245 = vector.shape_cast %get3A_244 : vector<1x16xf32> to vector<16xf32>
        %add3A_246 = arith.addf %add3A_235, %get3A_245 : vector<16xf32>
        %mul3A_247 = arith.mulf %get3A_245, %get3A_245 : vector<16xf32>
        %add3A_248 = arith.addf %add3A_237, %mul3A_247 : vector<16xf32>
        %max3A_249 = arith.maximumf %max3A_238, %get3A_245 : vector<16xf32>
        %min3A_250 = arith.minimumf %min3A_239, %get3A_245 : vector<16xf32>
        %add3A_251 = arith.constant 4 : i32
        %add3A_252 = arith.addi %mul3A_26, %add3A_251 : i32
        %get3A_253 = arith.index_cast %add3A_252 : i32 to index
        %get3A_254 = arith.constant 16 : index
        %get3A_255 = tpu.vector_load %arg9[%get3A_253, %get3A_254] {strides = array<i32>} : memref<256x128xf32, #tpu.memory_space<vmem>>, vector<1x16xf32>,
        %get3A_256 = vector.shape_cast %get3A_255 : vector<1x16xf32> to vector<16xf32>
        %add3A_257 = arith.addf %add3A_246, %get3A_256 : vector<16xf32>
        %mul3A_258 = arith.mulf %get3A_256, %get3A_256 : vector<16xf32>
        %add3A_259 = arith.addf %add3A_248, %mul3A_258 : vector<16xf32>
        %max3A_260 = arith.maximumf %max3A_249, %get3A_256 : vector<16xf32>
        %min3A_261 = arith.minimumf %min3A_250, %get3A_256 : vector<16xf32>
        %add3A_262 = arith.constant 5 : i32
        %add3A_263 = arith.addi %mul3A_26, %add3A_262 : i32
        %get3A_264 = arith.index_cast %add3A_263 : i32 to index
        %get3A_265 = arith.constant 16 : index
        %get3A_266 = tpu.vector_load %arg9[%get3A_264, %get3A_265] {strides = array<i32>} : memref<256x128xf32, #tpu.memory_space<vmem>>, vector<1x16xf32>,
        %get3A_267 = vector.shape_cast %get3A_266 : vector<1x16xf32> to vector<16xf32>
        %add3A_268 = arith.addf %add3A_257, %get3A_267 : vector<16xf32>
        %mul3A_269 = arith.mulf %get3A_267, %get3A_267 : vector<16xf32>
        %add3A_270 = arith.addf %add3A_259, %mul3A_269 : vector<16xf32>
        %max3A_271 = arith.maximumf %max3A_260, %get3A_267 : vector<16xf32>
        %min3A_272 = arith.minimumf %min3A_261, %get3A_267 : vector<16xf32>
        %add3A_273 = arith.constant 6 : i32
        %add3A_274 = arith.addi %mul3A_26, %add3A_273 : i32
        %get3A_275 = arith.index_cast %add3A_274 : i32 to index
        %get3A_276 = arith.constant 16 : index
        %get3A_277 = tpu.vector_load %arg9[%get3A_275, %get3A_276] {strides = array<i32>} : memref<256x128xf32, #tpu.memory_space<vmem>>, vector<1x16xf32>,
        %get3A_278 = vector.shape_cast %get3A_277 : vector<1x16xf32> to vector<16xf32>
        %add3A_279 = arith.addf %add3A_268, %get3A_278 : vector<16xf32>
        %mul3A_280 = arith.mulf %get3A_278, %get3A_278 : vector<16xf32>
        %add3A_281 = arith.addf %add3A_270, %mul3A_280 : vector<16xf32>
        %max3A_282 = arith.maximumf %max3A_271, %get3A_278 : vector<16xf32>
        %min3A_283 = arith.minimumf %min3A_272, %get3A_278 : vector<16xf32>
        %add3A_284 = arith.constant 7 : i32
        %add3A_285 = arith.addi %mul3A_26, %add3A_284 : i32
        %get3A_286 = arith.index_cast %add3A_285 : i32 to index
        %get3A_287 = arith.constant 16 : index
        %get3A_288 = tpu.vector_load %arg9[%get3A_286, %get3A_287] {strides = array<i32>} : memref<256x128xf32, #tpu.memory_space<vmem>>, vector<1x16xf32>,
        %get3A_289 = vector.shape_cast %get3A_288 : vector<1x16xf32> to vector<16xf32>
        %add3A_290 = arith.addf %add3A_279, %get3A_289 : vector<16xf32>
        %mul3A_291 = arith.mulf %get3A_289, %get3A_289 : vector<16xf32>
        %add3A_292 = arith.addf %add3A_281, %mul3A_291 : vector<16xf32>
        %max3A_293 = arith.maximumf %max3A_282, %get3A_289 : vector<16xf32>
        %min3A_294 = arith.minimumf %min3A_283, %get3A_289 : vector<16xf32>
        %add3A_295 = arith.constant 8 : i32
        %add3A_296 = arith.addi %mul3A_26, %add3A_295 : i32
        %get3A_297 = arith.index_cast %add3A_296 : i32 to index
        %get3A_298 = arith.constant 16 : index
        %get3A_299 = tpu.vector_load %arg9[%get3A_297, %get3A_298] {strides = array<i32>} : memref<256x128xf32, #tpu.memory_space<vmem>>, vector<1x16xf32>,
        %get3A_300 = vector.shape_cast %get3A_299 : vector<1x16xf32> to vector<16xf32>
        %add3A_301 = arith.addf %add3A_290, %get3A_300 : vector<16xf32>
        %mul3A_302 = arith.mulf %get3A_300, %get3A_300 : vector<16xf32>
        %add3A_303 = arith.addf %add3A_292, %mul3A_302 : vector<16xf32>
        %max3A_304 = arith.maximumf %max3A_293, %get3A_300 : vector<16xf32>
        %min3A_305 = arith.minimumf %min3A_294, %get3A_300 : vector<16xf32>
        %add3A_306 = arith.constant 9 : i32
        %add3A_307 = arith.addi %mul3A_26, %add3A_306 : i32
        %get3A_308 = arith.index_cast %add3A_307 : i32 to index
        %get3A_309 = arith.constant 16 : index
        %get3A_310 = tpu.vector_load %arg9[%get3A_308, %get3A_309] {strides = array<i32>} : memref<256x128xf32, #tpu.memory_space<vmem>>, vector<1x16xf32>,
        %get3A_311 = vector.shape_cast %get3A_310 : vector<1x16xf32> to vector<16xf32>
        %add3A_312 = arith.addf %add3A_301, %get3A_311 : vector<16xf32>
        %mul3A_313 = arith.mulf %get3A_311, %get3A_311 : vector<16xf32>
        %add3A_314 = arith.addf %add3A_303, %mul3A_313 : vector<16xf32>
        %max3A_315 = arith.maximumf %max3A_304, %get3A_311 : vector<16xf32>
        %min3A_316 = arith.minimumf %min3A_305, %get3A_311 : vector<16xf32>
        %add3A_317 = arith.constant 10 : i32
        %add3A_318 = arith.addi %mul3A_26, %add3A_317 : i32
        %get3A_319 = arith.index_cast %add3A_318 : i32 to index
        %get3A_320 = arith.constant 16 : index
        %get3A_321 = tpu.vector_load %arg9[%get3A_319, %get3A_320] {strides = array<i32>} : memref<256x128xf32, #tpu.memory_space<vmem>>, vector<1x16xf32>,
        %get3A_322 = vector.shape_cast %get3A_321 : vector<1x16xf32> to vector<16xf32>
        %add3A_323 = arith.addf %add3A_312, %get3A_322 : vector<16xf32>
        %mul3A_324 = arith.mulf %get3A_322, %get3A_322 : vector<16xf32>
        %add3A_325 = arith.addf %add3A_314, %mul3A_324 : vector<16xf32>
        %max3A_326 = arith.maximumf %max3A_315, %get3A_322 : vector<16xf32>
        %min3A_327 = arith.minimumf %min3A_316, %get3A_322 : vector<16xf32>
        %add3A_328 = arith.constant 11 : i32
        %add3A_329 = arith.addi %mul3A_26, %add3A_328 : i32
        %get3A_330 = arith.index_cast %add3A_329 : i32 to index
        %get3A_331 = arith.constant 16 : index
        %get3A_332 = tpu.vector_load %arg9[%get3A_330, %get3A_331] {strides = array<i32>} : memref<256x128xf32, #tpu.memory_space<vmem>>, vector<1x16xf32>,
        %get3A_333 = vector.shape_cast %get3A_332 : vector<1x16xf32> to vector<16xf32>
        %add3A_334 = arith.addf %add3A_323, %get3A_333 : vector<16xf32>
        %mul3A_335 = arith.mulf %get3A_333, %get3A_333 : vector<16xf32>
        %add3A_336 = arith.addf %add3A_325, %mul3A_335 : vector<16xf32>
        %max3A_337 = arith.maximumf %max3A_326, %get3A_333 : vector<16xf32>
        %min3A_338 = arith.minimumf %min3A_327, %get3A_333 : vector<16xf32>
        %add3A_339 = arith.constant 12 : i32
        %add3A_340 = arith.addi %mul3A_26, %add3A_339 : i32
        %get3A_341 = arith.index_cast %add3A_340 : i32 to index
        %get3A_342 = arith.constant 16 : index
        %get3A_343 = tpu.vector_load %arg9[%get3A_341, %get3A_342] {strides = array<i32>} : memref<256x128xf32, #tpu.memory_space<vmem>>, vector<1x16xf32>,
        %get3A_344 = vector.shape_cast %get3A_343 : vector<1x16xf32> to vector<16xf32>
        %add3A_345 = arith.addf %add3A_334, %get3A_344 : vector<16xf32>
        %mul3A_346 = arith.mulf %get3A_344, %get3A_344 : vector<16xf32>
        %add3A_347 = arith.addf %add3A_336, %mul3A_346 : vector<16xf32>
        %max3A_348 = arith.maximumf %max3A_337, %get3A_344 : vector<16xf32>
        %min3A_349 = arith.minimumf %min3A_338, %get3A_344 : vector<16xf32>
        %add3A_350 = arith.constant 13 : i32
        %add3A_351 = arith.addi %mul3A_26, %add3A_350 : i32
        %get3A_352 = arith.index_cast %add3A_351 : i32 to index
        %get3A_353 = arith.constant 16 : index
        %get3A_354 = tpu.vector_load %arg9[%get3A_352, %get3A_353] {strides = array<i32>} : memref<256x128xf32, #tpu.memory_space<vmem>>, vector<1x16xf32>,
        %get3A_355 = vector.shape_cast %get3A_354 : vector<1x16xf32> to vector<16xf32>
        %add3A_356 = arith.addf %add3A_345, %get3A_355 : vector<16xf32>
        %mul3A_357 = arith.mulf %get3A_355, %get3A_355 : vector<16xf32>
        %add3A_358 = arith.addf %add3A_347, %mul3A_357 : vector<16xf32>
        %max3A_359 = arith.maximumf %max3A_348, %get3A_355 : vector<16xf32>
        %min3A_360 = arith.minimumf %min3A_349, %get3A_355 : vector<16xf32>
        %add3A_361 = arith.constant 14 : i32
        %add3A_362 = arith.addi %mul3A_26, %add3A_361 : i32
        %get3A_363 = arith.index_cast %add3A_362 : i32 to index
        %get3A_364 = arith.constant 16 : index
        %get3A_365 = tpu.vector_load %arg9[%get3A_363, %get3A_364] {strides = array<i32>} : memref<256x128xf32, #tpu.memory_space<vmem>>, vector<1x16xf32>,
        %get3A_366 = vector.shape_cast %get3A_365 : vector<1x16xf32> to vector<16xf32>
        %add3A_367 = arith.addf %add3A_356, %get3A_366 : vector<16xf32>
        %mul3A_368 = arith.mulf %get3A_366, %get3A_366 : vector<16xf32>
        %add3A_369 = arith.addf %add3A_358, %mul3A_368 : vector<16xf32>
        %max3A_370 = arith.maximumf %max3A_359, %get3A_366 : vector<16xf32>
        %min3A_371 = arith.minimumf %min3A_360, %get3A_366 : vector<16xf32>
        %add3A_372 = arith.constant 15 : i32
        %add3A_373 = arith.addi %mul3A_26, %add3A_372 : i32
        %get3A_374 = arith.index_cast %add3A_373 : i32 to index
        %get3A_375 = arith.constant 16 : index
        %get3A_376 = tpu.vector_load %arg9[%get3A_374, %get3A_375] {strides = array<i32>} : memref<256x128xf32, #tpu.memory_space<vmem>>, vector<1x16xf32>,
        %get3A_377 = vector.shape_cast %get3A_376 : vector<1x16xf32> to vector<16xf32>
        %add3A_378 = arith.addf %add3A_367, %get3A_377 : vector<16xf32>
        %mul3A_379 = arith.mulf %get3A_377, %get3A_377 : vector<16xf32>
        %add3A_380 = arith.addf %add3A_369, %mul3A_379 : vector<16xf32>
        %max3A_381 = arith.maximumf %max3A_370, %get3A_377 : vector<16xf32>
        %min3A_382 = arith.minimumf %min3A_371, %get3A_377 : vector<16xf32>
        %swap3A_383 = arith.index_cast %scan3A_24 : i32 to index
        %swap3A_384 = arith.constant 16 : index
        %swap3A_385 = tpu.vector_load %arg10[%swap3A_383, %swap3A_384] {strides = array<i32>} : memref<16x64xf32, #tpu.memory_space<vmem>>, vector<1x16xf32>,
        %swap3A_386 = vector.shape_cast %swap3A_385 : vector<1x16xf32> to vector<16xf32>
        %swap3A_387 = vector.shape_cast %add3A_378 : vector<16xf32> to vector<1x16xf32>
        tpu.vector_store %arg10[%swap3A_383, %swap3A_384], %swap3A_387 {strides = array<i32>} : memref<16x64xf32, #tpu.memory_space<vmem>>, vector<1x16xf32>,
        %swap3A_388 = arith.index_cast %scan3A_24 : i32 to index
        %swap3A_389 = arith.constant 16 : index
        %swap3A_390 = tpu.vector_load %arg11[%swap3A_388, %swap3A_389] {strides = array<i32>} : memref<16x64xf32, #tpu.memory_space<vmem>>, vector<1x16xf32>,
        %swap3A_391 = vector.shape_cast %swap3A_390 : vector<1x16xf32> to vector<16xf32>
        %swap3A_392 = vector.shape_cast %add3A_380 : vector<16xf32> to vector<1x16xf32>
        tpu.vector_store %arg11[%swap3A_388, %swap3A_389], %swap3A_392 {strides = array<i32>} : memref<16x64xf32, #tpu.memory_space<vmem>>, vector<1x16xf32>,
        %swap3A_393 = arith.index_cast %scan3A_24 : i32 to index
        %swap3A_394 = arith.constant 16 : index
        %swap3A_395 = tpu.vector_load %arg12[%swap3A_393, %swap3A_394] {strides = array<i32>} : memref<16x64xf32, #tpu.memory_space<vmem>>, vector<1x16xf32>,
        %swap3A_396 = vector.shape_cast %swap3A_395 : vector<1x16xf32> to vector<16xf32>
        %swap3A_397 = vector.shape_cast %max3A_381 : vector<16xf32> to vector<1x16xf32>
        tpu.vector_store %arg12[%swap3A_393, %swap3A_394], %swap3A_397 {strides = array<i32>} : memref<16x64xf32, #tpu.memory_space<vmem>>, vector<1x16xf32>,
        %swap3A_398 = arith.index_cast %scan3A_24 : i32 to index
        %swap3A_399 = arith.constant 16 : index
        %swap3A_400 = tpu.vector_load %arg13[%swap3A_398, %swap3A_399] {strides = array<i32>} : memref<16x64xf32, #tpu.memory_space<vmem>>, vector<1x16xf32>,
        %swap3A_401 = vector.shape_cast %swap3A_400 : vector<1x16xf32> to vector<16xf32>
        %swap3A_402 = vector.shape_cast %min3A_382 : vector<16xf32> to vector<1x16xf32>
        tpu.vector_store %arg13[%swap3A_398, %swap3A_399], %swap3A_402 {strides = array<i32>} : memref<16x64xf32, #tpu.memory_space<vmem>>, vector<1x16xf32>,
        %get3A_403 = arith.index_cast %mul3A_26 : i32 to index
        %get3A_404 = arith.constant 32 : index
        %get3A_405 = tpu.vector_load %arg9[%get3A_403, %get3A_404] {strides = array<i32>} : memref<256x128xf32, #tpu.memory_space<vmem>>, vector<1x16xf32>,
        %get3A_406 = vector.shape_cast %get3A_405 : vector<1x16xf32> to vector<16xf32>
        %mul3A_407 = arith.mulf %get3A_406, %get3A_406 : vector<16xf32>
        %add3A_408 = arith.constant 1 : i32
        %add3A_409 = arith.addi %mul3A_26, %add3A_408 : i32
        %get3A_410 = arith.index_cast %add3A_409 : i32 to index
        %get3A_411 = arith.constant 32 : index
        %get3A_412 = tpu.vector_load %arg9[%get3A_410, %get3A_411] {strides = array<i32>} : memref<256x128xf32, #tpu.memory_space<vmem>>, vector<1x16xf32>,
        %get3A_413 = vector.shape_cast %get3A_412 : vector<1x16xf32> to vector<16xf32>
        %add3A_414 = arith.addf %get3A_406, %get3A_413 : vector<16xf32>
        %mul3A_415 = arith.mulf %get3A_413, %get3A_413 : vector<16xf32>
        %add3A_416 = arith.addf %mul3A_407, %mul3A_415 : vector<16xf32>
        %max3A_417 = arith.maximumf %get3A_406, %get3A_413 : vector<16xf32>
        %min3A_418 = arith.minimumf %get3A_406, %get3A_413 : vector<16xf32>
        %add3A_419 = arith.constant 2 : i32
        %add3A_420 = arith.addi %mul3A_26, %add3A_419 : i32
        %get3A_421 = arith.index_cast %add3A_420 : i32 to index
        %get3A_422 = arith.constant 32 : index
        %get3A_423 = tpu.vector_load %arg9[%get3A_421, %get3A_422] {strides = array<i32>} : memref<256x128xf32, #tpu.memory_space<vmem>>, vector<1x16xf32>,
        %get3A_424 = vector.shape_cast %get3A_423 : vector<1x16xf32> to vector<16xf32>
        %add3A_425 = arith.addf %add3A_414, %get3A_424 : vector<16xf32>
        %mul3A_426 = arith.mulf %get3A_424, %get3A_424 : vector<16xf32>
        %add3A_427 = arith.addf %add3A_416, %mul3A_426 : vector<16xf32>
        %max3A_428 = arith.maximumf %max3A_417, %get3A_424 : vector<16xf32>
        %min3A_429 = arith.minimumf %min3A_418, %get3A_424 : vector<16xf32>
        %add3A_430 = arith.constant 3 : i32
        %add3A_431 = arith.addi %mul3A_26, %add3A_430 : i32
        %get3A_432 = arith.index_cast %add3A_431 : i32 to index
        %get3A_433 = arith.constant 32 : index
        %get3A_434 = tpu.vector_load %arg9[%get3A_432, %get3A_433] {strides = array<i32>} : memref<256x128xf32, #tpu.memory_space<vmem>>, vector<1x16xf32>,
        %get3A_435 = vector.shape_cast %get3A_434 : vector<1x16xf32> to vector<16xf32>
        %add3A_436 = arith.addf %add3A_425, %get3A_435 : vector<16xf32>
        %mul3A_437 = arith.mulf %get3A_435, %get3A_435 : vector<16xf32>
        %add3A_438 = arith.addf %add3A_427, %mul3A_437 : vector<16xf32>
        %max3A_439 = arith.maximumf %max3A_428, %get3A_435 : vector<16xf32>
        %min3A_440 = arith.minimumf %min3A_429, %get3A_435 : vector<16xf32>
        %add3A_441 = arith.constant 4 : i32
        %add3A_442 = arith.addi %mul3A_26, %add3A_441 : i32
        %get3A_443 = arith.index_cast %add3A_442 : i32 to index
        %get3A_444 = arith.constant 32 : index
        %get3A_445 = tpu.vector_load %arg9[%get3A_443, %get3A_444] {strides = array<i32>} : memref<256x128xf32, #tpu.memory_space<vmem>>, vector<1x16xf32>,
        %get3A_446 = vector.shape_cast %get3A_445 : vector<1x16xf32> to vector<16xf32>
        %add3A_447 = arith.addf %add3A_436, %get3A_446 : vector<16xf32>
        %mul3A_448 = arith.mulf %get3A_446, %get3A_446 : vector<16xf32>
        %add3A_449 = arith.addf %add3A_438, %mul3A_448 : vector<16xf32>
        %max3A_450 = arith.maximumf %max3A_439, %get3A_446 : vector<16xf32>
        %min3A_451 = arith.minimumf %min3A_440, %get3A_446 : vector<16xf32>
        %add3A_452 = arith.constant 5 : i32
        %add3A_453 = arith.addi %mul3A_26, %add3A_452 : i32
        %get3A_454 = arith.index_cast %add3A_453 : i32 to index
        %get3A_455 = arith.constant 32 : index
        %get3A_456 = tpu.vector_load %arg9[%get3A_454, %get3A_455] {strides = array<i32>} : memref<256x128xf32, #tpu.memory_space<vmem>>, vector<1x16xf32>,
        %get3A_457 = vector.shape_cast %get3A_456 : vector<1x16xf32> to vector<16xf32>
        %add3A_458 = arith.addf %add3A_447, %get3A_457 : vector<16xf32>
        %mul3A_459 = arith.mulf %get3A_457, %get3A_457 : vector<16xf32>
        %add3A_460 = arith.addf %add3A_449, %mul3A_459 : vector<16xf32>
        %max3A_461 = arith.maximumf %max3A_450, %get3A_457 : vector<16xf32>
        %min3A_462 = arith.minimumf %min3A_451, %get3A_457 : vector<16xf32>
        %add3A_463 = arith.constant 6 : i32
        %add3A_464 = arith.addi %mul3A_26, %add3A_463 : i32
        %get3A_465 = arith.index_cast %add3A_464 : i32 to index
        %get3A_466 = arith.constant 32 : index
        %get3A_467 = tpu.vector_load %arg9[%get3A_465, %get3A_466] {strides = array<i32>} : memref<256x128xf32, #tpu.memory_space<vmem>>, vector<1x16xf32>,
        %get3A_468 = vector.shape_cast %get3A_467 : vector<1x16xf32> to vector<16xf32>
        %add3A_469 = arith.addf %add3A_458, %get3A_468 : vector<16xf32>
        %mul3A_470 = arith.mulf %get3A_468, %get3A_468 : vector<16xf32>
        %add3A_471 = arith.addf %add3A_460, %mul3A_470 : vector<16xf32>
        %max3A_472 = arith.maximumf %max3A_461, %get3A_468 : vector<16xf32>
        %min3A_473 = arith.minimumf %min3A_462, %get3A_468 : vector<16xf32>
        %add3A_474 = arith.constant 7 : i32
        %add3A_475 = arith.addi %mul3A_26, %add3A_474 : i32
        %get3A_476 = arith.index_cast %add3A_475 : i32 to index
        %get3A_477 = arith.constant 32 : index
        %get3A_478 = tpu.vector_load %arg9[%get3A_476, %get3A_477] {strides = array<i32>} : memref<256x128xf32, #tpu.memory_space<vmem>>, vector<1x16xf32>,
        %get3A_479 = vector.shape_cast %get3A_478 : vector<1x16xf32> to vector<16xf32>
        %add3A_480 = arith.addf %add3A_469, %get3A_479 : vector<16xf32>
        %mul3A_481 = arith.mulf %get3A_479, %get3A_479 : vector<16xf32>
        %add3A_482 = arith.addf %add3A_471, %mul3A_481 : vector<16xf32>
        %max3A_483 = arith.maximumf %max3A_472, %get3A_479 : vector<16xf32>
        %min3A_484 = arith.minimumf %min3A_473, %get3A_479 : vector<16xf32>
        %add3A_485 = arith.constant 8 : i32
        %add3A_486 = arith.addi %mul3A_26, %add3A_485 : i32
        %get3A_487 = arith.index_cast %add3A_486 : i32 to index
        %get3A_488 = arith.constant 32 : index
        %get3A_489 = tpu.vector_load %arg9[%get3A_487, %get3A_488] {strides = array<i32>} : memref<256x128xf32, #tpu.memory_space<vmem>>, vector<1x16xf32>,
        %get3A_490 = vector.shape_cast %get3A_489 : vector<1x16xf32> to vector<16xf32>
        %add3A_491 = arith.addf %add3A_480, %get3A_490 : vector<16xf32>
        %mul3A_492 = arith.mulf %get3A_490, %get3A_490 : vector<16xf32>
        %add3A_493 = arith.addf %add3A_482, %mul3A_492 : vector<16xf32>
        %max3A_494 = arith.maximumf %max3A_483, %get3A_490 : vector<16xf32>
        %min3A_495 = arith.minimumf %min3A_484, %get3A_490 : vector<16xf32>
        %add3A_496 = arith.constant 9 : i32
        %add3A_497 = arith.addi %mul3A_26, %add3A_496 : i32
        %get3A_498 = arith.index_cast %add3A_497 : i32 to index
        %get3A_499 = arith.constant 32 : index
        %get3A_500 = tpu.vector_load %arg9[%get3A_498, %get3A_499] {strides = array<i32>} : memref<256x128xf32, #tpu.memory_space<vmem>>, vector<1x16xf32>,
        %get3A_501 = vector.shape_cast %get3A_500 : vector<1x16xf32> to vector<16xf32>
        %add3A_502 = arith.addf %add3A_491, %get3A_501 : vector<16xf32>
        %mul3A_503 = arith.mulf %get3A_501, %get3A_501 : vector<16xf32>
        %add3A_504 = arith.addf %add3A_493, %mul3A_503 : vector<16xf32>
        %max3A_505 = arith.maximumf %max3A_494, %get3A_501 : vector<16xf32>
        %min3A_506 = arith.minimumf %min3A_495, %get3A_501 : vector<16xf32>
        %add3A_507 = arith.constant 10 : i32
        %add3A_508 = arith.addi %mul3A_26, %add3A_507 : i32
        %get3A_509 = arith.index_cast %add3A_508 : i32 to index
        %get3A_510 = arith.constant 32 : index
        %get3A_511 = tpu.vector_load %arg9[%get3A_509, %get3A_510] {strides = array<i32>} : memref<256x128xf32, #tpu.memory_space<vmem>>, vector<1x16xf32>,
        %get3A_512 = vector.shape_cast %get3A_511 : vector<1x16xf32> to vector<16xf32>
        %add3A_513 = arith.addf %add3A_502, %get3A_512 : vector<16xf32>
        %mul3A_514 = arith.mulf %get3A_512, %get3A_512 : vector<16xf32>
        %add3A_515 = arith.addf %add3A_504, %mul3A_514 : vector<16xf32>
        %max3A_516 = arith.maximumf %max3A_505, %get3A_512 : vector<16xf32>
        %min3A_517 = arith.minimumf %min3A_506, %get3A_512 : vector<16xf32>
        %add3A_518 = arith.constant 11 : i32
        %add3A_519 = arith.addi %mul3A_26, %add3A_518 : i32
        %get3A_520 = arith.index_cast %add3A_519 : i32 to index
        %get3A_521 = arith.constant 32 : index
        %get3A_522 = tpu.vector_load %arg9[%get3A_520, %get3A_521] {strides = array<i32>} : memref<256x128xf32, #tpu.memory_space<vmem>>, vector<1x16xf32>,
        %get3A_523 = vector.shape_cast %get3A_522 : vector<1x16xf32> to vector<16xf32>
        %add3A_524 = arith.addf %add3A_513, %get3A_523 : vector<16xf32>
        %mul3A_525 = arith.mulf %get3A_523, %get3A_523 : vector<16xf32>
        %add3A_526 = arith.addf %add3A_515, %mul3A_525 : vector<16xf32>
        %max3A_527 = arith.maximumf %max3A_516, %get3A_523 : vector<16xf32>
        %min3A_528 = arith.minimumf %min3A_517, %get3A_523 : vector<16xf32>
        %add3A_529 = arith.constant 12 : i32
        %add3A_530 = arith.addi %mul3A_26, %add3A_529 : i32
        %get3A_531 = arith.index_cast %add3A_530 : i32 to index
        %get3A_532 = arith.constant 32 : index
        %get3A_533 = tpu.vector_load %arg9[%get3A_531, %get3A_532] {strides = array<i32>} : memref<256x128xf32, #tpu.memory_space<vmem>>, vector<1x16xf32>,
        %get3A_534 = vector.shape_cast %get3A_533 : vector<1x16xf32> to vector<16xf32>
        %add3A_535 = arith.addf %add3A_524, %get3A_534 : vector<16xf32>
        %mul3A_536 = arith.mulf %get3A_534, %get3A_534 : vector<16xf32>
        %add3A_537 = arith.addf %add3A_526, %mul3A_536 : vector<16xf32>
        %max3A_538 = arith.maximumf %max3A_527, %get3A_534 : vector<16xf32>
        %min3A_539 = arith.minimumf %min3A_528, %get3A_534 : vector<16xf32>
        %add3A_540 = arith.constant 13 : i32
        %add3A_541 = arith.addi %mul3A_26, %add3A_540 : i32
        %get3A_542 = arith.index_cast %add3A_541 : i32 to index
        %get3A_543 = arith.constant 32 : index
        %get3A_544 = tpu.vector_load %arg9[%get3A_542, %get3A_543] {strides = array<i32>} : memref<256x128xf32, #tpu.memory_space<vmem>>, vector<1x16xf32>,
        %get3A_545 = vector.shape_cast %get3A_544 : vector<1x16xf32> to vector<16xf32>
        %add3A_546 = arith.addf %add3A_535, %get3A_545 : vector<16xf32>
        %mul3A_547 = arith.mulf %get3A_545, %get3A_545 : vector<16xf32>
        %add3A_548 = arith.addf %add3A_537, %mul3A_547 : vector<16xf32>
        %max3A_549 = arith.maximumf %max3A_538, %get3A_545 : vector<16xf32>
        %min3A_550 = arith.minimumf %min3A_539, %get3A_545 : vector<16xf32>
        %add3A_551 = arith.constant 14 : i32
        %add3A_552 = arith.addi %mul3A_26, %add3A_551 : i32
        %get3A_553 = arith.index_cast %add3A_552 : i32 to index
        %get3A_554 = arith.constant 32 : index
        %get3A_555 = tpu.vector_load %arg9[%get3A_553, %get3A_554] {strides = array<i32>} : memref<256x128xf32, #tpu.memory_space<vmem>>, vector<1x16xf32>,
        %get3A_556 = vector.shape_cast %get3A_555 : vector<1x16xf32> to vector<16xf32>
        %add3A_557 = arith.addf %add3A_546, %get3A_556 : vector<16xf32>
        %mul3A_558 = arith.mulf %get3A_556, %get3A_556 : vector<16xf32>
        %add3A_559 = arith.addf %add3A_548, %mul3A_558 : vector<16xf32>
        %max3A_560 = arith.maximumf %max3A_549, %get3A_556 : vector<16xf32>
        %min3A_561 = arith.minimumf %min3A_550, %get3A_556 : vector<16xf32>
        %add3A_562 = arith.constant 15 : i32
        %add3A_563 = arith.addi %mul3A_26, %add3A_562 : i32
        %get3A_564 = arith.index_cast %add3A_563 : i32 to index
        %get3A_565 = arith.constant 32 : index
        %get3A_566 = tpu.vector_load %arg9[%get3A_564, %get3A_565] {strides = array<i32>} : memref<256x128xf32, #tpu.memory_space<vmem>>, vector<1x16xf32>,
        %get3A_567 = vector.shape_cast %get3A_566 : vector<1x16xf32> to vector<16xf32>
        %add3A_568 = arith.addf %add3A_557, %get3A_567 : vector<16xf32>
        %mul3A_569 = arith.mulf %get3A_567, %get3A_567 : vector<16xf32>
        %add3A_570 = arith.addf %add3A_559, %mul3A_569 : vector<16xf32>
        %max3A_571 = arith.maximumf %max3A_560, %get3A_567 : vector<16xf32>
        %min3A_572 = arith.minimumf %min3A_561, %get3A_567 : vector<16xf32>
        %swap3A_573 = arith.index_cast %scan3A_24 : i32 to index
        %swap3A_574 = arith.constant 32 : index
        %swap3A_575 = tpu.vector_load %arg10[%swap3A_573, %swap3A_574] {strides = array<i32>} : memref<16x64xf32, #tpu.memory_space<vmem>>, vector<1x16xf32>,
        %swap3A_576 = vector.shape_cast %swap3A_575 : vector<1x16xf32> to vector<16xf32>
        %swap3A_577 = vector.shape_cast %add3A_568 : vector<16xf32> to vector<1x16xf32>
        tpu.vector_store %arg10[%swap3A_573, %swap3A_574], %swap3A_577 {strides = array<i32>} : memref<16x64xf32, #tpu.memory_space<vmem>>, vector<1x16xf32>,
        %swap3A_578 = arith.index_cast %scan3A_24 : i32 to index
        %swap3A_579 = arith.constant 32 : index
        %swap3A_580 = tpu.vector_load %arg11[%swap3A_578, %swap3A_579] {strides = array<i32>} : memref<16x64xf32, #tpu.memory_space<vmem>>, vector<1x16xf32>,
        %swap3A_581 = vector.shape_cast %swap3A_580 : vector<1x16xf32> to vector<16xf32>
        %swap3A_582 = vector.shape_cast %add3A_570 : vector<16xf32> to vector<1x16xf32>
        tpu.vector_store %arg11[%swap3A_578, %swap3A_579], %swap3A_582 {strides = array<i32>} : memref<16x64xf32, #tpu.memory_space<vmem>>, vector<1x16xf32>,
        %swap3A_583 = arith.index_cast %scan3A_24 : i32 to index
        %swap3A_584 = arith.constant 32 : index
        %swap3A_585 = tpu.vector_load %arg12[%swap3A_583, %swap3A_584] {strides = array<i32>} : memref<16x64xf32, #tpu.memory_space<vmem>>, vector<1x16xf32>,
        %swap3A_586 = vector.shape_cast %swap3A_585 : vector<1x16xf32> to vector<16xf32>
        %swap3A_587 = vector.shape_cast %max3A_571 : vector<16xf32> to vector<1x16xf32>
        tpu.vector_store %arg12[%swap3A_583, %swap3A_584], %swap3A_587 {strides = array<i32>} : memref<16x64xf32, #tpu.memory_space<vmem>>, vector<1x16xf32>,
        %swap3A_588 = arith.index_cast %scan3A_24 : i32 to index
        %swap3A_589 = arith.constant 32 : index
        %swap3A_590 = tpu.vector_load %arg13[%swap3A_588, %swap3A_589] {strides = array<i32>} : memref<16x64xf32, #tpu.memory_space<vmem>>, vector<1x16xf32>,
        %swap3A_591 = vector.shape_cast %swap3A_590 : vector<1x16xf32> to vector<16xf32>
        %swap3A_592 = vector.shape_cast %min3A_572 : vector<16xf32> to vector<1x16xf32>
        tpu.vector_store %arg13[%swap3A_588, %swap3A_589], %swap3A_592 {strides = array<i32>} : memref<16x64xf32, #tpu.memory_space<vmem>>, vector<1x16xf32>,
        %get3A_593 = arith.index_cast %mul3A_26 : i32 to index
        %get3A_594 = arith.constant 48 : index
        %get3A_595 = tpu.vector_load %arg9[%get3A_593, %get3A_594] {strides = array<i32>} : memref<256x128xf32, #tpu.memory_space<vmem>>, vector<1x16xf32>,
        %get3A_596 = vector.shape_cast %get3A_595 : vector<1x16xf32> to vector<16xf32>
        %mul3A_597 = arith.mulf %get3A_596, %get3A_596 : vector<16xf32>
        %add3A_598 = arith.constant 1 : i32
        %add3A_599 = arith.addi %mul3A_26, %add3A_598 : i32
        %get3A_600 = arith.index_cast %add3A_599 : i32 to index
        %get3A_601 = arith.constant 48 : index
        %get3A_602 = tpu.vector_load %arg9[%get3A_600, %get3A_601] {strides = array<i32>} : memref<256x128xf32, #tpu.memory_space<vmem>>, vector<1x16xf32>,
        %get3A_603 = vector.shape_cast %get3A_602 : vector<1x16xf32> to vector<16xf32>
        %add3A_604 = arith.addf %get3A_596, %get3A_603 : vector<16xf32>
        %mul3A_605 = arith.mulf %get3A_603, %get3A_603 : vector<16xf32>
        %add3A_606 = arith.addf %mul3A_597, %mul3A_605 : vector<16xf32>
        %max3A_607 = arith.maximumf %get3A_596, %get3A_603 : vector<16xf32>
        %min3A_608 = arith.minimumf %get3A_596, %get3A_603 : vector<16xf32>
        %add3A_609 = arith.constant 2 : i32
        %add3A_610 = arith.addi %mul3A_26, %add3A_609 : i32
        %get3A_611 = arith.index_cast %add3A_610 : i32 to index
        %get3A_612 = arith.constant 48 : index
        %get3A_613 = tpu.vector_load %arg9[%get3A_611, %get3A_612] {strides = array<i32>} : memref<256x128xf32, #tpu.memory_space<vmem>>, vector<1x16xf32>,
        %get3A_614 = vector.shape_cast %get3A_613 : vector<1x16xf32> to vector<16xf32>
        %add3A_615 = arith.addf %add3A_604, %get3A_614 : vector<16xf32>
        %mul3A_616 = arith.mulf %get3A_614, %get3A_614 : vector<16xf32>
        %add3A_617 = arith.addf %add3A_606, %mul3A_616 : vector<16xf32>
        %max3A_618 = arith.maximumf %max3A_607, %get3A_614 : vector<16xf32>
        %min3A_619 = arith.minimumf %min3A_608, %get3A_614 : vector<16xf32>
        %add3A_620 = arith.constant 3 : i32
        %add3A_621 = arith.addi %mul3A_26, %add3A_620 : i32
        %get3A_622 = arith.index_cast %add3A_621 : i32 to index
        %get3A_623 = arith.constant 48 : index
        %get3A_624 = tpu.vector_load %arg9[%get3A_622, %get3A_623] {strides = array<i32>} : memref<256x128xf32, #tpu.memory_space<vmem>>, vector<1x16xf32>,
        %get3A_625 = vector.shape_cast %get3A_624 : vector<1x16xf32> to vector<16xf32>
        %add3A_626 = arith.addf %add3A_615, %get3A_625 : vector<16xf32>
        %mul3A_627 = arith.mulf %get3A_625, %get3A_625 : vector<16xf32>
        %add3A_628 = arith.addf %add3A_617, %mul3A_627 : vector<16xf32>
        %max3A_629 = arith.maximumf %max3A_618, %get3A_625 : vector<16xf32>
        %min3A_630 = arith.minimumf %min3A_619, %get3A_625 : vector<16xf32>
        %add3A_631 = arith.constant 4 : i32
        %add3A_632 = arith.addi %mul3A_26, %add3A_631 : i32
        %get3A_633 = arith.index_cast %add3A_632 : i32 to index
        %get3A_634 = arith.constant 48 : index
        %get3A_635 = tpu.vector_load %arg9[%get3A_633, %get3A_634] {strides = array<i32>} : memref<256x128xf32, #tpu.memory_space<vmem>>, vector<1x16xf32>,
        %get3A_636 = vector.shape_cast %get3A_635 : vector<1x16xf32> to vector<16xf32>
        %add3A_637 = arith.addf %add3A_626, %get3A_636 : vector<16xf32>
        %mul3A_638 = arith.mulf %get3A_636, %get3A_636 : vector<16xf32>
        %add3A_639 = arith.addf %add3A_628, %mul3A_638 : vector<16xf32>
        %max3A_640 = arith.maximumf %max3A_629, %get3A_636 : vector<16xf32>
        %min3A_641 = arith.minimumf %min3A_630, %get3A_636 : vector<16xf32>
        %add3A_642 = arith.constant 5 : i32
        %add3A_643 = arith.addi %mul3A_26, %add3A_642 : i32
        %get3A_644 = arith.index_cast %add3A_643 : i32 to index
        %get3A_645 = arith.constant 48 : index
        %get3A_646 = tpu.vector_load %arg9[%get3A_644, %get3A_645] {strides = array<i32>} : memref<256x128xf32, #tpu.memory_space<vmem>>, vector<1x16xf32>,
        %get3A_647 = vector.shape_cast %get3A_646 : vector<1x16xf32> to vector<16xf32>
        %add3A_648 = arith.addf %add3A_637, %get3A_647 : vector<16xf32>
        %mul3A_649 = arith.mulf %get3A_647, %get3A_647 : vector<16xf32>
        %add3A_650 = arith.addf %add3A_639, %mul3A_649 : vector<16xf32>
        %max3A_651 = arith.maximumf %max3A_640, %get3A_647 : vector<16xf32>
        %min3A_652 = arith.minimumf %min3A_641, %get3A_647 : vector<16xf32>
        %add3A_653 = arith.constant 6 : i32
        %add3A_654 = arith.addi %mul3A_26, %add3A_653 : i32
        %get3A_655 = arith.index_cast %add3A_654 : i32 to index
        %get3A_656 = arith.constant 48 : index
        %get3A_657 = tpu.vector_load %arg9[%get3A_655, %get3A_656] {strides = array<i32>} : memref<256x128xf32, #tpu.memory_space<vmem>>, vector<1x16xf32>,
        %get3A_658 = vector.shape_cast %get3A_657 : vector<1x16xf32> to vector<16xf32>
        %add3A_659 = arith.addf %add3A_648, %get3A_658 : vector<16xf32>
        %mul3A_660 = arith.mulf %get3A_658, %get3A_658 : vector<16xf32>
        %add3A_661 = arith.addf %add3A_650, %mul3A_660 : vector<16xf32>
        %max3A_662 = arith.maximumf %max3A_651, %get3A_658 : vector<16xf32>
        %min3A_663 = arith.minimumf %min3A_652, %get3A_658 : vector<16xf32>
        %add3A_664 = arith.constant 7 : i32
        %add3A_665 = arith.addi %mul3A_26, %add3A_664 : i32
        %get3A_666 = arith.index_cast %add3A_665 : i32 to index
        %get3A_667 = arith.constant 48 : index
        %get3A_668 = tpu.vector_load %arg9[%get3A_666, %get3A_667] {strides = array<i32>} : memref<256x128xf32, #tpu.memory_space<vmem>>, vector<1x16xf32>,
        %get3A_669 = vector.shape_cast %get3A_668 : vector<1x16xf32> to vector<16xf32>
        %add3A_670 = arith.addf %add3A_659, %get3A_669 : vector<16xf32>
        %mul3A_671 = arith.mulf %get3A_669, %get3A_669 : vector<16xf32>
        %add3A_672 = arith.addf %add3A_661, %mul3A_671 : vector<16xf32>
        %max3A_673 = arith.maximumf %max3A_662, %get3A_669 : vector<16xf32>
        %min3A_674 = arith.minimumf %min3A_663, %get3A_669 : vector<16xf32>
        %add3A_675 = arith.constant 8 : i32
        %add3A_676 = arith.addi %mul3A_26, %add3A_675 : i32
        %get3A_677 = arith.index_cast %add3A_676 : i32 to index
        %get3A_678 = arith.constant 48 : index
        %get3A_679 = tpu.vector_load %arg9[%get3A_677, %get3A_678] {strides = array<i32>} : memref<256x128xf32, #tpu.memory_space<vmem>>, vector<1x16xf32>,
        %get3A_680 = vector.shape_cast %get3A_679 : vector<1x16xf32> to vector<16xf32>
        %add3A_681 = arith.addf %add3A_670, %get3A_680 : vector<16xf32>
        %mul3A_682 = arith.mulf %get3A_680, %get3A_680 : vector<16xf32>
        %add3A_683 = arith.addf %add3A_672, %mul3A_682 : vector<16xf32>
        %max3A_684 = arith.maximumf %max3A_673, %get3A_680 : vector<16xf32>
        %min3A_685 = arith.minimumf %min3A_674, %get3A_680 : vector<16xf32>
        %add3A_686 = arith.constant 9 : i32
        %add3A_687 = arith.addi %mul3A_26, %add3A_686 : i32
        %get3A_688 = arith.index_cast %add3A_687 : i32 to index
        %get3A_689 = arith.constant 48 : index
        %get3A_690 = tpu.vector_load %arg9[%get3A_688, %get3A_689] {strides = array<i32>} : memref<256x128xf32, #tpu.memory_space<vmem>>, vector<1x16xf32>,
        %get3A_691 = vector.shape_cast %get3A_690 : vector<1x16xf32> to vector<16xf32>
        %add3A_692 = arith.addf %add3A_681, %get3A_691 : vector<16xf32>
        %mul3A_693 = arith.mulf %get3A_691, %get3A_691 : vector<16xf32>
        %add3A_694 = arith.addf %add3A_683, %mul3A_693 : vector<16xf32>
        %max3A_695 = arith.maximumf %max3A_684, %get3A_691 : vector<16xf32>
        %min3A_696 = arith.minimumf %min3A_685, %get3A_691 : vector<16xf32>
        %add3A_697 = arith.constant 10 : i32
        %add3A_698 = arith.addi %mul3A_26, %add3A_697 : i32
        %get3A_699 = arith.index_cast %add3A_698 : i32 to index
        %get3A_700 = arith.constant 48 : index
        %get3A_701 = tpu.vector_load %arg9[%get3A_699, %get3A_700] {strides = array<i32>} : memref<256x128xf32, #tpu.memory_space<vmem>>, vector<1x16xf32>,
        %get3A_702 = vector.shape_cast %get3A_701 : vector<1x16xf32> to vector<16xf32>
        %add3A_703 = arith.addf %add3A_692, %get3A_702 : vector<16xf32>
        %mul3A_704 = arith.mulf %get3A_702, %get3A_702 : vector<16xf32>
        %add3A_705 = arith.addf %add3A_694, %mul3A_704 : vector<16xf32>
        %max3A_706 = arith.maximumf %max3A_695, %get3A_702 : vector<16xf32>
        %min3A_707 = arith.minimumf %min3A_696, %get3A_702 : vector<16xf32>
        %add3A_708 = arith.constant 11 : i32
        %add3A_709 = arith.addi %mul3A_26, %add3A_708 : i32
        %get3A_710 = arith.index_cast %add3A_709 : i32 to index
        %get3A_711 = arith.constant 48 : index
        %get3A_712 = tpu.vector_load %arg9[%get3A_710, %get3A_711] {strides = array<i32>} : memref<256x128xf32, #tpu.memory_space<vmem>>, vector<1x16xf32>,
        %get3A_713 = vector.shape_cast %get3A_712 : vector<1x16xf32> to vector<16xf32>
        %add3A_714 = arith.addf %add3A_703, %get3A_713 : vector<16xf32>
        %mul3A_715 = arith.mulf %get3A_713, %get3A_713 : vector<16xf32>
        %add3A_716 = arith.addf %add3A_705, %mul3A_715 : vector<16xf32>
        %max3A_717 = arith.maximumf %max3A_706, %get3A_713 : vector<16xf32>
        %min3A_718 = arith.minimumf %min3A_707, %get3A_713 : vector<16xf32>
        %add3A_719 = arith.constant 12 : i32
        %add3A_720 = arith.addi %mul3A_26, %add3A_719 : i32
        %get3A_721 = arith.index_cast %add3A_720 : i32 to index
        %get3A_722 = arith.constant 48 : index
        %get3A_723 = tpu.vector_load %arg9[%get3A_721, %get3A_722] {strides = array<i32>} : memref<256x128xf32, #tpu.memory_space<vmem>>, vector<1x16xf32>,
        %get3A_724 = vector.shape_cast %get3A_723 : vector<1x16xf32> to vector<16xf32>
        %add3A_725 = arith.addf %add3A_714, %get3A_724 : vector<16xf32>
        %mul3A_726 = arith.mulf %get3A_724, %get3A_724 : vector<16xf32>
        %add3A_727 = arith.addf %add3A_716, %mul3A_726 : vector<16xf32>
        %max3A_728 = arith.maximumf %max3A_717, %get3A_724 : vector<16xf32>
        %min3A_729 = arith.minimumf %min3A_718, %get3A_724 : vector<16xf32>
        %add3A_730 = arith.constant 13 : i32
        %add3A_731 = arith.addi %mul3A_26, %add3A_730 : i32
        %get3A_732 = arith.index_cast %add3A_731 : i32 to index
        %get3A_733 = arith.constant 48 : index
        %get3A_734 = tpu.vector_load %arg9[%get3A_732, %get3A_733] {strides = array<i32>} : memref<256x128xf32, #tpu.memory_space<vmem>>, vector<1x16xf32>,
        %get3A_735 = vector.shape_cast %get3A_734 : vector<1x16xf32> to vector<16xf32>
        %add3A_736 = arith.addf %add3A_725, %get3A_735 : vector<16xf32>
        %mul3A_737 = arith.mulf %get3A_735, %get3A_735 : vector<16xf32>
        %add3A_738 = arith.addf %add3A_727, %mul3A_737 : vector<16xf32>
        %max3A_739 = arith.maximumf %max3A_728, %get3A_735 : vector<16xf32>
        %min3A_740 = arith.minimumf %min3A_729, %get3A_735 : vector<16xf32>
        %add3A_741 = arith.constant 14 : i32
        %add3A_742 = arith.addi %mul3A_26, %add3A_741 : i32
        %get3A_743 = arith.index_cast %add3A_742 : i32 to index
        %get3A_744 = arith.constant 48 : index
        %get3A_745 = tpu.vector_load %arg9[%get3A_743, %get3A_744] {strides = array<i32>} : memref<256x128xf32, #tpu.memory_space<vmem>>, vector<1x16xf32>,
        %get3A_746 = vector.shape_cast %get3A_745 : vector<1x16xf32> to vector<16xf32>
        %add3A_747 = arith.addf %add3A_736, %get3A_746 : vector<16xf32>
        %mul3A_748 = arith.mulf %get3A_746, %get3A_746 : vector<16xf32>
        %add3A_749 = arith.addf %add3A_738, %mul3A_748 : vector<16xf32>
        %max3A_750 = arith.maximumf %max3A_739, %get3A_746 : vector<16xf32>
        %min3A_751 = arith.minimumf %min3A_740, %get3A_746 : vector<16xf32>
        %add3A_752 = arith.constant 15 : i32
        %add3A_753 = arith.addi %mul3A_26, %add3A_752 : i32
        %get3A_754 = arith.index_cast %add3A_753 : i32 to index
        %get3A_755 = arith.constant 48 : index
        %get3A_756 = tpu.vector_load %arg9[%get3A_754, %get3A_755] {strides = array<i32>} : memref<256x128xf32, #tpu.memory_space<vmem>>, vector<1x16xf32>,
        %get3A_757 = vector.shape_cast %get3A_756 : vector<1x16xf32> to vector<16xf32>
        %add3A_758 = arith.addf %add3A_747, %get3A_757 : vector<16xf32>
        %mul3A_759 = arith.mulf %get3A_757, %get3A_757 : vector<16xf32>
        %add3A_760 = arith.addf %add3A_749, %mul3A_759 : vector<16xf32>
        %max3A_761 = arith.maximumf %max3A_750, %get3A_757 : vector<16xf32>
        %min3A_762 = arith.minimumf %min3A_751, %get3A_757 : vector<16xf32>
        %swap3A_763 = arith.index_cast %scan3A_24 : i32 to index
        %swap3A_764 = arith.constant 48 : index
        %swap3A_765 = tpu.vector_load %arg10[%swap3A_763, %swap3A_764] {strides = array<i32>} : memref<16x64xf32, #tpu.memory_space<vmem>>, vector<1x16xf32>,
        %swap3A_766 = vector.shape_cast %swap3A_765 : vector<1x16xf32> to vector<16xf32>
        %swap3A_767 = vector.shape_cast %add3A_758 : vector<16xf32> to vector<1x16xf32>
        tpu.vector_store %arg10[%swap3A_763, %swap3A_764], %swap3A_767 {strides = array<i32>} : memref<16x64xf32, #tpu.memory_space<vmem>>, vector<1x16xf32>,
        %swap3A_768 = arith.index_cast %scan3A_24 : i32 to index
        %swap3A_769 = arith.constant 48 : index
        %swap3A_770 = tpu.vector_load %arg11[%swap3A_768, %swap3A_769] {strides = array<i32>} : memref<16x64xf32, #tpu.memory_space<vmem>>, vector<1x16xf32>,
        %swap3A_771 = vector.shape_cast %swap3A_770 : vector<1x16xf32> to vector<16xf32>
        %swap3A_772 = vector.shape_cast %add3A_760 : vector<16xf32> to vector<1x16xf32>
        tpu.vector_store %arg11[%swap3A_768, %swap3A_769], %swap3A_772 {strides = array<i32>} : memref<16x64xf32, #tpu.memory_space<vmem>>, vector<1x16xf32>,
        %swap3A_773 = arith.index_cast %scan3A_24 : i32 to index
        %swap3A_774 = arith.constant 48 : index
        %swap3A_775 = tpu.vector_load %arg12[%swap3A_773, %swap3A_774] {strides = array<i32>} : memref<16x64xf32, #tpu.memory_space<vmem>>, vector<1x16xf32>,
        %swap3A_776 = vector.shape_cast %swap3A_775 : vector<1x16xf32> to vector<16xf32>
        %swap3A_777 = vector.shape_cast %max3A_761 : vector<16xf32> to vector<1x16xf32>
        tpu.vector_store %arg12[%swap3A_773, %swap3A_774], %swap3A_777 {strides = array<i32>} : memref<16x64xf32, #tpu.memory_space<vmem>>, vector<1x16xf32>,
        %swap3A_778 = arith.index_cast %scan3A_24 : i32 to index
        %swap3A_779 = arith.constant 48 : index
        %swap3A_780 = tpu.vector_load %arg13[%swap3A_778, %swap3A_779] {strides = array<i32>} : memref<16x64xf32, #tpu.memory_space<vmem>>, vector<1x16xf32>,
        %swap3A_781 = vector.shape_cast %swap3A_780 : vector<1x16xf32> to vector<16xf32>
        %swap3A_782 = vector.shape_cast %min3A_762 : vector<16xf32> to vector<1x16xf32>
        tpu.vector_store %arg13[%swap3A_778, %swap3A_779], %swap3A_782 {strides = array<i32>} : memref<16x64xf32, #tpu.memory_space<vmem>>, vector<1x16xf32>,
      }
      %scan3A_23 = arith.constant 16 : i32
      "tpu.region"() ({
        %run_scoped3A = tpu.sem_alloc : memref<!tpu.dma_semaphore, #tpu.memory_space<semaphore_mem>>
        %dma_start3A_24 = arith.constant 0 : i32
        %dma_start3A_25 = tpu.memref_slice %arg4[%add3A_11, %dma_start3A_24] : memref<4096x64xf32, #tpu.memory_space<hbm>> -> memref<16x64xf32, #tpu.memory_space<hbm>>
        %dma_start3A_26 = arith.constant 0 : i32
        %dma_start3A_27 = tpu.memref_slice %arg4[%add3A_11, %dma_start3A_26] : memref<4096x64xf32, #tpu.memory_space<hbm>> -> memref<16x64xf32, #tpu.memory_space<hbm>>
        tpu.enqueue_dma source(%arg10 : memref<16x64xf32, #tpu.memory_space<vmem>>) target(%dma_start3A_27 : memref<16x64xf32, #tpu.memory_space<hbm>>) target_semaphore(%run_scoped3A : memref<!tpu.dma_semaphore, #tpu.memory_space<semaphore_mem>>)
        %dma_wait3A_28 = arith.constant 0 : i32
        %dma_wait3A_29 = tpu.memref_slice %arg4[%add3A_11, %dma_wait3A_28] : memref<4096x64xf32, #tpu.memory_space<hbm>> -> memref<16x64xf32, #tpu.memory_space<hbm>>
        %dma_wait3A_30 = arith.constant 0 : i32
        %dma_wait3A_31 = tpu.memref_slice %arg4[%add3A_11, %dma_wait3A_30] : memref<4096x64xf32, #tpu.memory_space<hbm>> -> memref<16x64xf32, #tpu.memory_space<hbm>>
        tpu.wait_dma2 semaphore(%run_scoped3A : memref<!tpu.dma_semaphore, #tpu.memory_space<semaphore_mem>>) src(%arg10 : memref<16x64xf32, #tpu.memory_space<vmem>>) dst(%dma_wait3A_31 : memref<16x64xf32, #tpu.memory_space<hbm>>)
        tpu.yield
      }) : () -> ()
      "tpu.region"() ({
        %run_scoped3A = tpu.sem_alloc : memref<!tpu.dma_semaphore, #tpu.memory_space<semaphore_mem>>
        %dma_start3A_24 = arith.constant 0 : i32
        %dma_start3A_25 = tpu.memref_slice %arg5[%add3A_11, %dma_start3A_24] : memref<4096x64xf32, #tpu.memory_space<hbm>> -> memref<16x64xf32, #tpu.memory_space<hbm>>
        %dma_start3A_26 = arith.constant 0 : i32
        %dma_start3A_27 = tpu.memref_slice %arg5[%add3A_11, %dma_start3A_26] : memref<4096x64xf32, #tpu.memory_space<hbm>> -> memref<16x64xf32, #tpu.memory_space<hbm>>
        tpu.enqueue_dma source(%arg11 : memref<16x64xf32, #tpu.memory_space<vmem>>) target(%dma_start3A_27 : memref<16x64xf32, #tpu.memory_space<hbm>>) target_semaphore(%run_scoped3A : memref<!tpu.dma_semaphore, #tpu.memory_space<semaphore_mem>>)
        %dma_wait3A_28 = arith.constant 0 : i32
        %dma_wait3A_29 = tpu.memref_slice %arg5[%add3A_11, %dma_wait3A_28] : memref<4096x64xf32, #tpu.memory_space<hbm>> -> memref<16x64xf32, #tpu.memory_space<hbm>>
        %dma_wait3A_30 = arith.constant 0 : i32
        %dma_wait3A_31 = tpu.memref_slice %arg5[%add3A_11, %dma_wait3A_30] : memref<4096x64xf32, #tpu.memory_space<hbm>> -> memref<16x64xf32, #tpu.memory_space<hbm>>
        tpu.wait_dma2 semaphore(%run_scoped3A : memref<!tpu.dma_semaphore, #tpu.memory_space<semaphore_mem>>) src(%arg11 : memref<16x64xf32, #tpu.memory_space<vmem>>) dst(%dma_wait3A_31 : memref<16x64xf32, #tpu.memory_space<hbm>>)
        tpu.yield
      }) : () -> ()
      "tpu.region"() ({
        %run_scoped3A = tpu.sem_alloc : memref<!tpu.dma_semaphore, #tpu.memory_space<semaphore_mem>>
        %dma_start3A_24 = arith.constant 0 : i32
        %dma_start3A_25 = tpu.memref_slice %arg6[%add3A_11, %dma_start3A_24] : memref<4096x64xf32, #tpu.memory_space<hbm>> -> memref<16x64xf32, #tpu.memory_space<hbm>>
        %dma_start3A_26 = arith.constant 0 : i32
        %dma_start3A_27 = tpu.memref_slice %arg6[%add3A_11, %dma_start3A_26] : memref<4096x64xf32, #tpu.memory_space<hbm>> -> memref<16x64xf32, #tpu.memory_space<hbm>>
        tpu.enqueue_dma source(%arg12 : memref<16x64xf32, #tpu.memory_space<vmem>>) target(%dma_start3A_27 : memref<16x64xf32, #tpu.memory_space<hbm>>) target_semaphore(%run_scoped3A : memref<!tpu.dma_semaphore, #tpu.memory_space<semaphore_mem>>)
        %dma_wait3A_28 = arith.constant 0 : i32
        %dma_wait3A_29 = tpu.memref_slice %arg6[%add3A_11, %dma_wait3A_28] : memref<4096x64xf32, #tpu.memory_space<hbm>> -> memref<16x64xf32, #tpu.memory_space<hbm>>
        %dma_wait3A_30 = arith.constant 0 : i32
        %dma_wait3A_31 = tpu.memref_slice %arg6[%add3A_11, %dma_wait3A_30] : memref<4096x64xf32, #tpu.memory_space<hbm>> -> memref<16x64xf32, #tpu.memory_space<hbm>>
        tpu.wait_dma2 semaphore(%run_scoped3A : memref<!tpu.dma_semaphore, #tpu.memory_space<semaphore_mem>>) src(%arg12 : memref<16x64xf32, #tpu.memory_space<vmem>>) dst(%dma_wait3A_31 : memref<16x64xf32, #tpu.memory_space<hbm>>)
        tpu.yield
      }) : () -> ()
      "tpu.region"() ({
        %run_scoped3A = tpu.sem_alloc : memref<!tpu.dma_semaphore, #tpu.memory_space<semaphore_mem>>
        %dma_start3A_24 = arith.constant 0 : i32
        %dma_start3A_25 = tpu.memref_slice %arg7[%add3A_11, %dma_start3A_24] : memref<4096x64xf32, #tpu.memory_space<hbm>> -> memref<16x64xf32, #tpu.memory_space<hbm>>
        %dma_start3A_26 = arith.constant 0 : i32
        %dma_start3A_27 = tpu.memref_slice %arg7[%add3A_11, %dma_start3A_26] : memref<4096x64xf32, #tpu.memory_space<hbm>> -> memref<16x64xf32, #tpu.memory_space<hbm>>
        tpu.enqueue_dma source(%arg13 : memref<16x64xf32, #tpu.memory_space<vmem>>) target(%dma_start3A_27 : memref<16x64xf32, #tpu.memory_space<hbm>>) target_semaphore(%run_scoped3A : memref<!tpu.dma_semaphore, #tpu.memory_space<semaphore_mem>>)
        %dma_wait3A_28 = arith.constant 0 : i32
        %dma_wait3A_29 = tpu.memref_slice %arg7[%add3A_11, %dma_wait3A_28] : memref<4096x64xf32, #tpu.memory_space<hbm>> -> memref<16x64xf32, #tpu.memory_space<hbm>>
        %dma_wait3A_30 = arith.constant 0 : i32
        %dma_wait3A_31 = tpu.memref_slice %arg7[%add3A_11, %dma_wait3A_30] : memref<4096x64xf32, #tpu.memory_space<hbm>> -> memref<16x64xf32, #tpu.memory_space<hbm>>
        tpu.wait_dma2 semaphore(%run_scoped3A : memref<!tpu.dma_semaphore, #tpu.memory_space<semaphore_mem>>) src(%arg13 : memref<16x64xf32, #tpu.memory_space<vmem>>) dst(%dma_wait3A_31 : memref<16x64xf32, #tpu.memory_space<hbm>>)
        tpu.yield
      }) : () -> ()
    }
    %scan3A_7 = arith.constant 8 : i32
    return
  }
}

module attributes {stable_mosaic.version = 14 : i64} {
  func.func @_fps_body(%arg0: memref<2x64x128xf32, #tpu.memory_space<vmem>>, %arg1: memref<2x64x128xf32, #tpu.memory_space<vmem>>, %arg2: memref<2x64x128xf32, #tpu.memory_space<vmem>>, %arg3: memref<2x8192x128xf32, #tpu.memory_space<vmem>>, %arg4: memref<128x128xf32, #tpu.memory_space<vmem>>, %arg5: memref<2x16x128xi32, #tpu.memory_space<vmem>>, %arg6: memref<2x16x128xf32, #tpu.memory_space<vmem>>, %arg7: memref<2x16x128xf32, #tpu.memory_space<vmem>>, %arg8: memref<2x16x128xf32, #tpu.memory_space<vmem>>, %arg9: memref<2x8192x128xf32, #tpu.memory_space<vmem>>) attributes {dimension_semantics = [], scalar_prefetch = 0 : i64, scratch_operands = 0 : i64, tpu.core_type = #tpu.core_type<tc>} {
    %get3A = arith.constant 0 : index
    %get3A_0 = arith.constant 0 : index
    %get3A_1 = arith.constant 0 : index
    %get3A_2 = vector.load %arg0[%get3A, %get3A_0, %get3A_1] : memref<2x64x128xf32, #tpu.memory_space<vmem>>, vector<2x64x128xf32>
    %get3A_3 = arith.constant 0 : index
    %get3A_4 = arith.constant 0 : index
    %get3A_5 = arith.constant 0 : index
    %get3A_6 = vector.load %arg1[%get3A_3, %get3A_4, %get3A_5] : memref<2x64x128xf32, #tpu.memory_space<vmem>>, vector<2x64x128xf32>
    %get3A_7 = arith.constant 0 : index
    %get3A_8 = arith.constant 0 : index
    %get3A_9 = arith.constant 0 : index
    %get3A_10 = vector.load %arg2[%get3A_7, %get3A_8, %get3A_9] : memref<2x64x128xf32, #tpu.memory_space<vmem>>, vector<2x64x128xf32>
    %get3A_11 = arith.constant 0 : index
    %get3A_12 = arith.constant 0 : index
    %get3A_13 = arith.constant 0 : index
    %get3A_14 = vector.load %arg3[%get3A_11, %get3A_12, %get3A_13] : memref<2x8192x128xf32, #tpu.memory_space<vmem>>, vector<2x8192x128xf32>
    %reshape3A = vector.shape_cast %get3A_14 : vector<2x8192x128xf32> to vector<16384x128xf32>
    %get3A_15 = arith.constant 0 : index
    %get3A_16 = arith.constant 0 : index
    %get3A_17 = vector.load %arg4[%get3A_15, %get3A_16] : memref<128x128xf32, #tpu.memory_space<vmem>>, vector<128x128xf32>
    %dot_general3A = arith.constant dense<0.000000e+00> : vector<16384x128xf32>
    %dot_general3A_18 = tpu.matmul %reshape3A, %get3A_17, %dot_general3A {dimension_numbers = #tpu.dot_dimension_numbers<[1], [0], [0], [1], [0, 0, 1, 1], [], []>, transpose_lhs_hint = false} : vector<16384x128xf32>, vector<128x128xf32>, vector<16384x128xf32> -> vector<16384x128xf32>
    %reshape3A_19 = vector.shape_cast %dot_general3A_18 : vector<16384x128xf32> to vector<2x8192x128xf32>
    %swap3A = arith.constant 0 : index
    %swap3A_20 = arith.constant 0 : index
    %swap3A_21 = arith.constant 0 : index
    %swap3A_22 = vector.load %arg9[%swap3A, %swap3A_20, %swap3A_21] : memref<2x8192x128xf32, #tpu.memory_space<vmem>>, vector<2x8192x128xf32>
    tpu.vector_store %arg9[%swap3A, %swap3A_20, %swap3A_21], %reshape3A_19 {strides = array<i32>} : memref<2x8192x128xf32, #tpu.memory_space<vmem>>, vector<2x8192x128xf32>,
    %iota3A = tpu.iota {dimensions = array<i32: 0>} : vector<64x128xi32>
    %mul3A = arith.constant 128 : i32
    %mul3A_23 = vector.broadcast %mul3A : i32 to vector<64x128xi32>
    %mul3A_24 = arith.muli %iota3A, %mul3A_23 : vector<64x128xi32>
    %iota3A_25 = tpu.iota {dimensions = array<i32: 1>} : vector<64x128xi32>
    %add3A = arith.addi %mul3A_24, %iota3A_25 : vector<64x128xi32>
    %broadcast_in_dim3A = vector.shape_cast %add3A : vector<64x128xi32> to vector<1x64x128xi32>
    %broadcast_in_dim3A_26 = vector.broadcast %broadcast_in_dim3A : vector<1x64x128xi32> to vector<2x64x128xi32>
    %iota3A_27 = tpu.iota {dimensions = array<i32: 0>} : vector<16x128xi32>
    %mul3A_28 = arith.constant 128 : i32
    %mul3A_29 = vector.broadcast %mul3A_28 : i32 to vector<16x128xi32>
    %mul3A_30 = arith.muli %iota3A_27, %mul3A_29 : vector<16x128xi32>
    %iota3A_31 = tpu.iota {dimensions = array<i32: 1>} : vector<16x128xi32>
    %add3A_32 = arith.addi %mul3A_30, %iota3A_31 : vector<16x128xi32>
    %broadcast_in_dim3A_33 = vector.shape_cast %add3A_32 : vector<16x128xi32> to vector<1x16x128xi32>
    %broadcast_in_dim3A_34 = vector.broadcast %broadcast_in_dim3A_33 : vector<1x16x128xi32> to vector<2x16x128xi32>
    %broadcast_in_dim3A_35 = arith.constant 1.000000e+10 : f32
    %broadcast_in_dim3A_36 = vector.broadcast %broadcast_in_dim3A_35 : f32 to vector<2x64x128xf32>
    %slice3A = vector.extract_strided_slice %get3A_2 {offsets = [0, 0, 0], sizes = [2, 1, 1], strides = [1, 1, 1]} : vector<2x64x128xf32> to vector<2x1x1xf32>
    %slice3A_37 = vector.extract_strided_slice %get3A_6 {offsets = [0, 0, 0], sizes = [2, 1, 1], strides = [1, 1, 1]} : vector<2x64x128xf32> to vector<2x1x1xf32>
    %slice3A_38 = vector.extract_strided_slice %get3A_10 {offsets = [0, 0, 0], sizes = [2, 1, 1], strides = [1, 1, 1]} : vector<2x64x128xf32> to vector<2x1x1xf32>
    %broadcast_in_dim3A_39 = arith.constant 0 : i32
    %broadcast_in_dim3A_40 = vector.broadcast %broadcast_in_dim3A_39 : i32 to vector<2x16x128xi32>
    %broadcast_in_dim3A_41 = arith.constant 0.000000e+00 : f32
    %broadcast_in_dim3A_42 = vector.broadcast %broadcast_in_dim3A_41 : f32 to vector<2x16x128xf32>
    %eq3A = arith.constant 0 : i32
    %eq3A_43 = vector.broadcast %eq3A : i32 to vector<2x16x128xi32>
    %eq3A_44 = arith.cmpi eq, %broadcast_in_dim3A_34, %eq3A_43 : vector<2x16x128xi32>
    %broadcast_in_dim3A_45 = vector.shape_cast %slice3A : vector<2x1x1xf32> to vector<2x1x1xf32>
    %broadcast_in_dim3A_46 = vector.broadcast %broadcast_in_dim3A_45 : vector<2x1x1xf32> to vector<2x16x128xf32>
    %select_n3A = arith.select %eq3A_44, %broadcast_in_dim3A_46, %broadcast_in_dim3A_42 : vector<2x16x128xi1>, vector<2x16x128xf32>
    %broadcast_in_dim3A_47 = vector.shape_cast %slice3A_37 : vector<2x1x1xf32> to vector<2x1x1xf32>
    %broadcast_in_dim3A_48 = vector.broadcast %broadcast_in_dim3A_47 : vector<2x1x1xf32> to vector<2x16x128xf32>
    %select_n3A_49 = arith.select %eq3A_44, %broadcast_in_dim3A_48, %broadcast_in_dim3A_42 : vector<2x16x128xi1>, vector<2x16x128xf32>
    %broadcast_in_dim3A_50 = vector.shape_cast %slice3A_38 : vector<2x1x1xf32> to vector<2x1x1xf32>
    %broadcast_in_dim3A_51 = vector.broadcast %broadcast_in_dim3A_50 : vector<2x1x1xf32> to vector<2x16x128xf32>
    %select_n3A_52 = arith.select %eq3A_44, %broadcast_in_dim3A_51, %broadcast_in_dim3A_42 : vector<2x16x128xi1>, vector<2x16x128xf32>
    %scan3A = arith.constant 1 : i32
    %scan3A_53 = arith.constant 2044 : i32
    %scan3A_54 = arith.addi %scan3A, %scan3A_53 : i32
    %scan3A_55 = arith.constant 4 : i32
    %scan3A_56:8 = scf.for %scan3A_245 = %scan3A to %scan3A_54 step %scan3A_55 iter_args(%scan3A_246 = %broadcast_in_dim3A_36, %scan3A_247 = %slice3A, %scan3A_248 = %slice3A_37, %scan3A_249 = %slice3A_38, %scan3A_250 = %broadcast_in_dim3A_40, %scan3A_251 = %select_n3A, %scan3A_252 = %select_n3A_49, %scan3A_253 = %select_n3A_52) -> (vector<2x64x128xf32>, vector<2x1x1xf32>, vector<2x1x1xf32>, vector<2x1x1xf32>, vector<2x16x128xi32>, vector<2x16x128xf32>, vector<2x16x128xf32>, vector<2x16x128xf32>)  : i32 {
      %sub3A_254 = vector.broadcast %scan3A_247 : vector<2x1x1xf32> to vector<2x64x128xf32>
      %sub3A_255 = arith.subf %get3A_2, %sub3A_254 : vector<2x64x128xf32>
      %sub3A_256 = vector.broadcast %scan3A_248 : vector<2x1x1xf32> to vector<2x64x128xf32>
      %sub3A_257 = arith.subf %get3A_6, %sub3A_256 : vector<2x64x128xf32>
      %sub3A_258 = vector.broadcast %scan3A_249 : vector<2x1x1xf32> to vector<2x64x128xf32>
      %sub3A_259 = arith.subf %get3A_10, %sub3A_258 : vector<2x64x128xf32>
      %mul3A_260 = arith.mulf %sub3A_255, %sub3A_255 : vector<2x64x128xf32>
      %mul3A_261 = arith.mulf %sub3A_257, %sub3A_257 : vector<2x64x128xf32>
      %add3A_262 = arith.addf %mul3A_260, %mul3A_261 : vector<2x64x128xf32>
      %mul3A_263 = arith.mulf %sub3A_259, %sub3A_259 : vector<2x64x128xf32>
      %add3A_264 = arith.addf %add3A_262, %mul3A_263 : vector<2x64x128xf32>
      %min3A_265 = arith.minimumf %scan3A_246, %add3A_264 : vector<2x64x128xf32>
      %reduce_max3A_266 = arith.constant dense<0xFF800000> : vector<2xf32>
      %reduce_max3A_267 = vector.multi_reduction <maximumf>, %min3A_265, %reduce_max3A_266 [1, 2] : vector<2x64x128xf32> to vector<2xf32>
      %broadcast_in_dim3A_268 = vector.shape_cast %reduce_max3A_267 : vector<2xf32> to vector<2x1x1xf32>
      %eq3A_269 = vector.broadcast %broadcast_in_dim3A_268 : vector<2x1x1xf32> to vector<2x64x128xf32>
      %eq3A_270 = arith.cmpf oeq, %min3A_265, %eq3A_269 : vector<2x64x128xf32>
      %jit3A_271 = arith.constant 1073741824 : i32
      %broadcast_in_dim3A_272 = vector.broadcast %jit3A_271 : i32 to vector<2x64x128xi32>
      %select_n3A_273 = arith.select %eq3A_270, %broadcast_in_dim3A_26, %broadcast_in_dim3A_272 : vector<2x64x128xi1>, vector<2x64x128xi32>
      %reduce_min3A_274 = arith.constant dense<2147483647> : vector<2xi32>
      %reduce_min3A_275 = vector.multi_reduction <minsi>, %select_n3A_273, %reduce_min3A_274 [1, 2] : vector<2x64x128xi32> to vector<2xi32>
      %broadcast_in_dim3A_276 = vector.shape_cast %reduce_min3A_275 : vector<2xi32> to vector<2x1x1xi32>
      %eq3A_277 = vector.broadcast %broadcast_in_dim3A_276 : vector<2x1x1xi32> to vector<2x64x128xi32>
      %eq3A_278 = arith.cmpi eq, %broadcast_in_dim3A_26, %eq3A_277 : vector<2x64x128xi32>
      %jit3A_279 = arith.constant 0.000000e+00 : f32
      %broadcast_in_dim3A_280 = vector.broadcast %jit3A_279 : f32 to vector<2x64x128xf32>
      %select_n3A_281 = arith.select %eq3A_278, %get3A_2, %broadcast_in_dim3A_280 : vector<2x64x128xi1>, vector<2x64x128xf32>
      %reduce_sum3A_282 = arith.constant dense<0.000000e+00> : vector<2xf32>
      %reduce_sum3A_283 = vector.multi_reduction <add>, %select_n3A_281, %reduce_sum3A_282 [1, 2] : vector<2x64x128xf32> to vector<2xf32>
      %broadcast_in_dim3A_284 = vector.shape_cast %reduce_sum3A_283 : vector<2xf32> to vector<2x1x1xf32>
      %jit3A_285 = arith.constant 0.000000e+00 : f32
      %broadcast_in_dim3A_286 = vector.broadcast %jit3A_285 : f32 to vector<2x64x128xf32>
      %select_n3A_287 = arith.select %eq3A_278, %get3A_6, %broadcast_in_dim3A_286 : vector<2x64x128xi1>, vector<2x64x128xf32>
      %reduce_sum3A_288 = arith.constant dense<0.000000e+00> : vector<2xf32>
      %reduce_sum3A_289 = vector.multi_reduction <add>, %select_n3A_287, %reduce_sum3A_288 [1, 2] : vector<2x64x128xf32> to vector<2xf32>
      %broadcast_in_dim3A_290 = vector.shape_cast %reduce_sum3A_289 : vector<2xf32> to vector<2x1x1xf32>
      %jit3A_291 = arith.constant 0.000000e+00 : f32
      %broadcast_in_dim3A_292 = vector.broadcast %jit3A_291 : f32 to vector<2x64x128xf32>
      %select_n3A_293 = arith.select %eq3A_278, %get3A_10, %broadcast_in_dim3A_292 : vector<2x64x128xi1>, vector<2x64x128xf32>
      %reduce_sum3A_294 = arith.constant dense<0.000000e+00> : vector<2xf32>
      %reduce_sum3A_295 = vector.multi_reduction <add>, %select_n3A_293, %reduce_sum3A_294 [1, 2] : vector<2x64x128xf32> to vector<2xf32>
      %broadcast_in_dim3A_296 = vector.shape_cast %reduce_sum3A_295 : vector<2xf32> to vector<2x1x1xf32>
      %eq3A_297 = vector.broadcast %scan3A_245 : i32 to vector<2x16x128xi32>
      %eq3A_298 = arith.cmpi eq, %broadcast_in_dim3A_34, %eq3A_297 : vector<2x16x128xi32>
      %broadcast_in_dim3A_299 = vector.shape_cast %broadcast_in_dim3A_276 : vector<2x1x1xi32> to vector<2x1x1xi32>
      %broadcast_in_dim3A_300 = vector.broadcast %broadcast_in_dim3A_299 : vector<2x1x1xi32> to vector<2x16x128xi32>
      %select_n3A_301 = arith.select %eq3A_298, %broadcast_in_dim3A_300, %scan3A_250 : vector<2x16x128xi1>, vector<2x16x128xi32>
      %broadcast_in_dim3A_302 = vector.shape_cast %broadcast_in_dim3A_284 : vector<2x1x1xf32> to vector<2x1x1xf32>
      %broadcast_in_dim3A_303 = vector.broadcast %broadcast_in_dim3A_302 : vector<2x1x1xf32> to vector<2x16x128xf32>
      %select_n3A_304 = arith.select %eq3A_298, %broadcast_in_dim3A_303, %scan3A_251 : vector<2x16x128xi1>, vector<2x16x128xf32>
      %broadcast_in_dim3A_305 = vector.shape_cast %broadcast_in_dim3A_290 : vector<2x1x1xf32> to vector<2x1x1xf32>
      %broadcast_in_dim3A_306 = vector.broadcast %broadcast_in_dim3A_305 : vector<2x1x1xf32> to vector<2x16x128xf32>
      %select_n3A_307 = arith.select %eq3A_298, %broadcast_in_dim3A_306, %scan3A_252 : vector<2x16x128xi1>, vector<2x16x128xf32>
      %broadcast_in_dim3A_308 = vector.shape_cast %broadcast_in_dim3A_296 : vector<2x1x1xf32> to vector<2x1x1xf32>
      %broadcast_in_dim3A_309 = vector.broadcast %broadcast_in_dim3A_308 : vector<2x1x1xf32> to vector<2x16x128xf32>
      %select_n3A_310 = arith.select %eq3A_298, %broadcast_in_dim3A_309, %scan3A_253 : vector<2x16x128xi1>, vector<2x16x128xf32>
      %scan3A_311 = arith.constant 1 : i32
      %scan3A_312 = arith.addi %scan3A_245, %scan3A_311 : i32
      %sub3A_313 = vector.broadcast %broadcast_in_dim3A_284 : vector<2x1x1xf32> to vector<2x64x128xf32>
      %sub3A_314 = arith.subf %get3A_2, %sub3A_313 : vector<2x64x128xf32>
      %sub3A_315 = vector.broadcast %broadcast_in_dim3A_290 : vector<2x1x1xf32> to vector<2x64x128xf32>
      %sub3A_316 = arith.subf %get3A_6, %sub3A_315 : vector<2x64x128xf32>
      %sub3A_317 = vector.broadcast %broadcast_in_dim3A_296 : vector<2x1x1xf32> to vector<2x64x128xf32>
      %sub3A_318 = arith.subf %get3A_10, %sub3A_317 : vector<2x64x128xf32>
      %mul3A_319 = arith.mulf %sub3A_314, %sub3A_314 : vector<2x64x128xf32>
      %mul3A_320 = arith.mulf %sub3A_316, %sub3A_316 : vector<2x64x128xf32>
      %add3A_321 = arith.addf %mul3A_319, %mul3A_320 : vector<2x64x128xf32>
      %mul3A_322 = arith.mulf %sub3A_318, %sub3A_318 : vector<2x64x128xf32>
      %add3A_323 = arith.addf %add3A_321, %mul3A_322 : vector<2x64x128xf32>
      %min3A_324 = arith.minimumf %min3A_265, %add3A_323 : vector<2x64x128xf32>
      %reduce_max3A_325 = arith.constant dense<0xFF800000> : vector<2xf32>
      %reduce_max3A_326 = vector.multi_reduction <maximumf>, %min3A_324, %reduce_max3A_325 [1, 2] : vector<2x64x128xf32> to vector<2xf32>
      %broadcast_in_dim3A_327 = vector.shape_cast %reduce_max3A_326 : vector<2xf32> to vector<2x1x1xf32>
      %eq3A_328 = vector.broadcast %broadcast_in_dim3A_327 : vector<2x1x1xf32> to vector<2x64x128xf32>
      %eq3A_329 = arith.cmpf oeq, %min3A_324, %eq3A_328 : vector<2x64x128xf32>
      %jit3A_330 = arith.constant 1073741824 : i32
      %broadcast_in_dim3A_331 = vector.broadcast %jit3A_330 : i32 to vector<2x64x128xi32>
      %select_n3A_332 = arith.select %eq3A_329, %broadcast_in_dim3A_26, %broadcast_in_dim3A_331 : vector<2x64x128xi1>, vector<2x64x128xi32>
      %reduce_min3A_333 = arith.constant dense<2147483647> : vector<2xi32>
      %reduce_min3A_334 = vector.multi_reduction <minsi>, %select_n3A_332, %reduce_min3A_333 [1, 2] : vector<2x64x128xi32> to vector<2xi32>
      %broadcast_in_dim3A_335 = vector.shape_cast %reduce_min3A_334 : vector<2xi32> to vector<2x1x1xi32>
      %eq3A_336 = vector.broadcast %broadcast_in_dim3A_335 : vector<2x1x1xi32> to vector<2x64x128xi32>
      %eq3A_337 = arith.cmpi eq, %broadcast_in_dim3A_26, %eq3A_336 : vector<2x64x128xi32>
      %jit3A_338 = arith.constant 0.000000e+00 : f32
      %broadcast_in_dim3A_339 = vector.broadcast %jit3A_338 : f32 to vector<2x64x128xf32>
      %select_n3A_340 = arith.select %eq3A_337, %get3A_2, %broadcast_in_dim3A_339 : vector<2x64x128xi1>, vector<2x64x128xf32>
      %reduce_sum3A_341 = arith.constant dense<0.000000e+00> : vector<2xf32>
      %reduce_sum3A_342 = vector.multi_reduction <add>, %select_n3A_340, %reduce_sum3A_341 [1, 2] : vector<2x64x128xf32> to vector<2xf32>
      %broadcast_in_dim3A_343 = vector.shape_cast %reduce_sum3A_342 : vector<2xf32> to vector<2x1x1xf32>
      %jit3A_344 = arith.constant 0.000000e+00 : f32
      %broadcast_in_dim3A_345 = vector.broadcast %jit3A_344 : f32 to vector<2x64x128xf32>
      %select_n3A_346 = arith.select %eq3A_337, %get3A_6, %broadcast_in_dim3A_345 : vector<2x64x128xi1>, vector<2x64x128xf32>
      %reduce_sum3A_347 = arith.constant dense<0.000000e+00> : vector<2xf32>
      %reduce_sum3A_348 = vector.multi_reduction <add>, %select_n3A_346, %reduce_sum3A_347 [1, 2] : vector<2x64x128xf32> to vector<2xf32>
      %broadcast_in_dim3A_349 = vector.shape_cast %reduce_sum3A_348 : vector<2xf32> to vector<2x1x1xf32>
      %jit3A_350 = arith.constant 0.000000e+00 : f32
      %broadcast_in_dim3A_351 = vector.broadcast %jit3A_350 : f32 to vector<2x64x128xf32>
      %select_n3A_352 = arith.select %eq3A_337, %get3A_10, %broadcast_in_dim3A_351 : vector<2x64x128xi1>, vector<2x64x128xf32>
      %reduce_sum3A_353 = arith.constant dense<0.000000e+00> : vector<2xf32>
      %reduce_sum3A_354 = vector.multi_reduction <add>, %select_n3A_352, %reduce_sum3A_353 [1, 2] : vector<2x64x128xf32> to vector<2xf32>
      %broadcast_in_dim3A_355 = vector.shape_cast %reduce_sum3A_354 : vector<2xf32> to vector<2x1x1xf32>
      %eq3A_356 = vector.broadcast %scan3A_312 : i32 to vector<2x16x128xi32>
      %eq3A_357 = arith.cmpi eq, %broadcast_in_dim3A_34, %eq3A_356 : vector<2x16x128xi32>
      %broadcast_in_dim3A_358 = vector.shape_cast %broadcast_in_dim3A_335 : vector<2x1x1xi32> to vector<2x1x1xi32>
      %broadcast_in_dim3A_359 = vector.broadcast %broadcast_in_dim3A_358 : vector<2x1x1xi32> to vector<2x16x128xi32>
      %select_n3A_360 = arith.select %eq3A_357, %broadcast_in_dim3A_359, %select_n3A_301 : vector<2x16x128xi1>, vector<2x16x128xi32>
      %broadcast_in_dim3A_361 = vector.shape_cast %broadcast_in_dim3A_343 : vector<2x1x1xf32> to vector<2x1x1xf32>
      %broadcast_in_dim3A_362 = vector.broadcast %broadcast_in_dim3A_361 : vector<2x1x1xf32> to vector<2x16x128xf32>
      %select_n3A_363 = arith.select %eq3A_357, %broadcast_in_dim3A_362, %select_n3A_304 : vector<2x16x128xi1>, vector<2x16x128xf32>
      %broadcast_in_dim3A_364 = vector.shape_cast %broadcast_in_dim3A_349 : vector<2x1x1xf32> to vector<2x1x1xf32>
      %broadcast_in_dim3A_365 = vector.broadcast %broadcast_in_dim3A_364 : vector<2x1x1xf32> to vector<2x16x128xf32>
      %select_n3A_366 = arith.select %eq3A_357, %broadcast_in_dim3A_365, %select_n3A_307 : vector<2x16x128xi1>, vector<2x16x128xf32>
      %broadcast_in_dim3A_367 = vector.shape_cast %broadcast_in_dim3A_355 : vector<2x1x1xf32> to vector<2x1x1xf32>
      %broadcast_in_dim3A_368 = vector.broadcast %broadcast_in_dim3A_367 : vector<2x1x1xf32> to vector<2x16x128xf32>
      %select_n3A_369 = arith.select %eq3A_357, %broadcast_in_dim3A_368, %select_n3A_310 : vector<2x16x128xi1>, vector<2x16x128xf32>
      %scan3A_370 = arith.constant 2 : i32
      %scan3A_371 = arith.addi %scan3A_245, %scan3A_370 : i32
      %sub3A_372 = vector.broadcast %broadcast_in_dim3A_343 : vector<2x1x1xf32> to vector<2x64x128xf32>
      %sub3A_373 = arith.subf %get3A_2, %sub3A_372 : vector<2x64x128xf32>
      %sub3A_374 = vector.broadcast %broadcast_in_dim3A_349 : vector<2x1x1xf32> to vector<2x64x128xf32>
      %sub3A_375 = arith.subf %get3A_6, %sub3A_374 : vector<2x64x128xf32>
      %sub3A_376 = vector.broadcast %broadcast_in_dim3A_355 : vector<2x1x1xf32> to vector<2x64x128xf32>
      %sub3A_377 = arith.subf %get3A_10, %sub3A_376 : vector<2x64x128xf32>
      %mul3A_378 = arith.mulf %sub3A_373, %sub3A_373 : vector<2x64x128xf32>
      %mul3A_379 = arith.mulf %sub3A_375, %sub3A_375 : vector<2x64x128xf32>
      %add3A_380 = arith.addf %mul3A_378, %mul3A_379 : vector<2x64x128xf32>
      %mul3A_381 = arith.mulf %sub3A_377, %sub3A_377 : vector<2x64x128xf32>
      %add3A_382 = arith.addf %add3A_380, %mul3A_381 : vector<2x64x128xf32>
      %min3A_383 = arith.minimumf %min3A_324, %add3A_382 : vector<2x64x128xf32>
      %reduce_max3A_384 = arith.constant dense<0xFF800000> : vector<2xf32>
      %reduce_max3A_385 = vector.multi_reduction <maximumf>, %min3A_383, %reduce_max3A_384 [1, 2] : vector<2x64x128xf32> to vector<2xf32>
      %broadcast_in_dim3A_386 = vector.shape_cast %reduce_max3A_385 : vector<2xf32> to vector<2x1x1xf32>
      %eq3A_387 = vector.broadcast %broadcast_in_dim3A_386 : vector<2x1x1xf32> to vector<2x64x128xf32>
      %eq3A_388 = arith.cmpf oeq, %min3A_383, %eq3A_387 : vector<2x64x128xf32>
      %jit3A_389 = arith.constant 1073741824 : i32
      %broadcast_in_dim3A_390 = vector.broadcast %jit3A_389 : i32 to vector<2x64x128xi32>
      %select_n3A_391 = arith.select %eq3A_388, %broadcast_in_dim3A_26, %broadcast_in_dim3A_390 : vector<2x64x128xi1>, vector<2x64x128xi32>
      %reduce_min3A_392 = arith.constant dense<2147483647> : vector<2xi32>
      %reduce_min3A_393 = vector.multi_reduction <minsi>, %select_n3A_391, %reduce_min3A_392 [1, 2] : vector<2x64x128xi32> to vector<2xi32>
      %broadcast_in_dim3A_394 = vector.shape_cast %reduce_min3A_393 : vector<2xi32> to vector<2x1x1xi32>
      %eq3A_395 = vector.broadcast %broadcast_in_dim3A_394 : vector<2x1x1xi32> to vector<2x64x128xi32>
      %eq3A_396 = arith.cmpi eq, %broadcast_in_dim3A_26, %eq3A_395 : vector<2x64x128xi32>
      %jit3A_397 = arith.constant 0.000000e+00 : f32
      %broadcast_in_dim3A_398 = vector.broadcast %jit3A_397 : f32 to vector<2x64x128xf32>
      %select_n3A_399 = arith.select %eq3A_396, %get3A_2, %broadcast_in_dim3A_398 : vector<2x64x128xi1>, vector<2x64x128xf32>
      %reduce_sum3A_400 = arith.constant dense<0.000000e+00> : vector<2xf32>
      %reduce_sum3A_401 = vector.multi_reduction <add>, %select_n3A_399, %reduce_sum3A_400 [1, 2] : vector<2x64x128xf32> to vector<2xf32>
      %broadcast_in_dim3A_402 = vector.shape_cast %reduce_sum3A_401 : vector<2xf32> to vector<2x1x1xf32>
      %jit3A_403 = arith.constant 0.000000e+00 : f32
      %broadcast_in_dim3A_404 = vector.broadcast %jit3A_403 : f32 to vector<2x64x128xf32>
      %select_n3A_405 = arith.select %eq3A_396, %get3A_6, %broadcast_in_dim3A_404 : vector<2x64x128xi1>, vector<2x64x128xf32>
      %reduce_sum3A_406 = arith.constant dense<0.000000e+00> : vector<2xf32>
      %reduce_sum3A_407 = vector.multi_reduction <add>, %select_n3A_405, %reduce_sum3A_406 [1, 2] : vector<2x64x128xf32> to vector<2xf32>
      %broadcast_in_dim3A_408 = vector.shape_cast %reduce_sum3A_407 : vector<2xf32> to vector<2x1x1xf32>
      %jit3A_409 = arith.constant 0.000000e+00 : f32
      %broadcast_in_dim3A_410 = vector.broadcast %jit3A_409 : f32 to vector<2x64x128xf32>
      %select_n3A_411 = arith.select %eq3A_396, %get3A_10, %broadcast_in_dim3A_410 : vector<2x64x128xi1>, vector<2x64x128xf32>
      %reduce_sum3A_412 = arith.constant dense<0.000000e+00> : vector<2xf32>
      %reduce_sum3A_413 = vector.multi_reduction <add>, %select_n3A_411, %reduce_sum3A_412 [1, 2] : vector<2x64x128xf32> to vector<2xf32>
      %broadcast_in_dim3A_414 = vector.shape_cast %reduce_sum3A_413 : vector<2xf32> to vector<2x1x1xf32>
      %eq3A_415 = vector.broadcast %scan3A_371 : i32 to vector<2x16x128xi32>
      %eq3A_416 = arith.cmpi eq, %broadcast_in_dim3A_34, %eq3A_415 : vector<2x16x128xi32>
      %broadcast_in_dim3A_417 = vector.shape_cast %broadcast_in_dim3A_394 : vector<2x1x1xi32> to vector<2x1x1xi32>
      %broadcast_in_dim3A_418 = vector.broadcast %broadcast_in_dim3A_417 : vector<2x1x1xi32> to vector<2x16x128xi32>
      %select_n3A_419 = arith.select %eq3A_416, %broadcast_in_dim3A_418, %select_n3A_360 : vector<2x16x128xi1>, vector<2x16x128xi32>
      %broadcast_in_dim3A_420 = vector.shape_cast %broadcast_in_dim3A_402 : vector<2x1x1xf32> to vector<2x1x1xf32>
      %broadcast_in_dim3A_421 = vector.broadcast %broadcast_in_dim3A_420 : vector<2x1x1xf32> to vector<2x16x128xf32>
      %select_n3A_422 = arith.select %eq3A_416, %broadcast_in_dim3A_421, %select_n3A_363 : vector<2x16x128xi1>, vector<2x16x128xf32>
      %broadcast_in_dim3A_423 = vector.shape_cast %broadcast_in_dim3A_408 : vector<2x1x1xf32> to vector<2x1x1xf32>
      %broadcast_in_dim3A_424 = vector.broadcast %broadcast_in_dim3A_423 : vector<2x1x1xf32> to vector<2x16x128xf32>
      %select_n3A_425 = arith.select %eq3A_416, %broadcast_in_dim3A_424, %select_n3A_366 : vector<2x16x128xi1>, vector<2x16x128xf32>
      %broadcast_in_dim3A_426 = vector.shape_cast %broadcast_in_dim3A_414 : vector<2x1x1xf32> to vector<2x1x1xf32>
      %broadcast_in_dim3A_427 = vector.broadcast %broadcast_in_dim3A_426 : vector<2x1x1xf32> to vector<2x16x128xf32>
      %select_n3A_428 = arith.select %eq3A_416, %broadcast_in_dim3A_427, %select_n3A_369 : vector<2x16x128xi1>, vector<2x16x128xf32>
      %scan3A_429 = arith.constant 3 : i32
      %scan3A_430 = arith.addi %scan3A_245, %scan3A_429 : i32
      %sub3A_431 = vector.broadcast %broadcast_in_dim3A_402 : vector<2x1x1xf32> to vector<2x64x128xf32>
      %sub3A_432 = arith.subf %get3A_2, %sub3A_431 : vector<2x64x128xf32>
      %sub3A_433 = vector.broadcast %broadcast_in_dim3A_408 : vector<2x1x1xf32> to vector<2x64x128xf32>
      %sub3A_434 = arith.subf %get3A_6, %sub3A_433 : vector<2x64x128xf32>
      %sub3A_435 = vector.broadcast %broadcast_in_dim3A_414 : vector<2x1x1xf32> to vector<2x64x128xf32>
      %sub3A_436 = arith.subf %get3A_10, %sub3A_435 : vector<2x64x128xf32>
      %mul3A_437 = arith.mulf %sub3A_432, %sub3A_432 : vector<2x64x128xf32>
      %mul3A_438 = arith.mulf %sub3A_434, %sub3A_434 : vector<2x64x128xf32>
      %add3A_439 = arith.addf %mul3A_437, %mul3A_438 : vector<2x64x128xf32>
      %mul3A_440 = arith.mulf %sub3A_436, %sub3A_436 : vector<2x64x128xf32>
      %add3A_441 = arith.addf %add3A_439, %mul3A_440 : vector<2x64x128xf32>
      %min3A_442 = arith.minimumf %min3A_383, %add3A_441 : vector<2x64x128xf32>
      %reduce_max3A_443 = arith.constant dense<0xFF800000> : vector<2xf32>
      %reduce_max3A_444 = vector.multi_reduction <maximumf>, %min3A_442, %reduce_max3A_443 [1, 2] : vector<2x64x128xf32> to vector<2xf32>
      %broadcast_in_dim3A_445 = vector.shape_cast %reduce_max3A_444 : vector<2xf32> to vector<2x1x1xf32>
      %eq3A_446 = vector.broadcast %broadcast_in_dim3A_445 : vector<2x1x1xf32> to vector<2x64x128xf32>
      %eq3A_447 = arith.cmpf oeq, %min3A_442, %eq3A_446 : vector<2x64x128xf32>
      %jit3A_448 = arith.constant 1073741824 : i32
      %broadcast_in_dim3A_449 = vector.broadcast %jit3A_448 : i32 to vector<2x64x128xi32>
      %select_n3A_450 = arith.select %eq3A_447, %broadcast_in_dim3A_26, %broadcast_in_dim3A_449 : vector<2x64x128xi1>, vector<2x64x128xi32>
      %reduce_min3A_451 = arith.constant dense<2147483647> : vector<2xi32>
      %reduce_min3A_452 = vector.multi_reduction <minsi>, %select_n3A_450, %reduce_min3A_451 [1, 2] : vector<2x64x128xi32> to vector<2xi32>
      %broadcast_in_dim3A_453 = vector.shape_cast %reduce_min3A_452 : vector<2xi32> to vector<2x1x1xi32>
      %eq3A_454 = vector.broadcast %broadcast_in_dim3A_453 : vector<2x1x1xi32> to vector<2x64x128xi32>
      %eq3A_455 = arith.cmpi eq, %broadcast_in_dim3A_26, %eq3A_454 : vector<2x64x128xi32>
      %jit3A_456 = arith.constant 0.000000e+00 : f32
      %broadcast_in_dim3A_457 = vector.broadcast %jit3A_456 : f32 to vector<2x64x128xf32>
      %select_n3A_458 = arith.select %eq3A_455, %get3A_2, %broadcast_in_dim3A_457 : vector<2x64x128xi1>, vector<2x64x128xf32>
      %reduce_sum3A_459 = arith.constant dense<0.000000e+00> : vector<2xf32>
      %reduce_sum3A_460 = vector.multi_reduction <add>, %select_n3A_458, %reduce_sum3A_459 [1, 2] : vector<2x64x128xf32> to vector<2xf32>
      %broadcast_in_dim3A_461 = vector.shape_cast %reduce_sum3A_460 : vector<2xf32> to vector<2x1x1xf32>
      %jit3A_462 = arith.constant 0.000000e+00 : f32
      %broadcast_in_dim3A_463 = vector.broadcast %jit3A_462 : f32 to vector<2x64x128xf32>
      %select_n3A_464 = arith.select %eq3A_455, %get3A_6, %broadcast_in_dim3A_463 : vector<2x64x128xi1>, vector<2x64x128xf32>
      %reduce_sum3A_465 = arith.constant dense<0.000000e+00> : vector<2xf32>
      %reduce_sum3A_466 = vector.multi_reduction <add>, %select_n3A_464, %reduce_sum3A_465 [1, 2] : vector<2x64x128xf32> to vector<2xf32>
      %broadcast_in_dim3A_467 = vector.shape_cast %reduce_sum3A_466 : vector<2xf32> to vector<2x1x1xf32>
      %jit3A_468 = arith.constant 0.000000e+00 : f32
      %broadcast_in_dim3A_469 = vector.broadcast %jit3A_468 : f32 to vector<2x64x128xf32>
      %select_n3A_470 = arith.select %eq3A_455, %get3A_10, %broadcast_in_dim3A_469 : vector<2x64x128xi1>, vector<2x64x128xf32>
      %reduce_sum3A_471 = arith.constant dense<0.000000e+00> : vector<2xf32>
      %reduce_sum3A_472 = vector.multi_reduction <add>, %select_n3A_470, %reduce_sum3A_471 [1, 2] : vector<2x64x128xf32> to vector<2xf32>
      %broadcast_in_dim3A_473 = vector.shape_cast %reduce_sum3A_472 : vector<2xf32> to vector<2x1x1xf32>
      %eq3A_474 = vector.broadcast %scan3A_430 : i32 to vector<2x16x128xi32>
      %eq3A_475 = arith.cmpi eq, %broadcast_in_dim3A_34, %eq3A_474 : vector<2x16x128xi32>
      %broadcast_in_dim3A_476 = vector.shape_cast %broadcast_in_dim3A_453 : vector<2x1x1xi32> to vector<2x1x1xi32>
      %broadcast_in_dim3A_477 = vector.broadcast %broadcast_in_dim3A_476 : vector<2x1x1xi32> to vector<2x16x128xi32>
      %select_n3A_478 = arith.select %eq3A_475, %broadcast_in_dim3A_477, %select_n3A_419 : vector<2x16x128xi1>, vector<2x16x128xi32>
      %broadcast_in_dim3A_479 = vector.shape_cast %broadcast_in_dim3A_461 : vector<2x1x1xf32> to vector<2x1x1xf32>
      %broadcast_in_dim3A_480 = vector.broadcast %broadcast_in_dim3A_479 : vector<2x1x1xf32> to vector<2x16x128xf32>
      %select_n3A_481 = arith.select %eq3A_475, %broadcast_in_dim3A_480, %select_n3A_422 : vector<2x16x128xi1>, vector<2x16x128xf32>
      %broadcast_in_dim3A_482 = vector.shape_cast %broadcast_in_dim3A_467 : vector<2x1x1xf32> to vector<2x1x1xf32>
      %broadcast_in_dim3A_483 = vector.broadcast %broadcast_in_dim3A_482 : vector<2x1x1xf32> to vector<2x16x128xf32>
      %select_n3A_484 = arith.select %eq3A_475, %broadcast_in_dim3A_483, %select_n3A_425 : vector<2x16x128xi1>, vector<2x16x128xf32>
      %broadcast_in_dim3A_485 = vector.shape_cast %broadcast_in_dim3A_473 : vector<2x1x1xf32> to vector<2x1x1xf32>
      %broadcast_in_dim3A_486 = vector.broadcast %broadcast_in_dim3A_485 : vector<2x1x1xf32> to vector<2x16x128xf32>
      %select_n3A_487 = arith.select %eq3A_475, %broadcast_in_dim3A_486, %select_n3A_428 : vector<2x16x128xi1>, vector<2x16x128xf32>
      scf.yield %min3A_442, %broadcast_in_dim3A_461, %broadcast_in_dim3A_467, %broadcast_in_dim3A_473, %select_n3A_478, %select_n3A_481, %select_n3A_484, %select_n3A_487 : vector<2x64x128xf32>, vector<2x1x1xf32>, vector<2x1x1xf32>, vector<2x1x1xf32>, vector<2x16x128xi32>, vector<2x16x128xf32>, vector<2x16x128xf32>, vector<2x16x128xf32>
    }
    %scan3A_57 = arith.constant 2044 : i32
    %scan3A_58 = arith.addi %scan3A, %scan3A_57 : i32
    %sub3A = vector.broadcast %scan3A_56#1 : vector<2x1x1xf32> to vector<2x64x128xf32>
    %sub3A_59 = arith.subf %get3A_2, %sub3A : vector<2x64x128xf32>
    %sub3A_60 = vector.broadcast %scan3A_56#2 : vector<2x1x1xf32> to vector<2x64x128xf32>
    %sub3A_61 = arith.subf %get3A_6, %sub3A_60 : vector<2x64x128xf32>
    %sub3A_62 = vector.broadcast %scan3A_56#3 : vector<2x1x1xf32> to vector<2x64x128xf32>
    %sub3A_63 = arith.subf %get3A_10, %sub3A_62 : vector<2x64x128xf32>
    %mul3A_64 = arith.mulf %sub3A_59, %sub3A_59 : vector<2x64x128xf32>
    %mul3A_65 = arith.mulf %sub3A_61, %sub3A_61 : vector<2x64x128xf32>
    %add3A_66 = arith.addf %mul3A_64, %mul3A_65 : vector<2x64x128xf32>
    %mul3A_67 = arith.mulf %sub3A_63, %sub3A_63 : vector<2x64x128xf32>
    %add3A_68 = arith.addf %add3A_66, %mul3A_67 : vector<2x64x128xf32>
    %min3A = arith.minimumf %scan3A_56#0, %add3A_68 : vector<2x64x128xf32>
    %reduce_max3A = arith.constant dense<0xFF800000> : vector<2xf32>
    %reduce_max3A_69 = vector.multi_reduction <maximumf>, %min3A, %reduce_max3A [1, 2] : vector<2x64x128xf32> to vector<2xf32>
    %broadcast_in_dim3A_70 = vector.shape_cast %reduce_max3A_69 : vector<2xf32> to vector<2x1x1xf32>
    %eq3A_71 = vector.broadcast %broadcast_in_dim3A_70 : vector<2x1x1xf32> to vector<2x64x128xf32>
    %eq3A_72 = arith.cmpf oeq, %min3A, %eq3A_71 : vector<2x64x128xf32>
    %jit3A = arith.constant 1073741824 : i32
    %broadcast_in_dim3A_73 = vector.broadcast %jit3A : i32 to vector<2x64x128xi32>
    %select_n3A_74 = arith.select %eq3A_72, %broadcast_in_dim3A_26, %broadcast_in_dim3A_73 : vector<2x64x128xi1>, vector<2x64x128xi32>
    %reduce_min3A = arith.constant dense<2147483647> : vector<2xi32>
    %reduce_min3A_75 = vector.multi_reduction <minsi>, %select_n3A_74, %reduce_min3A [1, 2] : vector<2x64x128xi32> to vector<2xi32>
    %broadcast_in_dim3A_76 = vector.shape_cast %reduce_min3A_75 : vector<2xi32> to vector<2x1x1xi32>
    %eq3A_77 = vector.broadcast %broadcast_in_dim3A_76 : vector<2x1x1xi32> to vector<2x64x128xi32>
    %eq3A_78 = arith.cmpi eq, %broadcast_in_dim3A_26, %eq3A_77 : vector<2x64x128xi32>
    %jit3A_79 = arith.constant 0.000000e+00 : f32
    %broadcast_in_dim3A_80 = vector.broadcast %jit3A_79 : f32 to vector<2x64x128xf32>
    %select_n3A_81 = arith.select %eq3A_78, %get3A_2, %broadcast_in_dim3A_80 : vector<2x64x128xi1>, vector<2x64x128xf32>
    %reduce_sum3A = arith.constant dense<0.000000e+00> : vector<2xf32>
    %reduce_sum3A_82 = vector.multi_reduction <add>, %select_n3A_81, %reduce_sum3A [1, 2] : vector<2x64x128xf32> to vector<2xf32>
    %broadcast_in_dim3A_83 = vector.shape_cast %reduce_sum3A_82 : vector<2xf32> to vector<2x1x1xf32>
    %jit3A_84 = arith.constant 0.000000e+00 : f32
    %broadcast_in_dim3A_85 = vector.broadcast %jit3A_84 : f32 to vector<2x64x128xf32>
    %select_n3A_86 = arith.select %eq3A_78, %get3A_6, %broadcast_in_dim3A_85 : vector<2x64x128xi1>, vector<2x64x128xf32>
    %reduce_sum3A_87 = arith.constant dense<0.000000e+00> : vector<2xf32>
    %reduce_sum3A_88 = vector.multi_reduction <add>, %select_n3A_86, %reduce_sum3A_87 [1, 2] : vector<2x64x128xf32> to vector<2xf32>
    %broadcast_in_dim3A_89 = vector.shape_cast %reduce_sum3A_88 : vector<2xf32> to vector<2x1x1xf32>
    %jit3A_90 = arith.constant 0.000000e+00 : f32
    %broadcast_in_dim3A_91 = vector.broadcast %jit3A_90 : f32 to vector<2x64x128xf32>
    %select_n3A_92 = arith.select %eq3A_78, %get3A_10, %broadcast_in_dim3A_91 : vector<2x64x128xi1>, vector<2x64x128xf32>
    %reduce_sum3A_93 = arith.constant dense<0.000000e+00> : vector<2xf32>
    %reduce_sum3A_94 = vector.multi_reduction <add>, %select_n3A_92, %reduce_sum3A_93 [1, 2] : vector<2x64x128xf32> to vector<2xf32>
    %broadcast_in_dim3A_95 = vector.shape_cast %reduce_sum3A_94 : vector<2xf32> to vector<2x1x1xf32>
    %eq3A_96 = vector.broadcast %scan3A_58 : i32 to vector<2x16x128xi32>
    %eq3A_97 = arith.cmpi eq, %broadcast_in_dim3A_34, %eq3A_96 : vector<2x16x128xi32>
    %broadcast_in_dim3A_98 = vector.shape_cast %broadcast_in_dim3A_76 : vector<2x1x1xi32> to vector<2x1x1xi32>
    %broadcast_in_dim3A_99 = vector.broadcast %broadcast_in_dim3A_98 : vector<2x1x1xi32> to vector<2x16x128xi32>
    %select_n3A_100 = arith.select %eq3A_97, %broadcast_in_dim3A_99, %scan3A_56#4 : vector<2x16x128xi1>, vector<2x16x128xi32>
    %broadcast_in_dim3A_101 = vector.shape_cast %broadcast_in_dim3A_83 : vector<2x1x1xf32> to vector<2x1x1xf32>
    %broadcast_in_dim3A_102 = vector.broadcast %broadcast_in_dim3A_101 : vector<2x1x1xf32> to vector<2x16x128xf32>
    %select_n3A_103 = arith.select %eq3A_97, %broadcast_in_dim3A_102, %scan3A_56#5 : vector<2x16x128xi1>, vector<2x16x128xf32>
    %broadcast_in_dim3A_104 = vector.shape_cast %broadcast_in_dim3A_89 : vector<2x1x1xf32> to vector<2x1x1xf32>
    %broadcast_in_dim3A_105 = vector.broadcast %broadcast_in_dim3A_104 : vector<2x1x1xf32> to vector<2x16x128xf32>
    %select_n3A_106 = arith.select %eq3A_97, %broadcast_in_dim3A_105, %scan3A_56#6 : vector<2x16x128xi1>, vector<2x16x128xf32>
    %broadcast_in_dim3A_107 = vector.shape_cast %broadcast_in_dim3A_95 : vector<2x1x1xf32> to vector<2x1x1xf32>
    %broadcast_in_dim3A_108 = vector.broadcast %broadcast_in_dim3A_107 : vector<2x1x1xf32> to vector<2x16x128xf32>
    %select_n3A_109 = arith.select %eq3A_97, %broadcast_in_dim3A_108, %scan3A_56#7 : vector<2x16x128xi1>, vector<2x16x128xf32>
    %scan3A_110 = arith.constant 2045 : i32
    %scan3A_111 = arith.addi %scan3A, %scan3A_110 : i32
    %sub3A_112 = vector.broadcast %broadcast_in_dim3A_83 : vector<2x1x1xf32> to vector<2x64x128xf32>
    %sub3A_113 = arith.subf %get3A_2, %sub3A_112 : vector<2x64x128xf32>
    %sub3A_114 = vector.broadcast %broadcast_in_dim3A_89 : vector<2x1x1xf32> to vector<2x64x128xf32>
    %sub3A_115 = arith.subf %get3A_6, %sub3A_114 : vector<2x64x128xf32>
    %sub3A_116 = vector.broadcast %broadcast_in_dim3A_95 : vector<2x1x1xf32> to vector<2x64x128xf32>
    %sub3A_117 = arith.subf %get3A_10, %sub3A_116 : vector<2x64x128xf32>
    %mul3A_118 = arith.mulf %sub3A_113, %sub3A_113 : vector<2x64x128xf32>
    %mul3A_119 = arith.mulf %sub3A_115, %sub3A_115 : vector<2x64x128xf32>
    %add3A_120 = arith.addf %mul3A_118, %mul3A_119 : vector<2x64x128xf32>
    %mul3A_121 = arith.mulf %sub3A_117, %sub3A_117 : vector<2x64x128xf32>
    %add3A_122 = arith.addf %add3A_120, %mul3A_121 : vector<2x64x128xf32>
    %min3A_123 = arith.minimumf %min3A, %add3A_122 : vector<2x64x128xf32>
    %reduce_max3A_124 = arith.constant dense<0xFF800000> : vector<2xf32>
    %reduce_max3A_125 = vector.multi_reduction <maximumf>, %min3A_123, %reduce_max3A_124 [1, 2] : vector<2x64x128xf32> to vector<2xf32>
    %broadcast_in_dim3A_126 = vector.shape_cast %reduce_max3A_125 : vector<2xf32> to vector<2x1x1xf32>
    %eq3A_127 = vector.broadcast %broadcast_in_dim3A_126 : vector<2x1x1xf32> to vector<2x64x128xf32>
    %eq3A_128 = arith.cmpf oeq, %min3A_123, %eq3A_127 : vector<2x64x128xf32>
    %jit3A_129 = arith.constant 1073741824 : i32
    %broadcast_in_dim3A_130 = vector.broadcast %jit3A_129 : i32 to vector<2x64x128xi32>
    %select_n3A_131 = arith.select %eq3A_128, %broadcast_in_dim3A_26, %broadcast_in_dim3A_130 : vector<2x64x128xi1>, vector<2x64x128xi32>
    %reduce_min3A_132 = arith.constant dense<2147483647> : vector<2xi32>
    %reduce_min3A_133 = vector.multi_reduction <minsi>, %select_n3A_131, %reduce_min3A_132 [1, 2] : vector<2x64x128xi32> to vector<2xi32>
    %broadcast_in_dim3A_134 = vector.shape_cast %reduce_min3A_133 : vector<2xi32> to vector<2x1x1xi32>
    %eq3A_135 = vector.broadcast %broadcast_in_dim3A_134 : vector<2x1x1xi32> to vector<2x64x128xi32>
    %eq3A_136 = arith.cmpi eq, %broadcast_in_dim3A_26, %eq3A_135 : vector<2x64x128xi32>
    %jit3A_137 = arith.constant 0.000000e+00 : f32
    %broadcast_in_dim3A_138 = vector.broadcast %jit3A_137 : f32 to vector<2x64x128xf32>
    %select_n3A_139 = arith.select %eq3A_136, %get3A_2, %broadcast_in_dim3A_138 : vector<2x64x128xi1>, vector<2x64x128xf32>
    %reduce_sum3A_140 = arith.constant dense<0.000000e+00> : vector<2xf32>
    %reduce_sum3A_141 = vector.multi_reduction <add>, %select_n3A_139, %reduce_sum3A_140 [1, 2] : vector<2x64x128xf32> to vector<2xf32>
    %broadcast_in_dim3A_142 = vector.shape_cast %reduce_sum3A_141 : vector<2xf32> to vector<2x1x1xf32>
    %jit3A_143 = arith.constant 0.000000e+00 : f32
    %broadcast_in_dim3A_144 = vector.broadcast %jit3A_143 : f32 to vector<2x64x128xf32>
    %select_n3A_145 = arith.select %eq3A_136, %get3A_6, %broadcast_in_dim3A_144 : vector<2x64x128xi1>, vector<2x64x128xf32>
    %reduce_sum3A_146 = arith.constant dense<0.000000e+00> : vector<2xf32>
    %reduce_sum3A_147 = vector.multi_reduction <add>, %select_n3A_145, %reduce_sum3A_146 [1, 2] : vector<2x64x128xf32> to vector<2xf32>
    %broadcast_in_dim3A_148 = vector.shape_cast %reduce_sum3A_147 : vector<2xf32> to vector<2x1x1xf32>
    %jit3A_149 = arith.constant 0.000000e+00 : f32
    %broadcast_in_dim3A_150 = vector.broadcast %jit3A_149 : f32 to vector<2x64x128xf32>
    %select_n3A_151 = arith.select %eq3A_136, %get3A_10, %broadcast_in_dim3A_150 : vector<2x64x128xi1>, vector<2x64x128xf32>
    %reduce_sum3A_152 = arith.constant dense<0.000000e+00> : vector<2xf32>
    %reduce_sum3A_153 = vector.multi_reduction <add>, %select_n3A_151, %reduce_sum3A_152 [1, 2] : vector<2x64x128xf32> to vector<2xf32>
    %broadcast_in_dim3A_154 = vector.shape_cast %reduce_sum3A_153 : vector<2xf32> to vector<2x1x1xf32>
    %eq3A_155 = vector.broadcast %scan3A_111 : i32 to vector<2x16x128xi32>
    %eq3A_156 = arith.cmpi eq, %broadcast_in_dim3A_34, %eq3A_155 : vector<2x16x128xi32>
    %broadcast_in_dim3A_157 = vector.shape_cast %broadcast_in_dim3A_134 : vector<2x1x1xi32> to vector<2x1x1xi32>
    %broadcast_in_dim3A_158 = vector.broadcast %broadcast_in_dim3A_157 : vector<2x1x1xi32> to vector<2x16x128xi32>
    %select_n3A_159 = arith.select %eq3A_156, %broadcast_in_dim3A_158, %select_n3A_100 : vector<2x16x128xi1>, vector<2x16x128xi32>
    %broadcast_in_dim3A_160 = vector.shape_cast %broadcast_in_dim3A_142 : vector<2x1x1xf32> to vector<2x1x1xf32>
    %broadcast_in_dim3A_161 = vector.broadcast %broadcast_in_dim3A_160 : vector<2x1x1xf32> to vector<2x16x128xf32>
    %select_n3A_162 = arith.select %eq3A_156, %broadcast_in_dim3A_161, %select_n3A_103 : vector<2x16x128xi1>, vector<2x16x128xf32>
    %broadcast_in_dim3A_163 = vector.shape_cast %broadcast_in_dim3A_148 : vector<2x1x1xf32> to vector<2x1x1xf32>
    %broadcast_in_dim3A_164 = vector.broadcast %broadcast_in_dim3A_163 : vector<2x1x1xf32> to vector<2x16x128xf32>
    %select_n3A_165 = arith.select %eq3A_156, %broadcast_in_dim3A_164, %select_n3A_106 : vector<2x16x128xi1>, vector<2x16x128xf32>
    %broadcast_in_dim3A_166 = vector.shape_cast %broadcast_in_dim3A_154 : vector<2x1x1xf32> to vector<2x1x1xf32>
    %broadcast_in_dim3A_167 = vector.broadcast %broadcast_in_dim3A_166 : vector<2x1x1xf32> to vector<2x16x128xf32>
    %select_n3A_168 = arith.select %eq3A_156, %broadcast_in_dim3A_167, %select_n3A_109 : vector<2x16x128xi1>, vector<2x16x128xf32>
    %scan3A_169 = arith.constant 2046 : i32
    %scan3A_170 = arith.addi %scan3A, %scan3A_169 : i32
    %sub3A_171 = vector.broadcast %broadcast_in_dim3A_142 : vector<2x1x1xf32> to vector<2x64x128xf32>
    %sub3A_172 = arith.subf %get3A_2, %sub3A_171 : vector<2x64x128xf32>
    %sub3A_173 = vector.broadcast %broadcast_in_dim3A_148 : vector<2x1x1xf32> to vector<2x64x128xf32>
    %sub3A_174 = arith.subf %get3A_6, %sub3A_173 : vector<2x64x128xf32>
    %sub3A_175 = vector.broadcast %broadcast_in_dim3A_154 : vector<2x1x1xf32> to vector<2x64x128xf32>
    %sub3A_176 = arith.subf %get3A_10, %sub3A_175 : vector<2x64x128xf32>
    %mul3A_177 = arith.mulf %sub3A_172, %sub3A_172 : vector<2x64x128xf32>
    %mul3A_178 = arith.mulf %sub3A_174, %sub3A_174 : vector<2x64x128xf32>
    %add3A_179 = arith.addf %mul3A_177, %mul3A_178 : vector<2x64x128xf32>
    %mul3A_180 = arith.mulf %sub3A_176, %sub3A_176 : vector<2x64x128xf32>
    %add3A_181 = arith.addf %add3A_179, %mul3A_180 : vector<2x64x128xf32>
    %min3A_182 = arith.minimumf %min3A_123, %add3A_181 : vector<2x64x128xf32>
    %reduce_max3A_183 = arith.constant dense<0xFF800000> : vector<2xf32>
    %reduce_max3A_184 = vector.multi_reduction <maximumf>, %min3A_182, %reduce_max3A_183 [1, 2] : vector<2x64x128xf32> to vector<2xf32>
    %broadcast_in_dim3A_185 = vector.shape_cast %reduce_max3A_184 : vector<2xf32> to vector<2x1x1xf32>
    %eq3A_186 = vector.broadcast %broadcast_in_dim3A_185 : vector<2x1x1xf32> to vector<2x64x128xf32>
    %eq3A_187 = arith.cmpf oeq, %min3A_182, %eq3A_186 : vector<2x64x128xf32>
    %jit3A_188 = arith.constant 1073741824 : i32
    %broadcast_in_dim3A_189 = vector.broadcast %jit3A_188 : i32 to vector<2x64x128xi32>
    %select_n3A_190 = arith.select %eq3A_187, %broadcast_in_dim3A_26, %broadcast_in_dim3A_189 : vector<2x64x128xi1>, vector<2x64x128xi32>
    %reduce_min3A_191 = arith.constant dense<2147483647> : vector<2xi32>
    %reduce_min3A_192 = vector.multi_reduction <minsi>, %select_n3A_190, %reduce_min3A_191 [1, 2] : vector<2x64x128xi32> to vector<2xi32>
    %broadcast_in_dim3A_193 = vector.shape_cast %reduce_min3A_192 : vector<2xi32> to vector<2x1x1xi32>
    %eq3A_194 = vector.broadcast %broadcast_in_dim3A_193 : vector<2x1x1xi32> to vector<2x64x128xi32>
    %eq3A_195 = arith.cmpi eq, %broadcast_in_dim3A_26, %eq3A_194 : vector<2x64x128xi32>
    %jit3A_196 = arith.constant 0.000000e+00 : f32
    %broadcast_in_dim3A_197 = vector.broadcast %jit3A_196 : f32 to vector<2x64x128xf32>
    %select_n3A_198 = arith.select %eq3A_195, %get3A_2, %broadcast_in_dim3A_197 : vector<2x64x128xi1>, vector<2x64x128xf32>
    %reduce_sum3A_199 = arith.constant dense<0.000000e+00> : vector<2xf32>
    %reduce_sum3A_200 = vector.multi_reduction <add>, %select_n3A_198, %reduce_sum3A_199 [1, 2] : vector<2x64x128xf32> to vector<2xf32>
    %broadcast_in_dim3A_201 = vector.shape_cast %reduce_sum3A_200 : vector<2xf32> to vector<2x1x1xf32>
    %jit3A_202 = arith.constant 0.000000e+00 : f32
    %broadcast_in_dim3A_203 = vector.broadcast %jit3A_202 : f32 to vector<2x64x128xf32>
    %select_n3A_204 = arith.select %eq3A_195, %get3A_6, %broadcast_in_dim3A_203 : vector<2x64x128xi1>, vector<2x64x128xf32>
    %reduce_sum3A_205 = arith.constant dense<0.000000e+00> : vector<2xf32>
    %reduce_sum3A_206 = vector.multi_reduction <add>, %select_n3A_204, %reduce_sum3A_205 [1, 2] : vector<2x64x128xf32> to vector<2xf32>
    %broadcast_in_dim3A_207 = vector.shape_cast %reduce_sum3A_206 : vector<2xf32> to vector<2x1x1xf32>
    %jit3A_208 = arith.constant 0.000000e+00 : f32
    %broadcast_in_dim3A_209 = vector.broadcast %jit3A_208 : f32 to vector<2x64x128xf32>
    %select_n3A_210 = arith.select %eq3A_195, %get3A_10, %broadcast_in_dim3A_209 : vector<2x64x128xi1>, vector<2x64x128xf32>
    %reduce_sum3A_211 = arith.constant dense<0.000000e+00> : vector<2xf32>
    %reduce_sum3A_212 = vector.multi_reduction <add>, %select_n3A_210, %reduce_sum3A_211 [1, 2] : vector<2x64x128xf32> to vector<2xf32>
    %broadcast_in_dim3A_213 = vector.shape_cast %reduce_sum3A_212 : vector<2xf32> to vector<2x1x1xf32>
    %eq3A_214 = vector.broadcast %scan3A_170 : i32 to vector<2x16x128xi32>
    %eq3A_215 = arith.cmpi eq, %broadcast_in_dim3A_34, %eq3A_214 : vector<2x16x128xi32>
    %broadcast_in_dim3A_216 = vector.shape_cast %broadcast_in_dim3A_193 : vector<2x1x1xi32> to vector<2x1x1xi32>
    %broadcast_in_dim3A_217 = vector.broadcast %broadcast_in_dim3A_216 : vector<2x1x1xi32> to vector<2x16x128xi32>
    %select_n3A_218 = arith.select %eq3A_215, %broadcast_in_dim3A_217, %select_n3A_159 : vector<2x16x128xi1>, vector<2x16x128xi32>
    %broadcast_in_dim3A_219 = vector.shape_cast %broadcast_in_dim3A_201 : vector<2x1x1xf32> to vector<2x1x1xf32>
    %broadcast_in_dim3A_220 = vector.broadcast %broadcast_in_dim3A_219 : vector<2x1x1xf32> to vector<2x16x128xf32>
    %select_n3A_221 = arith.select %eq3A_215, %broadcast_in_dim3A_220, %select_n3A_162 : vector<2x16x128xi1>, vector<2x16x128xf32>
    %broadcast_in_dim3A_222 = vector.shape_cast %broadcast_in_dim3A_207 : vector<2x1x1xf32> to vector<2x1x1xf32>
    %broadcast_in_dim3A_223 = vector.broadcast %broadcast_in_dim3A_222 : vector<2x1x1xf32> to vector<2x16x128xf32>
    %select_n3A_224 = arith.select %eq3A_215, %broadcast_in_dim3A_223, %select_n3A_165 : vector<2x16x128xi1>, vector<2x16x128xf32>
    %broadcast_in_dim3A_225 = vector.shape_cast %broadcast_in_dim3A_213 : vector<2x1x1xf32> to vector<2x1x1xf32>
    %broadcast_in_dim3A_226 = vector.broadcast %broadcast_in_dim3A_225 : vector<2x1x1xf32> to vector<2x16x128xf32>
    %select_n3A_227 = arith.select %eq3A_215, %broadcast_in_dim3A_226, %select_n3A_168 : vector<2x16x128xi1>, vector<2x16x128xf32>
    %scan3A_228 = arith.constant 2047 : i32
    %swap3A_229 = arith.constant 0 : index
    %swap3A_230 = arith.constant 0 : index
    %swap3A_231 = arith.constant 0 : index
    %swap3A_232 = vector.load %arg5[%swap3A_229, %swap3A_230, %swap3A_231] : memref<2x16x128xi32, #tpu.memory_space<vmem>>, vector<2x16x128xi32>
    tpu.vector_store %arg5[%swap3A_229, %swap3A_230, %swap3A_231], %select_n3A_218 {strides = array<i32>} : memref<2x16x128xi32, #tpu.memory_space<vmem>>, vector<2x16x128xi32>,
    %swap3A_233 = arith.constant 0 : index
    %swap3A_234 = arith.constant 0 : index
    %swap3A_235 = arith.constant 0 : index
    %swap3A_236 = vector.load %arg6[%swap3A_233, %swap3A_234, %swap3A_235] : memref<2x16x128xf32, #tpu.memory_space<vmem>>, vector<2x16x128xf32>
    tpu.vector_store %arg6[%swap3A_233, %swap3A_234, %swap3A_235], %select_n3A_221 {strides = array<i32>} : memref<2x16x128xf32, #tpu.memory_space<vmem>>, vector<2x16x128xf32>,
    %swap3A_237 = arith.constant 0 : index
    %swap3A_238 = arith.constant 0 : index
    %swap3A_239 = arith.constant 0 : index
    %swap3A_240 = vector.load %arg7[%swap3A_237, %swap3A_238, %swap3A_239] : memref<2x16x128xf32, #tpu.memory_space<vmem>>, vector<2x16x128xf32>
    tpu.vector_store %arg7[%swap3A_237, %swap3A_238, %swap3A_239], %select_n3A_224 {strides = array<i32>} : memref<2x16x128xf32, #tpu.memory_space<vmem>>, vector<2x16x128xf32>,
    %swap3A_241 = arith.constant 0 : index
    %swap3A_242 = arith.constant 0 : index
    %swap3A_243 = arith.constant 0 : index
    %swap3A_244 = vector.load %arg8[%swap3A_241, %swap3A_242, %swap3A_243] : memref<2x16x128xf32, #tpu.memory_space<vmem>>, vector<2x16x128xf32>
    tpu.vector_store %arg8[%swap3A_241, %swap3A_242, %swap3A_243], %select_n3A_227 {strides = array<i32>} : memref<2x16x128xf32, #tpu.memory_space<vmem>>, vector<2x16x128xf32>,
    return
  }
}

module attributes {stable_mosaic.version = 14 : i64} {
  func.func @_knn_body(%arg0: i32, %arg1: i32, %arg2: memref<1x64x128xf32, #tpu.memory_space<vmem>>, %arg3: memref<1x64x128xf32, #tpu.memory_space<vmem>>, %arg4: memref<1x64x128xf32, #tpu.memory_space<vmem>>, %arg5: memref<1x128x1xf32, #tpu.memory_space<vmem>>, %arg6: memref<1x128x1xf32, #tpu.memory_space<vmem>>, %arg7: memref<1x128x1xf32, #tpu.memory_space<vmem>>, %arg8: memref<1x128x16xi32, #tpu.memory_space<vmem>>) attributes {dimension_semantics = [#tpu.dimension_semantics<arbitrary>, #tpu.dimension_semantics<arbitrary>], iteration_bounds = array<i64: 2, 16>, scalar_prefetch = 0 : i64, scratch_operands = 0 : i64, tpu.core_type = #tpu.core_type<tc>, window_params = [{transform_indices = @transform_0, window_bounds = array<i64: 1, 64, 128>}, {transform_indices = @transform_1, window_bounds = array<i64: 1, 64, 128>}, {transform_indices = @transform_2, window_bounds = array<i64: 1, 64, 128>}, {transform_indices = @transform_3, window_bounds = array<i64: 1, 128, 1>}, {transform_indices = @transform_4, window_bounds = array<i64: 1, 128, 1>}, {transform_indices = @transform_5, window_bounds = array<i64: 1, 128, 1>}, {transform_indices = @transform_6, window_bounds = array<i64: 1, 128, 16>}]} {
    %get3A = arith.constant 0 : index
    %get3A_0 = arith.constant 0 : index
    %get3A_1 = arith.constant 0 : index
    %get3A_2 = vector.load %arg2[%get3A, %get3A_0, %get3A_1] : memref<1x64x128xf32, #tpu.memory_space<vmem>>, vector<1x64x128xf32>
    %get3A_3 = vector.shape_cast %get3A_2 : vector<1x64x128xf32> to vector<64x128xf32>
    %broadcast_in_dim3A = vector.shape_cast %get3A_3 : vector<64x128xf32> to vector<1x64x128xf32>
    %get3A_4 = arith.constant 0 : index
    %get3A_5 = arith.constant 0 : index
    %get3A_6 = arith.constant 0 : index
    %get3A_7 = vector.load %arg3[%get3A_4, %get3A_5, %get3A_6] : memref<1x64x128xf32, #tpu.memory_space<vmem>>, vector<1x64x128xf32>
    %get3A_8 = vector.shape_cast %get3A_7 : vector<1x64x128xf32> to vector<64x128xf32>
    %broadcast_in_dim3A_9 = vector.shape_cast %get3A_8 : vector<64x128xf32> to vector<1x64x128xf32>
    %get3A_10 = arith.constant 0 : index
    %get3A_11 = arith.constant 0 : index
    %get3A_12 = arith.constant 0 : index
    %get3A_13 = vector.load %arg4[%get3A_10, %get3A_11, %get3A_12] : memref<1x64x128xf32, #tpu.memory_space<vmem>>, vector<1x64x128xf32>
    %get3A_14 = vector.shape_cast %get3A_13 : vector<1x64x128xf32> to vector<64x128xf32>
    %broadcast_in_dim3A_15 = vector.shape_cast %get3A_14 : vector<64x128xf32> to vector<1x64x128xf32>
    %get3A_16 = arith.constant 0 : index
    %get3A_17 = arith.constant 0 : index
    %get3A_18 = arith.constant 0 : index
    %get3A_19 = vector.load %arg5[%get3A_16, %get3A_17, %get3A_18] : memref<1x128x1xf32, #tpu.memory_space<vmem>>, vector<1x128x1xf32>
    %get3A_20 = vector.shape_cast %get3A_19 : vector<1x128x1xf32> to vector<128x1xf32>
    %broadcast_in_dim3A_21 = vector.shape_cast %get3A_20 : vector<128x1xf32> to vector<128x1x1xf32>
    %get3A_22 = arith.constant 0 : index
    %get3A_23 = arith.constant 0 : index
    %get3A_24 = arith.constant 0 : index
    %get3A_25 = vector.load %arg6[%get3A_22, %get3A_23, %get3A_24] : memref<1x128x1xf32, #tpu.memory_space<vmem>>, vector<1x128x1xf32>
    %get3A_26 = vector.shape_cast %get3A_25 : vector<1x128x1xf32> to vector<128x1xf32>
    %broadcast_in_dim3A_27 = vector.shape_cast %get3A_26 : vector<128x1xf32> to vector<128x1x1xf32>
    %get3A_28 = arith.constant 0 : index
    %get3A_29 = arith.constant 0 : index
    %get3A_30 = arith.constant 0 : index
    %get3A_31 = vector.load %arg7[%get3A_28, %get3A_29, %get3A_30] : memref<1x128x1xf32, #tpu.memory_space<vmem>>, vector<1x128x1xf32>
    %get3A_32 = vector.shape_cast %get3A_31 : vector<1x128x1xf32> to vector<128x1xf32>
    %broadcast_in_dim3A_33 = vector.shape_cast %get3A_32 : vector<128x1xf32> to vector<128x1x1xf32>
    %sub3A = vector.broadcast %broadcast_in_dim3A_21 : vector<128x1x1xf32> to vector<128x64x128xf32>
    %sub3A_34 = vector.broadcast %broadcast_in_dim3A : vector<1x64x128xf32> to vector<128x64x128xf32>
    %sub3A_35 = arith.subf %sub3A, %sub3A_34 : vector<128x64x128xf32>
    %sub3A_36 = vector.broadcast %broadcast_in_dim3A_27 : vector<128x1x1xf32> to vector<128x64x128xf32>
    %sub3A_37 = vector.broadcast %broadcast_in_dim3A_9 : vector<1x64x128xf32> to vector<128x64x128xf32>
    %sub3A_38 = arith.subf %sub3A_36, %sub3A_37 : vector<128x64x128xf32>
    %sub3A_39 = vector.broadcast %broadcast_in_dim3A_33 : vector<128x1x1xf32> to vector<128x64x128xf32>
    %sub3A_40 = vector.broadcast %broadcast_in_dim3A_15 : vector<1x64x128xf32> to vector<128x64x128xf32>
    %sub3A_41 = arith.subf %sub3A_39, %sub3A_40 : vector<128x64x128xf32>
    %mul3A = arith.mulf %sub3A_35, %sub3A_35 : vector<128x64x128xf32>
    %mul3A_42 = arith.mulf %sub3A_38, %sub3A_38 : vector<128x64x128xf32>
    %add3A = arith.addf %mul3A, %mul3A_42 : vector<128x64x128xf32>
    %mul3A_43 = arith.mulf %sub3A_41, %sub3A_41 : vector<128x64x128xf32>
    %add3A_44 = arith.addf %add3A, %mul3A_43 : vector<128x64x128xf32>
    %iota3A = tpu.iota {dimensions = array<i32: 1>} : vector<128x64x128xi32>
    %iota3A_45 = tpu.iota {dimensions = array<i32: 2>} : vector<128x1x128xi32>
    %mul3A_46 = arith.constant 64 : i32
    %mul3A_47 = vector.broadcast %mul3A_46 : i32 to vector<128x1x128xi32>
    %mul3A_48 = arith.muli %iota3A_45, %mul3A_47 : vector<128x1x128xi32>
    %reduce_min3A = arith.constant dense<0x7F800000> : vector<128x128xf32>
    %reduce_min3A_49 = vector.multi_reduction <minimumf>, %add3A_44, %reduce_min3A [1] : vector<128x64x128xf32> to vector<128x128xf32>
    %broadcast_in_dim3A_50 = vector.shape_cast %reduce_min3A_49 : vector<128x128xf32> to vector<128x1x128xf32>
    %eq3A = vector.broadcast %broadcast_in_dim3A_50 : vector<128x1x128xf32> to vector<128x64x128xf32>
    %eq3A_51 = arith.cmpf oeq, %add3A_44, %eq3A : vector<128x64x128xf32>
    %jit3A = arith.constant 1073741824 : i32
    %broadcast_in_dim3A_52 = vector.broadcast %jit3A : i32 to vector<128x64x128xi32>
    %select_n3A = arith.select %eq3A_51, %iota3A, %broadcast_in_dim3A_52 : vector<128x64x128xi1>, vector<128x64x128xi32>
    %reduce_min3A_53 = arith.constant dense<2147483647> : vector<128x128xi32>
    %reduce_min3A_54 = vector.multi_reduction <minsi>, %select_n3A, %reduce_min3A_53 [1] : vector<128x64x128xi32> to vector<128x128xi32>
    %broadcast_in_dim3A_55 = vector.shape_cast %reduce_min3A_54 : vector<128x128xi32> to vector<128x1x128xi32>
    %squeeze3A = vector.shape_cast %broadcast_in_dim3A_50 : vector<128x1x128xf32> to vector<128x128xf32>
    %add3A_56 = arith.addi %mul3A_48, %broadcast_in_dim3A_55 : vector<128x1x128xi32>
    %squeeze3A_57 = vector.shape_cast %add3A_56 : vector<128x1x128xi32> to vector<128x128xi32>
    %eq3A_58 = vector.broadcast %broadcast_in_dim3A_55 : vector<128x1x128xi32> to vector<128x64x128xi32>
    %eq3A_59 = arith.cmpi eq, %iota3A, %eq3A_58 : vector<128x64x128xi32>
    %jit3A_60 = arith.constant 3.000000e+38 : f32
    %broadcast_in_dim3A_61 = vector.broadcast %jit3A_60 : f32 to vector<128x64x128xf32>
    %select_n3A_62 = arith.select %eq3A_59, %broadcast_in_dim3A_61, %add3A_44 : vector<128x64x128xi1>, vector<128x64x128xf32>
    %reduce_min3A_63 = arith.constant dense<0x7F800000> : vector<128x128xf32>
    %reduce_min3A_64 = vector.multi_reduction <minimumf>, %select_n3A_62, %reduce_min3A_63 [1] : vector<128x64x128xf32> to vector<128x128xf32>
    %broadcast_in_dim3A_65 = vector.shape_cast %reduce_min3A_64 : vector<128x128xf32> to vector<128x1x128xf32>
    %eq3A_66 = vector.broadcast %broadcast_in_dim3A_65 : vector<128x1x128xf32> to vector<128x64x128xf32>
    %eq3A_67 = arith.cmpf oeq, %select_n3A_62, %eq3A_66 : vector<128x64x128xf32>
    %jit3A_68 = arith.constant 1073741824 : i32
    %broadcast_in_dim3A_69 = vector.broadcast %jit3A_68 : i32 to vector<128x64x128xi32>
    %select_n3A_70 = arith.select %eq3A_67, %iota3A, %broadcast_in_dim3A_69 : vector<128x64x128xi1>, vector<128x64x128xi32>
    %reduce_min3A_71 = arith.constant dense<2147483647> : vector<128x128xi32>
    %reduce_min3A_72 = vector.multi_reduction <minsi>, %select_n3A_70, %reduce_min3A_71 [1] : vector<128x64x128xi32> to vector<128x128xi32>
    %broadcast_in_dim3A_73 = vector.shape_cast %reduce_min3A_72 : vector<128x128xi32> to vector<128x1x128xi32>
    %squeeze3A_74 = vector.shape_cast %broadcast_in_dim3A_65 : vector<128x1x128xf32> to vector<128x128xf32>
    %add3A_75 = arith.addi %mul3A_48, %broadcast_in_dim3A_73 : vector<128x1x128xi32>
    %squeeze3A_76 = vector.shape_cast %add3A_75 : vector<128x1x128xi32> to vector<128x128xi32>
    %eq3A_77 = vector.broadcast %broadcast_in_dim3A_73 : vector<128x1x128xi32> to vector<128x64x128xi32>
    %eq3A_78 = arith.cmpi eq, %iota3A, %eq3A_77 : vector<128x64x128xi32>
    %jit3A_79 = arith.constant 3.000000e+38 : f32
    %broadcast_in_dim3A_80 = vector.broadcast %jit3A_79 : f32 to vector<128x64x128xf32>
    %select_n3A_81 = arith.select %eq3A_78, %broadcast_in_dim3A_80, %select_n3A_62 : vector<128x64x128xi1>, vector<128x64x128xf32>
    %reduce_min3A_82 = arith.constant dense<0x7F800000> : vector<128x128xf32>
    %reduce_min3A_83 = vector.multi_reduction <minimumf>, %select_n3A_81, %reduce_min3A_82 [1] : vector<128x64x128xf32> to vector<128x128xf32>
    %broadcast_in_dim3A_84 = vector.shape_cast %reduce_min3A_83 : vector<128x128xf32> to vector<128x1x128xf32>
    %eq3A_85 = vector.broadcast %broadcast_in_dim3A_84 : vector<128x1x128xf32> to vector<128x64x128xf32>
    %eq3A_86 = arith.cmpf oeq, %select_n3A_81, %eq3A_85 : vector<128x64x128xf32>
    %jit3A_87 = arith.constant 1073741824 : i32
    %broadcast_in_dim3A_88 = vector.broadcast %jit3A_87 : i32 to vector<128x64x128xi32>
    %select_n3A_89 = arith.select %eq3A_86, %iota3A, %broadcast_in_dim3A_88 : vector<128x64x128xi1>, vector<128x64x128xi32>
    %reduce_min3A_90 = arith.constant dense<2147483647> : vector<128x128xi32>
    %reduce_min3A_91 = vector.multi_reduction <minsi>, %select_n3A_89, %reduce_min3A_90 [1] : vector<128x64x128xi32> to vector<128x128xi32>
    %broadcast_in_dim3A_92 = vector.shape_cast %reduce_min3A_91 : vector<128x128xi32> to vector<128x1x128xi32>
    %squeeze3A_93 = vector.shape_cast %broadcast_in_dim3A_84 : vector<128x1x128xf32> to vector<128x128xf32>
    %add3A_94 = arith.addi %mul3A_48, %broadcast_in_dim3A_92 : vector<128x1x128xi32>
    %squeeze3A_95 = vector.shape_cast %add3A_94 : vector<128x1x128xi32> to vector<128x128xi32>
    %eq3A_96 = vector.broadcast %broadcast_in_dim3A_92 : vector<128x1x128xi32> to vector<128x64x128xi32>
    %eq3A_97 = arith.cmpi eq, %iota3A, %eq3A_96 : vector<128x64x128xi32>
    %jit3A_98 = arith.constant 3.000000e+38 : f32
    %broadcast_in_dim3A_99 = vector.broadcast %jit3A_98 : f32 to vector<128x64x128xf32>
    %select_n3A_100 = arith.select %eq3A_97, %broadcast_in_dim3A_99, %select_n3A_81 : vector<128x64x128xi1>, vector<128x64x128xf32>
    %reduce_min3A_101 = arith.constant dense<0x7F800000> : vector<128x128xf32>
    %reduce_min3A_102 = vector.multi_reduction <minimumf>, %select_n3A_100, %reduce_min3A_101 [1] : vector<128x64x128xf32> to vector<128x128xf32>
    %broadcast_in_dim3A_103 = vector.shape_cast %reduce_min3A_102 : vector<128x128xf32> to vector<128x1x128xf32>
    %eq3A_104 = vector.broadcast %broadcast_in_dim3A_103 : vector<128x1x128xf32> to vector<128x64x128xf32>
    %eq3A_105 = arith.cmpf oeq, %select_n3A_100, %eq3A_104 : vector<128x64x128xf32>
    %jit3A_106 = arith.constant 1073741824 : i32
    %broadcast_in_dim3A_107 = vector.broadcast %jit3A_106 : i32 to vector<128x64x128xi32>
    %select_n3A_108 = arith.select %eq3A_105, %iota3A, %broadcast_in_dim3A_107 : vector<128x64x128xi1>, vector<128x64x128xi32>
    %reduce_min3A_109 = arith.constant dense<2147483647> : vector<128x128xi32>
    %reduce_min3A_110 = vector.multi_reduction <minsi>, %select_n3A_108, %reduce_min3A_109 [1] : vector<128x64x128xi32> to vector<128x128xi32>
    %broadcast_in_dim3A_111 = vector.shape_cast %reduce_min3A_110 : vector<128x128xi32> to vector<128x1x128xi32>
    %squeeze3A_112 = vector.shape_cast %broadcast_in_dim3A_103 : vector<128x1x128xf32> to vector<128x128xf32>
    %add3A_113 = arith.addi %mul3A_48, %broadcast_in_dim3A_111 : vector<128x1x128xi32>
    %squeeze3A_114 = vector.shape_cast %add3A_113 : vector<128x1x128xi32> to vector<128x128xi32>
    %eq3A_115 = vector.broadcast %broadcast_in_dim3A_111 : vector<128x1x128xi32> to vector<128x64x128xi32>
    %eq3A_116 = arith.cmpi eq, %iota3A, %eq3A_115 : vector<128x64x128xi32>
    %jit3A_117 = arith.constant 3.000000e+38 : f32
    %broadcast_in_dim3A_118 = vector.broadcast %jit3A_117 : f32 to vector<128x64x128xf32>
    %select_n3A_119 = arith.select %eq3A_116, %broadcast_in_dim3A_118, %select_n3A_100 : vector<128x64x128xi1>, vector<128x64x128xf32>
    %reduce_min3A_120 = arith.constant dense<0x7F800000> : vector<128x128xf32>
    %reduce_min3A_121 = vector.multi_reduction <minimumf>, %select_n3A_119, %reduce_min3A_120 [1] : vector<128x64x128xf32> to vector<128x128xf32>
    %broadcast_in_dim3A_122 = vector.shape_cast %reduce_min3A_121 : vector<128x128xf32> to vector<128x1x128xf32>
    %eq3A_123 = vector.broadcast %broadcast_in_dim3A_122 : vector<128x1x128xf32> to vector<128x64x128xf32>
    %eq3A_124 = arith.cmpf oeq, %select_n3A_119, %eq3A_123 : vector<128x64x128xf32>
    %jit3A_125 = arith.constant 1073741824 : i32
    %broadcast_in_dim3A_126 = vector.broadcast %jit3A_125 : i32 to vector<128x64x128xi32>
    %select_n3A_127 = arith.select %eq3A_124, %iota3A, %broadcast_in_dim3A_126 : vector<128x64x128xi1>, vector<128x64x128xi32>
    %reduce_min3A_128 = arith.constant dense<2147483647> : vector<128x128xi32>
    %reduce_min3A_129 = vector.multi_reduction <minsi>, %select_n3A_127, %reduce_min3A_128 [1] : vector<128x64x128xi32> to vector<128x128xi32>
    %broadcast_in_dim3A_130 = vector.shape_cast %reduce_min3A_129 : vector<128x128xi32> to vector<128x1x128xi32>
    %squeeze3A_131 = vector.shape_cast %broadcast_in_dim3A_122 : vector<128x1x128xf32> to vector<128x128xf32>
    %add3A_132 = arith.addi %mul3A_48, %broadcast_in_dim3A_130 : vector<128x1x128xi32>
    %squeeze3A_133 = vector.shape_cast %add3A_132 : vector<128x1x128xi32> to vector<128x128xi32>
    %concatenate3A = tpu.concatenate %squeeze3A, %squeeze3A_74, %squeeze3A_93, %squeeze3A_112, %squeeze3A_131 in 1 : vector<128x128xf32>, vector<128x128xf32>, vector<128x128xf32>, vector<128x128xf32>, vector<128x128xf32> -> vector<128x640xf32>
    %concatenate3A_134 = tpu.concatenate %squeeze3A_57, %squeeze3A_76, %squeeze3A_95, %squeeze3A_114, %squeeze3A_133 in 1 : vector<128x128xi32>, vector<128x128xi32>, vector<128x128xi32>, vector<128x128xi32>, vector<128x128xi32> -> vector<128x640xi32>
    %iota3A_135 = tpu.iota {dimensions = array<i32: 1>} : vector<128x16xi32>
    %broadcast_in_dim3A_136 = arith.constant 0 : i32
    %broadcast_in_dim3A_137 = vector.broadcast %broadcast_in_dim3A_136 : i32 to vector<128x16xi32>
    %reduce_min3A_138 = arith.constant dense<0x7F800000> : vector<128xf32>
    %reduce_min3A_139 = vector.multi_reduction <minimumf>, %concatenate3A, %reduce_min3A_138 [1] : vector<128x640xf32> to vector<128xf32>
    %broadcast_in_dim3A_140 = vector.shape_cast %reduce_min3A_139 : vector<128xf32> to vector<128x1xf32>
    %eq3A_141 = vector.broadcast %broadcast_in_dim3A_140 : vector<128x1xf32> to vector<128x640xf32>
    %eq3A_142 = arith.cmpf oeq, %concatenate3A, %eq3A_141 : vector<128x640xf32>
    %jit3A_143 = arith.constant 1073741824 : i32
    %broadcast_in_dim3A_144 = vector.broadcast %jit3A_143 : i32 to vector<128x640xi32>
    %select_n3A_145 = arith.select %eq3A_142, %concatenate3A_134, %broadcast_in_dim3A_144 : vector<128x640xi1>, vector<128x640xi32>
    %reduce_min3A_146 = arith.constant dense<2147483647> : vector<128xi32>
    %reduce_min3A_147 = vector.multi_reduction <minsi>, %select_n3A_145, %reduce_min3A_146 [1] : vector<128x640xi32> to vector<128xi32>
    %broadcast_in_dim3A_148 = vector.shape_cast %reduce_min3A_147 : vector<128xi32> to vector<128x1xi32>
    %eq3A_149 = arith.constant 0 : i32
    %eq3A_150 = vector.broadcast %eq3A_149 : i32 to vector<128x16xi32>
    %eq3A_151 = arith.cmpi eq, %iota3A_135, %eq3A_150 : vector<128x16xi32>
    %broadcast_in_dim3A_152 = vector.shape_cast %broadcast_in_dim3A_148 : vector<128x1xi32> to vector<128x1xi32>
    %broadcast_in_dim3A_153 = vector.broadcast %broadcast_in_dim3A_152 : vector<128x1xi32> to vector<128x16xi32>
    %select_n3A_154 = arith.select %eq3A_151, %broadcast_in_dim3A_153, %broadcast_in_dim3A_137 : vector<128x16xi1>, vector<128x16xi32>
    %eq3A_155 = vector.broadcast %broadcast_in_dim3A_140 : vector<128x1xf32> to vector<128x640xf32>
    %eq3A_156 = arith.cmpf oeq, %concatenate3A, %eq3A_155 : vector<128x640xf32>
    %eq3A_157 = vector.broadcast %broadcast_in_dim3A_148 : vector<128x1xi32> to vector<128x640xi32>
    %eq3A_158 = arith.cmpi eq, %concatenate3A_134, %eq3A_157 : vector<128x640xi32>
    %and3A = arith.andi %eq3A_156, %eq3A_158 : vector<128x640xi1>
    %jit3A_159 = arith.constant 3.000000e+38 : f32
    %broadcast_in_dim3A_160 = vector.broadcast %jit3A_159 : f32 to vector<128x640xf32>
    %select_n3A_161 = arith.select %and3A, %broadcast_in_dim3A_160, %concatenate3A : vector<128x640xi1>, vector<128x640xf32>
    %reduce_min3A_162 = arith.constant dense<0x7F800000> : vector<128xf32>
    %reduce_min3A_163 = vector.multi_reduction <minimumf>, %select_n3A_161, %reduce_min3A_162 [1] : vector<128x640xf32> to vector<128xf32>
    %broadcast_in_dim3A_164 = vector.shape_cast %reduce_min3A_163 : vector<128xf32> to vector<128x1xf32>
    %eq3A_165 = vector.broadcast %broadcast_in_dim3A_164 : vector<128x1xf32> to vector<128x640xf32>
    %eq3A_166 = arith.cmpf oeq, %select_n3A_161, %eq3A_165 : vector<128x640xf32>
    %jit3A_167 = arith.constant 1073741824 : i32
    %broadcast_in_dim3A_168 = vector.broadcast %jit3A_167 : i32 to vector<128x640xi32>
    %select_n3A_169 = arith.select %eq3A_166, %concatenate3A_134, %broadcast_in_dim3A_168 : vector<128x640xi1>, vector<128x640xi32>
    %reduce_min3A_170 = arith.constant dense<2147483647> : vector<128xi32>
    %reduce_min3A_171 = vector.multi_reduction <minsi>, %select_n3A_169, %reduce_min3A_170 [1] : vector<128x640xi32> to vector<128xi32>
    %broadcast_in_dim3A_172 = vector.shape_cast %reduce_min3A_171 : vector<128xi32> to vector<128x1xi32>
    %eq3A_173 = arith.constant 1 : i32
    %eq3A_174 = vector.broadcast %eq3A_173 : i32 to vector<128x16xi32>
    %eq3A_175 = arith.cmpi eq, %iota3A_135, %eq3A_174 : vector<128x16xi32>
    %broadcast_in_dim3A_176 = vector.shape_cast %broadcast_in_dim3A_172 : vector<128x1xi32> to vector<128x1xi32>
    %broadcast_in_dim3A_177 = vector.broadcast %broadcast_in_dim3A_176 : vector<128x1xi32> to vector<128x16xi32>
    %select_n3A_178 = arith.select %eq3A_175, %broadcast_in_dim3A_177, %select_n3A_154 : vector<128x16xi1>, vector<128x16xi32>
    %eq3A_179 = vector.broadcast %broadcast_in_dim3A_164 : vector<128x1xf32> to vector<128x640xf32>
    %eq3A_180 = arith.cmpf oeq, %select_n3A_161, %eq3A_179 : vector<128x640xf32>
    %eq3A_181 = vector.broadcast %broadcast_in_dim3A_172 : vector<128x1xi32> to vector<128x640xi32>
    %eq3A_182 = arith.cmpi eq, %concatenate3A_134, %eq3A_181 : vector<128x640xi32>
    %and3A_183 = arith.andi %eq3A_180, %eq3A_182 : vector<128x640xi1>
    %jit3A_184 = arith.constant 3.000000e+38 : f32
    %broadcast_in_dim3A_185 = vector.broadcast %jit3A_184 : f32 to vector<128x640xf32>
    %select_n3A_186 = arith.select %and3A_183, %broadcast_in_dim3A_185, %select_n3A_161 : vector<128x640xi1>, vector<128x640xf32>
    %reduce_min3A_187 = arith.constant dense<0x7F800000> : vector<128xf32>
    %reduce_min3A_188 = vector.multi_reduction <minimumf>, %select_n3A_186, %reduce_min3A_187 [1] : vector<128x640xf32> to vector<128xf32>
    %broadcast_in_dim3A_189 = vector.shape_cast %reduce_min3A_188 : vector<128xf32> to vector<128x1xf32>
    %eq3A_190 = vector.broadcast %broadcast_in_dim3A_189 : vector<128x1xf32> to vector<128x640xf32>
    %eq3A_191 = arith.cmpf oeq, %select_n3A_186, %eq3A_190 : vector<128x640xf32>
    %jit3A_192 = arith.constant 1073741824 : i32
    %broadcast_in_dim3A_193 = vector.broadcast %jit3A_192 : i32 to vector<128x640xi32>
    %select_n3A_194 = arith.select %eq3A_191, %concatenate3A_134, %broadcast_in_dim3A_193 : vector<128x640xi1>, vector<128x640xi32>
    %reduce_min3A_195 = arith.constant dense<2147483647> : vector<128xi32>
    %reduce_min3A_196 = vector.multi_reduction <minsi>, %select_n3A_194, %reduce_min3A_195 [1] : vector<128x640xi32> to vector<128xi32>
    %broadcast_in_dim3A_197 = vector.shape_cast %reduce_min3A_196 : vector<128xi32> to vector<128x1xi32>
    %eq3A_198 = arith.constant 2 : i32
    %eq3A_199 = vector.broadcast %eq3A_198 : i32 to vector<128x16xi32>
    %eq3A_200 = arith.cmpi eq, %iota3A_135, %eq3A_199 : vector<128x16xi32>
    %broadcast_in_dim3A_201 = vector.shape_cast %broadcast_in_dim3A_197 : vector<128x1xi32> to vector<128x1xi32>
    %broadcast_in_dim3A_202 = vector.broadcast %broadcast_in_dim3A_201 : vector<128x1xi32> to vector<128x16xi32>
    %select_n3A_203 = arith.select %eq3A_200, %broadcast_in_dim3A_202, %select_n3A_178 : vector<128x16xi1>, vector<128x16xi32>
    %eq3A_204 = vector.broadcast %broadcast_in_dim3A_189 : vector<128x1xf32> to vector<128x640xf32>
    %eq3A_205 = arith.cmpf oeq, %select_n3A_186, %eq3A_204 : vector<128x640xf32>
    %eq3A_206 = vector.broadcast %broadcast_in_dim3A_197 : vector<128x1xi32> to vector<128x640xi32>
    %eq3A_207 = arith.cmpi eq, %concatenate3A_134, %eq3A_206 : vector<128x640xi32>
    %and3A_208 = arith.andi %eq3A_205, %eq3A_207 : vector<128x640xi1>
    %jit3A_209 = arith.constant 3.000000e+38 : f32
    %broadcast_in_dim3A_210 = vector.broadcast %jit3A_209 : f32 to vector<128x640xf32>
    %select_n3A_211 = arith.select %and3A_208, %broadcast_in_dim3A_210, %select_n3A_186 : vector<128x640xi1>, vector<128x640xf32>
    %reduce_min3A_212 = arith.constant dense<0x7F800000> : vector<128xf32>
    %reduce_min3A_213 = vector.multi_reduction <minimumf>, %select_n3A_211, %reduce_min3A_212 [1] : vector<128x640xf32> to vector<128xf32>
    %broadcast_in_dim3A_214 = vector.shape_cast %reduce_min3A_213 : vector<128xf32> to vector<128x1xf32>
    %eq3A_215 = vector.broadcast %broadcast_in_dim3A_214 : vector<128x1xf32> to vector<128x640xf32>
    %eq3A_216 = arith.cmpf oeq, %select_n3A_211, %eq3A_215 : vector<128x640xf32>
    %jit3A_217 = arith.constant 1073741824 : i32
    %broadcast_in_dim3A_218 = vector.broadcast %jit3A_217 : i32 to vector<128x640xi32>
    %select_n3A_219 = arith.select %eq3A_216, %concatenate3A_134, %broadcast_in_dim3A_218 : vector<128x640xi1>, vector<128x640xi32>
    %reduce_min3A_220 = arith.constant dense<2147483647> : vector<128xi32>
    %reduce_min3A_221 = vector.multi_reduction <minsi>, %select_n3A_219, %reduce_min3A_220 [1] : vector<128x640xi32> to vector<128xi32>
    %broadcast_in_dim3A_222 = vector.shape_cast %reduce_min3A_221 : vector<128xi32> to vector<128x1xi32>
    %eq3A_223 = arith.constant 3 : i32
    %eq3A_224 = vector.broadcast %eq3A_223 : i32 to vector<128x16xi32>
    %eq3A_225 = arith.cmpi eq, %iota3A_135, %eq3A_224 : vector<128x16xi32>
    %broadcast_in_dim3A_226 = vector.shape_cast %broadcast_in_dim3A_222 : vector<128x1xi32> to vector<128x1xi32>
    %broadcast_in_dim3A_227 = vector.broadcast %broadcast_in_dim3A_226 : vector<128x1xi32> to vector<128x16xi32>
    %select_n3A_228 = arith.select %eq3A_225, %broadcast_in_dim3A_227, %select_n3A_203 : vector<128x16xi1>, vector<128x16xi32>
    %eq3A_229 = vector.broadcast %broadcast_in_dim3A_214 : vector<128x1xf32> to vector<128x640xf32>
    %eq3A_230 = arith.cmpf oeq, %select_n3A_211, %eq3A_229 : vector<128x640xf32>
    %eq3A_231 = vector.broadcast %broadcast_in_dim3A_222 : vector<128x1xi32> to vector<128x640xi32>
    %eq3A_232 = arith.cmpi eq, %concatenate3A_134, %eq3A_231 : vector<128x640xi32>
    %and3A_233 = arith.andi %eq3A_230, %eq3A_232 : vector<128x640xi1>
    %jit3A_234 = arith.constant 3.000000e+38 : f32
    %broadcast_in_dim3A_235 = vector.broadcast %jit3A_234 : f32 to vector<128x640xf32>
    %select_n3A_236 = arith.select %and3A_233, %broadcast_in_dim3A_235, %select_n3A_211 : vector<128x640xi1>, vector<128x640xf32>
    %reduce_min3A_237 = arith.constant dense<0x7F800000> : vector<128xf32>
    %reduce_min3A_238 = vector.multi_reduction <minimumf>, %select_n3A_236, %reduce_min3A_237 [1] : vector<128x640xf32> to vector<128xf32>
    %broadcast_in_dim3A_239 = vector.shape_cast %reduce_min3A_238 : vector<128xf32> to vector<128x1xf32>
    %eq3A_240 = vector.broadcast %broadcast_in_dim3A_239 : vector<128x1xf32> to vector<128x640xf32>
    %eq3A_241 = arith.cmpf oeq, %select_n3A_236, %eq3A_240 : vector<128x640xf32>
    %jit3A_242 = arith.constant 1073741824 : i32
    %broadcast_in_dim3A_243 = vector.broadcast %jit3A_242 : i32 to vector<128x640xi32>
    %select_n3A_244 = arith.select %eq3A_241, %concatenate3A_134, %broadcast_in_dim3A_243 : vector<128x640xi1>, vector<128x640xi32>
    %reduce_min3A_245 = arith.constant dense<2147483647> : vector<128xi32>
    %reduce_min3A_246 = vector.multi_reduction <minsi>, %select_n3A_244, %reduce_min3A_245 [1] : vector<128x640xi32> to vector<128xi32>
    %broadcast_in_dim3A_247 = vector.shape_cast %reduce_min3A_246 : vector<128xi32> to vector<128x1xi32>
    %eq3A_248 = arith.constant 4 : i32
    %eq3A_249 = vector.broadcast %eq3A_248 : i32 to vector<128x16xi32>
    %eq3A_250 = arith.cmpi eq, %iota3A_135, %eq3A_249 : vector<128x16xi32>
    %broadcast_in_dim3A_251 = vector.shape_cast %broadcast_in_dim3A_247 : vector<128x1xi32> to vector<128x1xi32>
    %broadcast_in_dim3A_252 = vector.broadcast %broadcast_in_dim3A_251 : vector<128x1xi32> to vector<128x16xi32>
    %select_n3A_253 = arith.select %eq3A_250, %broadcast_in_dim3A_252, %select_n3A_228 : vector<128x16xi1>, vector<128x16xi32>
    %eq3A_254 = vector.broadcast %broadcast_in_dim3A_239 : vector<128x1xf32> to vector<128x640xf32>
    %eq3A_255 = arith.cmpf oeq, %select_n3A_236, %eq3A_254 : vector<128x640xf32>
    %eq3A_256 = vector.broadcast %broadcast_in_dim3A_247 : vector<128x1xi32> to vector<128x640xi32>
    %eq3A_257 = arith.cmpi eq, %concatenate3A_134, %eq3A_256 : vector<128x640xi32>
    %and3A_258 = arith.andi %eq3A_255, %eq3A_257 : vector<128x640xi1>
    %jit3A_259 = arith.constant 3.000000e+38 : f32
    %broadcast_in_dim3A_260 = vector.broadcast %jit3A_259 : f32 to vector<128x640xf32>
    %select_n3A_261 = arith.select %and3A_258, %broadcast_in_dim3A_260, %select_n3A_236 : vector<128x640xi1>, vector<128x640xf32>
    %reduce_min3A_262 = arith.constant dense<0x7F800000> : vector<128xf32>
    %reduce_min3A_263 = vector.multi_reduction <minimumf>, %select_n3A_261, %reduce_min3A_262 [1] : vector<128x640xf32> to vector<128xf32>
    %broadcast_in_dim3A_264 = vector.shape_cast %reduce_min3A_263 : vector<128xf32> to vector<128x1xf32>
    %eq3A_265 = vector.broadcast %broadcast_in_dim3A_264 : vector<128x1xf32> to vector<128x640xf32>
    %eq3A_266 = arith.cmpf oeq, %select_n3A_261, %eq3A_265 : vector<128x640xf32>
    %jit3A_267 = arith.constant 1073741824 : i32
    %broadcast_in_dim3A_268 = vector.broadcast %jit3A_267 : i32 to vector<128x640xi32>
    %select_n3A_269 = arith.select %eq3A_266, %concatenate3A_134, %broadcast_in_dim3A_268 : vector<128x640xi1>, vector<128x640xi32>
    %reduce_min3A_270 = arith.constant dense<2147483647> : vector<128xi32>
    %reduce_min3A_271 = vector.multi_reduction <minsi>, %select_n3A_269, %reduce_min3A_270 [1] : vector<128x640xi32> to vector<128xi32>
    %broadcast_in_dim3A_272 = vector.shape_cast %reduce_min3A_271 : vector<128xi32> to vector<128x1xi32>
    %eq3A_273 = arith.constant 5 : i32
    %eq3A_274 = vector.broadcast %eq3A_273 : i32 to vector<128x16xi32>
    %eq3A_275 = arith.cmpi eq, %iota3A_135, %eq3A_274 : vector<128x16xi32>
    %broadcast_in_dim3A_276 = vector.shape_cast %broadcast_in_dim3A_272 : vector<128x1xi32> to vector<128x1xi32>
    %broadcast_in_dim3A_277 = vector.broadcast %broadcast_in_dim3A_276 : vector<128x1xi32> to vector<128x16xi32>
    %select_n3A_278 = arith.select %eq3A_275, %broadcast_in_dim3A_277, %select_n3A_253 : vector<128x16xi1>, vector<128x16xi32>
    %eq3A_279 = vector.broadcast %broadcast_in_dim3A_264 : vector<128x1xf32> to vector<128x640xf32>
    %eq3A_280 = arith.cmpf oeq, %select_n3A_261, %eq3A_279 : vector<128x640xf32>
    %eq3A_281 = vector.broadcast %broadcast_in_dim3A_272 : vector<128x1xi32> to vector<128x640xi32>
    %eq3A_282 = arith.cmpi eq, %concatenate3A_134, %eq3A_281 : vector<128x640xi32>
    %and3A_283 = arith.andi %eq3A_280, %eq3A_282 : vector<128x640xi1>
    %jit3A_284 = arith.constant 3.000000e+38 : f32
    %broadcast_in_dim3A_285 = vector.broadcast %jit3A_284 : f32 to vector<128x640xf32>
    %select_n3A_286 = arith.select %and3A_283, %broadcast_in_dim3A_285, %select_n3A_261 : vector<128x640xi1>, vector<128x640xf32>
    %reduce_min3A_287 = arith.constant dense<0x7F800000> : vector<128xf32>
    %reduce_min3A_288 = vector.multi_reduction <minimumf>, %select_n3A_286, %reduce_min3A_287 [1] : vector<128x640xf32> to vector<128xf32>
    %broadcast_in_dim3A_289 = vector.shape_cast %reduce_min3A_288 : vector<128xf32> to vector<128x1xf32>
    %eq3A_290 = vector.broadcast %broadcast_in_dim3A_289 : vector<128x1xf32> to vector<128x640xf32>
    %eq3A_291 = arith.cmpf oeq, %select_n3A_286, %eq3A_290 : vector<128x640xf32>
    %jit3A_292 = arith.constant 1073741824 : i32
    %broadcast_in_dim3A_293 = vector.broadcast %jit3A_292 : i32 to vector<128x640xi32>
    %select_n3A_294 = arith.select %eq3A_291, %concatenate3A_134, %broadcast_in_dim3A_293 : vector<128x640xi1>, vector<128x640xi32>
    %reduce_min3A_295 = arith.constant dense<2147483647> : vector<128xi32>
    %reduce_min3A_296 = vector.multi_reduction <minsi>, %select_n3A_294, %reduce_min3A_295 [1] : vector<128x640xi32> to vector<128xi32>
    %broadcast_in_dim3A_297 = vector.shape_cast %reduce_min3A_296 : vector<128xi32> to vector<128x1xi32>
    %eq3A_298 = arith.constant 6 : i32
    %eq3A_299 = vector.broadcast %eq3A_298 : i32 to vector<128x16xi32>
    %eq3A_300 = arith.cmpi eq, %iota3A_135, %eq3A_299 : vector<128x16xi32>
    %broadcast_in_dim3A_301 = vector.shape_cast %broadcast_in_dim3A_297 : vector<128x1xi32> to vector<128x1xi32>
    %broadcast_in_dim3A_302 = vector.broadcast %broadcast_in_dim3A_301 : vector<128x1xi32> to vector<128x16xi32>
    %select_n3A_303 = arith.select %eq3A_300, %broadcast_in_dim3A_302, %select_n3A_278 : vector<128x16xi1>, vector<128x16xi32>
    %eq3A_304 = vector.broadcast %broadcast_in_dim3A_289 : vector<128x1xf32> to vector<128x640xf32>
    %eq3A_305 = arith.cmpf oeq, %select_n3A_286, %eq3A_304 : vector<128x640xf32>
    %eq3A_306 = vector.broadcast %broadcast_in_dim3A_297 : vector<128x1xi32> to vector<128x640xi32>
    %eq3A_307 = arith.cmpi eq, %concatenate3A_134, %eq3A_306 : vector<128x640xi32>
    %and3A_308 = arith.andi %eq3A_305, %eq3A_307 : vector<128x640xi1>
    %jit3A_309 = arith.constant 3.000000e+38 : f32
    %broadcast_in_dim3A_310 = vector.broadcast %jit3A_309 : f32 to vector<128x640xf32>
    %select_n3A_311 = arith.select %and3A_308, %broadcast_in_dim3A_310, %select_n3A_286 : vector<128x640xi1>, vector<128x640xf32>
    %reduce_min3A_312 = arith.constant dense<0x7F800000> : vector<128xf32>
    %reduce_min3A_313 = vector.multi_reduction <minimumf>, %select_n3A_311, %reduce_min3A_312 [1] : vector<128x640xf32> to vector<128xf32>
    %broadcast_in_dim3A_314 = vector.shape_cast %reduce_min3A_313 : vector<128xf32> to vector<128x1xf32>
    %eq3A_315 = vector.broadcast %broadcast_in_dim3A_314 : vector<128x1xf32> to vector<128x640xf32>
    %eq3A_316 = arith.cmpf oeq, %select_n3A_311, %eq3A_315 : vector<128x640xf32>
    %jit3A_317 = arith.constant 1073741824 : i32
    %broadcast_in_dim3A_318 = vector.broadcast %jit3A_317 : i32 to vector<128x640xi32>
    %select_n3A_319 = arith.select %eq3A_316, %concatenate3A_134, %broadcast_in_dim3A_318 : vector<128x640xi1>, vector<128x640xi32>
    %reduce_min3A_320 = arith.constant dense<2147483647> : vector<128xi32>
    %reduce_min3A_321 = vector.multi_reduction <minsi>, %select_n3A_319, %reduce_min3A_320 [1] : vector<128x640xi32> to vector<128xi32>
    %broadcast_in_dim3A_322 = vector.shape_cast %reduce_min3A_321 : vector<128xi32> to vector<128x1xi32>
    %eq3A_323 = arith.constant 7 : i32
    %eq3A_324 = vector.broadcast %eq3A_323 : i32 to vector<128x16xi32>
    %eq3A_325 = arith.cmpi eq, %iota3A_135, %eq3A_324 : vector<128x16xi32>
    %broadcast_in_dim3A_326 = vector.shape_cast %broadcast_in_dim3A_322 : vector<128x1xi32> to vector<128x1xi32>
    %broadcast_in_dim3A_327 = vector.broadcast %broadcast_in_dim3A_326 : vector<128x1xi32> to vector<128x16xi32>
    %select_n3A_328 = arith.select %eq3A_325, %broadcast_in_dim3A_327, %select_n3A_303 : vector<128x16xi1>, vector<128x16xi32>
    %eq3A_329 = vector.broadcast %broadcast_in_dim3A_314 : vector<128x1xf32> to vector<128x640xf32>
    %eq3A_330 = arith.cmpf oeq, %select_n3A_311, %eq3A_329 : vector<128x640xf32>
    %eq3A_331 = vector.broadcast %broadcast_in_dim3A_322 : vector<128x1xi32> to vector<128x640xi32>
    %eq3A_332 = arith.cmpi eq, %concatenate3A_134, %eq3A_331 : vector<128x640xi32>
    %and3A_333 = arith.andi %eq3A_330, %eq3A_332 : vector<128x640xi1>
    %jit3A_334 = arith.constant 3.000000e+38 : f32
    %broadcast_in_dim3A_335 = vector.broadcast %jit3A_334 : f32 to vector<128x640xf32>
    %select_n3A_336 = arith.select %and3A_333, %broadcast_in_dim3A_335, %select_n3A_311 : vector<128x640xi1>, vector<128x640xf32>
    %reduce_min3A_337 = arith.constant dense<0x7F800000> : vector<128xf32>
    %reduce_min3A_338 = vector.multi_reduction <minimumf>, %select_n3A_336, %reduce_min3A_337 [1] : vector<128x640xf32> to vector<128xf32>
    %broadcast_in_dim3A_339 = vector.shape_cast %reduce_min3A_338 : vector<128xf32> to vector<128x1xf32>
    %eq3A_340 = vector.broadcast %broadcast_in_dim3A_339 : vector<128x1xf32> to vector<128x640xf32>
    %eq3A_341 = arith.cmpf oeq, %select_n3A_336, %eq3A_340 : vector<128x640xf32>
    %jit3A_342 = arith.constant 1073741824 : i32
    %broadcast_in_dim3A_343 = vector.broadcast %jit3A_342 : i32 to vector<128x640xi32>
    %select_n3A_344 = arith.select %eq3A_341, %concatenate3A_134, %broadcast_in_dim3A_343 : vector<128x640xi1>, vector<128x640xi32>
    %reduce_min3A_345 = arith.constant dense<2147483647> : vector<128xi32>
    %reduce_min3A_346 = vector.multi_reduction <minsi>, %select_n3A_344, %reduce_min3A_345 [1] : vector<128x640xi32> to vector<128xi32>
    %broadcast_in_dim3A_347 = vector.shape_cast %reduce_min3A_346 : vector<128xi32> to vector<128x1xi32>
    %eq3A_348 = arith.constant 8 : i32
    %eq3A_349 = vector.broadcast %eq3A_348 : i32 to vector<128x16xi32>
    %eq3A_350 = arith.cmpi eq, %iota3A_135, %eq3A_349 : vector<128x16xi32>
    %broadcast_in_dim3A_351 = vector.shape_cast %broadcast_in_dim3A_347 : vector<128x1xi32> to vector<128x1xi32>
    %broadcast_in_dim3A_352 = vector.broadcast %broadcast_in_dim3A_351 : vector<128x1xi32> to vector<128x16xi32>
    %select_n3A_353 = arith.select %eq3A_350, %broadcast_in_dim3A_352, %select_n3A_328 : vector<128x16xi1>, vector<128x16xi32>
    %eq3A_354 = vector.broadcast %broadcast_in_dim3A_339 : vector<128x1xf32> to vector<128x640xf32>
    %eq3A_355 = arith.cmpf oeq, %select_n3A_336, %eq3A_354 : vector<128x640xf32>
    %eq3A_356 = vector.broadcast %broadcast_in_dim3A_347 : vector<128x1xi32> to vector<128x640xi32>
    %eq3A_357 = arith.cmpi eq, %concatenate3A_134, %eq3A_356 : vector<128x640xi32>
    %and3A_358 = arith.andi %eq3A_355, %eq3A_357 : vector<128x640xi1>
    %jit3A_359 = arith.constant 3.000000e+38 : f32
    %broadcast_in_dim3A_360 = vector.broadcast %jit3A_359 : f32 to vector<128x640xf32>
    %select_n3A_361 = arith.select %and3A_358, %broadcast_in_dim3A_360, %select_n3A_336 : vector<128x640xi1>, vector<128x640xf32>
    %reduce_min3A_362 = arith.constant dense<0x7F800000> : vector<128xf32>
    %reduce_min3A_363 = vector.multi_reduction <minimumf>, %select_n3A_361, %reduce_min3A_362 [1] : vector<128x640xf32> to vector<128xf32>
    %broadcast_in_dim3A_364 = vector.shape_cast %reduce_min3A_363 : vector<128xf32> to vector<128x1xf32>
    %eq3A_365 = vector.broadcast %broadcast_in_dim3A_364 : vector<128x1xf32> to vector<128x640xf32>
    %eq3A_366 = arith.cmpf oeq, %select_n3A_361, %eq3A_365 : vector<128x640xf32>
    %jit3A_367 = arith.constant 1073741824 : i32
    %broadcast_in_dim3A_368 = vector.broadcast %jit3A_367 : i32 to vector<128x640xi32>
    %select_n3A_369 = arith.select %eq3A_366, %concatenate3A_134, %broadcast_in_dim3A_368 : vector<128x640xi1>, vector<128x640xi32>
    %reduce_min3A_370 = arith.constant dense<2147483647> : vector<128xi32>
    %reduce_min3A_371 = vector.multi_reduction <minsi>, %select_n3A_369, %reduce_min3A_370 [1] : vector<128x640xi32> to vector<128xi32>
    %broadcast_in_dim3A_372 = vector.shape_cast %reduce_min3A_371 : vector<128xi32> to vector<128x1xi32>
    %eq3A_373 = arith.constant 9 : i32
    %eq3A_374 = vector.broadcast %eq3A_373 : i32 to vector<128x16xi32>
    %eq3A_375 = arith.cmpi eq, %iota3A_135, %eq3A_374 : vector<128x16xi32>
    %broadcast_in_dim3A_376 = vector.shape_cast %broadcast_in_dim3A_372 : vector<128x1xi32> to vector<128x1xi32>
    %broadcast_in_dim3A_377 = vector.broadcast %broadcast_in_dim3A_376 : vector<128x1xi32> to vector<128x16xi32>
    %select_n3A_378 = arith.select %eq3A_375, %broadcast_in_dim3A_377, %select_n3A_353 : vector<128x16xi1>, vector<128x16xi32>
    %eq3A_379 = vector.broadcast %broadcast_in_dim3A_364 : vector<128x1xf32> to vector<128x640xf32>
    %eq3A_380 = arith.cmpf oeq, %select_n3A_361, %eq3A_379 : vector<128x640xf32>
    %eq3A_381 = vector.broadcast %broadcast_in_dim3A_372 : vector<128x1xi32> to vector<128x640xi32>
    %eq3A_382 = arith.cmpi eq, %concatenate3A_134, %eq3A_381 : vector<128x640xi32>
    %and3A_383 = arith.andi %eq3A_380, %eq3A_382 : vector<128x640xi1>
    %jit3A_384 = arith.constant 3.000000e+38 : f32
    %broadcast_in_dim3A_385 = vector.broadcast %jit3A_384 : f32 to vector<128x640xf32>
    %select_n3A_386 = arith.select %and3A_383, %broadcast_in_dim3A_385, %select_n3A_361 : vector<128x640xi1>, vector<128x640xf32>
    %reduce_min3A_387 = arith.constant dense<0x7F800000> : vector<128xf32>
    %reduce_min3A_388 = vector.multi_reduction <minimumf>, %select_n3A_386, %reduce_min3A_387 [1] : vector<128x640xf32> to vector<128xf32>
    %broadcast_in_dim3A_389 = vector.shape_cast %reduce_min3A_388 : vector<128xf32> to vector<128x1xf32>
    %eq3A_390 = vector.broadcast %broadcast_in_dim3A_389 : vector<128x1xf32> to vector<128x640xf32>
    %eq3A_391 = arith.cmpf oeq, %select_n3A_386, %eq3A_390 : vector<128x640xf32>
    %jit3A_392 = arith.constant 1073741824 : i32
    %broadcast_in_dim3A_393 = vector.broadcast %jit3A_392 : i32 to vector<128x640xi32>
    %select_n3A_394 = arith.select %eq3A_391, %concatenate3A_134, %broadcast_in_dim3A_393 : vector<128x640xi1>, vector<128x640xi32>
    %reduce_min3A_395 = arith.constant dense<2147483647> : vector<128xi32>
    %reduce_min3A_396 = vector.multi_reduction <minsi>, %select_n3A_394, %reduce_min3A_395 [1] : vector<128x640xi32> to vector<128xi32>
    %broadcast_in_dim3A_397 = vector.shape_cast %reduce_min3A_396 : vector<128xi32> to vector<128x1xi32>
    %eq3A_398 = arith.constant 10 : i32
    %eq3A_399 = vector.broadcast %eq3A_398 : i32 to vector<128x16xi32>
    %eq3A_400 = arith.cmpi eq, %iota3A_135, %eq3A_399 : vector<128x16xi32>
    %broadcast_in_dim3A_401 = vector.shape_cast %broadcast_in_dim3A_397 : vector<128x1xi32> to vector<128x1xi32>
    %broadcast_in_dim3A_402 = vector.broadcast %broadcast_in_dim3A_401 : vector<128x1xi32> to vector<128x16xi32>
    %select_n3A_403 = arith.select %eq3A_400, %broadcast_in_dim3A_402, %select_n3A_378 : vector<128x16xi1>, vector<128x16xi32>
    %eq3A_404 = vector.broadcast %broadcast_in_dim3A_389 : vector<128x1xf32> to vector<128x640xf32>
    %eq3A_405 = arith.cmpf oeq, %select_n3A_386, %eq3A_404 : vector<128x640xf32>
    %eq3A_406 = vector.broadcast %broadcast_in_dim3A_397 : vector<128x1xi32> to vector<128x640xi32>
    %eq3A_407 = arith.cmpi eq, %concatenate3A_134, %eq3A_406 : vector<128x640xi32>
    %and3A_408 = arith.andi %eq3A_405, %eq3A_407 : vector<128x640xi1>
    %jit3A_409 = arith.constant 3.000000e+38 : f32
    %broadcast_in_dim3A_410 = vector.broadcast %jit3A_409 : f32 to vector<128x640xf32>
    %select_n3A_411 = arith.select %and3A_408, %broadcast_in_dim3A_410, %select_n3A_386 : vector<128x640xi1>, vector<128x640xf32>
    %reduce_min3A_412 = arith.constant dense<0x7F800000> : vector<128xf32>
    %reduce_min3A_413 = vector.multi_reduction <minimumf>, %select_n3A_411, %reduce_min3A_412 [1] : vector<128x640xf32> to vector<128xf32>
    %broadcast_in_dim3A_414 = vector.shape_cast %reduce_min3A_413 : vector<128xf32> to vector<128x1xf32>
    %eq3A_415 = vector.broadcast %broadcast_in_dim3A_414 : vector<128x1xf32> to vector<128x640xf32>
    %eq3A_416 = arith.cmpf oeq, %select_n3A_411, %eq3A_415 : vector<128x640xf32>
    %jit3A_417 = arith.constant 1073741824 : i32
    %broadcast_in_dim3A_418 = vector.broadcast %jit3A_417 : i32 to vector<128x640xi32>
    %select_n3A_419 = arith.select %eq3A_416, %concatenate3A_134, %broadcast_in_dim3A_418 : vector<128x640xi1>, vector<128x640xi32>
    %reduce_min3A_420 = arith.constant dense<2147483647> : vector<128xi32>
    %reduce_min3A_421 = vector.multi_reduction <minsi>, %select_n3A_419, %reduce_min3A_420 [1] : vector<128x640xi32> to vector<128xi32>
    %broadcast_in_dim3A_422 = vector.shape_cast %reduce_min3A_421 : vector<128xi32> to vector<128x1xi32>
    %eq3A_423 = arith.constant 11 : i32
    %eq3A_424 = vector.broadcast %eq3A_423 : i32 to vector<128x16xi32>
    %eq3A_425 = arith.cmpi eq, %iota3A_135, %eq3A_424 : vector<128x16xi32>
    %broadcast_in_dim3A_426 = vector.shape_cast %broadcast_in_dim3A_422 : vector<128x1xi32> to vector<128x1xi32>
    %broadcast_in_dim3A_427 = vector.broadcast %broadcast_in_dim3A_426 : vector<128x1xi32> to vector<128x16xi32>
    %select_n3A_428 = arith.select %eq3A_425, %broadcast_in_dim3A_427, %select_n3A_403 : vector<128x16xi1>, vector<128x16xi32>
    %eq3A_429 = vector.broadcast %broadcast_in_dim3A_414 : vector<128x1xf32> to vector<128x640xf32>
    %eq3A_430 = arith.cmpf oeq, %select_n3A_411, %eq3A_429 : vector<128x640xf32>
    %eq3A_431 = vector.broadcast %broadcast_in_dim3A_422 : vector<128x1xi32> to vector<128x640xi32>
    %eq3A_432 = arith.cmpi eq, %concatenate3A_134, %eq3A_431 : vector<128x640xi32>
    %and3A_433 = arith.andi %eq3A_430, %eq3A_432 : vector<128x640xi1>
    %jit3A_434 = arith.constant 3.000000e+38 : f32
    %broadcast_in_dim3A_435 = vector.broadcast %jit3A_434 : f32 to vector<128x640xf32>
    %select_n3A_436 = arith.select %and3A_433, %broadcast_in_dim3A_435, %select_n3A_411 : vector<128x640xi1>, vector<128x640xf32>
    %reduce_min3A_437 = arith.constant dense<0x7F800000> : vector<128xf32>
    %reduce_min3A_438 = vector.multi_reduction <minimumf>, %select_n3A_436, %reduce_min3A_437 [1] : vector<128x640xf32> to vector<128xf32>
    %broadcast_in_dim3A_439 = vector.shape_cast %reduce_min3A_438 : vector<128xf32> to vector<128x1xf32>
    %eq3A_440 = vector.broadcast %broadcast_in_dim3A_439 : vector<128x1xf32> to vector<128x640xf32>
    %eq3A_441 = arith.cmpf oeq, %select_n3A_436, %eq3A_440 : vector<128x640xf32>
    %jit3A_442 = arith.constant 1073741824 : i32
    %broadcast_in_dim3A_443 = vector.broadcast %jit3A_442 : i32 to vector<128x640xi32>
    %select_n3A_444 = arith.select %eq3A_441, %concatenate3A_134, %broadcast_in_dim3A_443 : vector<128x640xi1>, vector<128x640xi32>
    %reduce_min3A_445 = arith.constant dense<2147483647> : vector<128xi32>
    %reduce_min3A_446 = vector.multi_reduction <minsi>, %select_n3A_444, %reduce_min3A_445 [1] : vector<128x640xi32> to vector<128xi32>
    %broadcast_in_dim3A_447 = vector.shape_cast %reduce_min3A_446 : vector<128xi32> to vector<128x1xi32>
    %eq3A_448 = arith.constant 12 : i32
    %eq3A_449 = vector.broadcast %eq3A_448 : i32 to vector<128x16xi32>
    %eq3A_450 = arith.cmpi eq, %iota3A_135, %eq3A_449 : vector<128x16xi32>
    %broadcast_in_dim3A_451 = vector.shape_cast %broadcast_in_dim3A_447 : vector<128x1xi32> to vector<128x1xi32>
    %broadcast_in_dim3A_452 = vector.broadcast %broadcast_in_dim3A_451 : vector<128x1xi32> to vector<128x16xi32>
    %select_n3A_453 = arith.select %eq3A_450, %broadcast_in_dim3A_452, %select_n3A_428 : vector<128x16xi1>, vector<128x16xi32>
    %eq3A_454 = vector.broadcast %broadcast_in_dim3A_439 : vector<128x1xf32> to vector<128x640xf32>
    %eq3A_455 = arith.cmpf oeq, %select_n3A_436, %eq3A_454 : vector<128x640xf32>
    %eq3A_456 = vector.broadcast %broadcast_in_dim3A_447 : vector<128x1xi32> to vector<128x640xi32>
    %eq3A_457 = arith.cmpi eq, %concatenate3A_134, %eq3A_456 : vector<128x640xi32>
    %and3A_458 = arith.andi %eq3A_455, %eq3A_457 : vector<128x640xi1>
    %jit3A_459 = arith.constant 3.000000e+38 : f32
    %broadcast_in_dim3A_460 = vector.broadcast %jit3A_459 : f32 to vector<128x640xf32>
    %select_n3A_461 = arith.select %and3A_458, %broadcast_in_dim3A_460, %select_n3A_436 : vector<128x640xi1>, vector<128x640xf32>
    %reduce_min3A_462 = arith.constant dense<0x7F800000> : vector<128xf32>
    %reduce_min3A_463 = vector.multi_reduction <minimumf>, %select_n3A_461, %reduce_min3A_462 [1] : vector<128x640xf32> to vector<128xf32>
    %broadcast_in_dim3A_464 = vector.shape_cast %reduce_min3A_463 : vector<128xf32> to vector<128x1xf32>
    %eq3A_465 = vector.broadcast %broadcast_in_dim3A_464 : vector<128x1xf32> to vector<128x640xf32>
    %eq3A_466 = arith.cmpf oeq, %select_n3A_461, %eq3A_465 : vector<128x640xf32>
    %jit3A_467 = arith.constant 1073741824 : i32
    %broadcast_in_dim3A_468 = vector.broadcast %jit3A_467 : i32 to vector<128x640xi32>
    %select_n3A_469 = arith.select %eq3A_466, %concatenate3A_134, %broadcast_in_dim3A_468 : vector<128x640xi1>, vector<128x640xi32>
    %reduce_min3A_470 = arith.constant dense<2147483647> : vector<128xi32>
    %reduce_min3A_471 = vector.multi_reduction <minsi>, %select_n3A_469, %reduce_min3A_470 [1] : vector<128x640xi32> to vector<128xi32>
    %broadcast_in_dim3A_472 = vector.shape_cast %reduce_min3A_471 : vector<128xi32> to vector<128x1xi32>
    %eq3A_473 = arith.constant 13 : i32
    %eq3A_474 = vector.broadcast %eq3A_473 : i32 to vector<128x16xi32>
    %eq3A_475 = arith.cmpi eq, %iota3A_135, %eq3A_474 : vector<128x16xi32>
    %broadcast_in_dim3A_476 = vector.shape_cast %broadcast_in_dim3A_472 : vector<128x1xi32> to vector<128x1xi32>
    %broadcast_in_dim3A_477 = vector.broadcast %broadcast_in_dim3A_476 : vector<128x1xi32> to vector<128x16xi32>
    %select_n3A_478 = arith.select %eq3A_475, %broadcast_in_dim3A_477, %select_n3A_453 : vector<128x16xi1>, vector<128x16xi32>
    %eq3A_479 = vector.broadcast %broadcast_in_dim3A_464 : vector<128x1xf32> to vector<128x640xf32>
    %eq3A_480 = arith.cmpf oeq, %select_n3A_461, %eq3A_479 : vector<128x640xf32>
    %eq3A_481 = vector.broadcast %broadcast_in_dim3A_472 : vector<128x1xi32> to vector<128x640xi32>
    %eq3A_482 = arith.cmpi eq, %concatenate3A_134, %eq3A_481 : vector<128x640xi32>
    %and3A_483 = arith.andi %eq3A_480, %eq3A_482 : vector<128x640xi1>
    %jit3A_484 = arith.constant 3.000000e+38 : f32
    %broadcast_in_dim3A_485 = vector.broadcast %jit3A_484 : f32 to vector<128x640xf32>
    %select_n3A_486 = arith.select %and3A_483, %broadcast_in_dim3A_485, %select_n3A_461 : vector<128x640xi1>, vector<128x640xf32>
    %reduce_min3A_487 = arith.constant dense<0x7F800000> : vector<128xf32>
    %reduce_min3A_488 = vector.multi_reduction <minimumf>, %select_n3A_486, %reduce_min3A_487 [1] : vector<128x640xf32> to vector<128xf32>
    %broadcast_in_dim3A_489 = vector.shape_cast %reduce_min3A_488 : vector<128xf32> to vector<128x1xf32>
    %eq3A_490 = vector.broadcast %broadcast_in_dim3A_489 : vector<128x1xf32> to vector<128x640xf32>
    %eq3A_491 = arith.cmpf oeq, %select_n3A_486, %eq3A_490 : vector<128x640xf32>
    %jit3A_492 = arith.constant 1073741824 : i32
    %broadcast_in_dim3A_493 = vector.broadcast %jit3A_492 : i32 to vector<128x640xi32>
    %select_n3A_494 = arith.select %eq3A_491, %concatenate3A_134, %broadcast_in_dim3A_493 : vector<128x640xi1>, vector<128x640xi32>
    %reduce_min3A_495 = arith.constant dense<2147483647> : vector<128xi32>
    %reduce_min3A_496 = vector.multi_reduction <minsi>, %select_n3A_494, %reduce_min3A_495 [1] : vector<128x640xi32> to vector<128xi32>
    %broadcast_in_dim3A_497 = vector.shape_cast %reduce_min3A_496 : vector<128xi32> to vector<128x1xi32>
    %eq3A_498 = arith.constant 14 : i32
    %eq3A_499 = vector.broadcast %eq3A_498 : i32 to vector<128x16xi32>
    %eq3A_500 = arith.cmpi eq, %iota3A_135, %eq3A_499 : vector<128x16xi32>
    %broadcast_in_dim3A_501 = vector.shape_cast %broadcast_in_dim3A_497 : vector<128x1xi32> to vector<128x1xi32>
    %broadcast_in_dim3A_502 = vector.broadcast %broadcast_in_dim3A_501 : vector<128x1xi32> to vector<128x16xi32>
    %select_n3A_503 = arith.select %eq3A_500, %broadcast_in_dim3A_502, %select_n3A_478 : vector<128x16xi1>, vector<128x16xi32>
    %eq3A_504 = vector.broadcast %broadcast_in_dim3A_489 : vector<128x1xf32> to vector<128x640xf32>
    %eq3A_505 = arith.cmpf oeq, %select_n3A_486, %eq3A_504 : vector<128x640xf32>
    %eq3A_506 = vector.broadcast %broadcast_in_dim3A_497 : vector<128x1xi32> to vector<128x640xi32>
    %eq3A_507 = arith.cmpi eq, %concatenate3A_134, %eq3A_506 : vector<128x640xi32>
    %and3A_508 = arith.andi %eq3A_505, %eq3A_507 : vector<128x640xi1>
    %jit3A_509 = arith.constant 3.000000e+38 : f32
    %broadcast_in_dim3A_510 = vector.broadcast %jit3A_509 : f32 to vector<128x640xf32>
    %select_n3A_511 = arith.select %and3A_508, %broadcast_in_dim3A_510, %select_n3A_486 : vector<128x640xi1>, vector<128x640xf32>
    %reduce_min3A_512 = arith.constant dense<0x7F800000> : vector<128xf32>
    %reduce_min3A_513 = vector.multi_reduction <minimumf>, %select_n3A_511, %reduce_min3A_512 [1] : vector<128x640xf32> to vector<128xf32>
    %broadcast_in_dim3A_514 = vector.shape_cast %reduce_min3A_513 : vector<128xf32> to vector<128x1xf32>
    %eq3A_515 = vector.broadcast %broadcast_in_dim3A_514 : vector<128x1xf32> to vector<128x640xf32>
    %eq3A_516 = arith.cmpf oeq, %select_n3A_511, %eq3A_515 : vector<128x640xf32>
    %jit3A_517 = arith.constant 1073741824 : i32
    %broadcast_in_dim3A_518 = vector.broadcast %jit3A_517 : i32 to vector<128x640xi32>
    %select_n3A_519 = arith.select %eq3A_516, %concatenate3A_134, %broadcast_in_dim3A_518 : vector<128x640xi1>, vector<128x640xi32>
    %reduce_min3A_520 = arith.constant dense<2147483647> : vector<128xi32>
    %reduce_min3A_521 = vector.multi_reduction <minsi>, %select_n3A_519, %reduce_min3A_520 [1] : vector<128x640xi32> to vector<128xi32>
    %broadcast_in_dim3A_522 = vector.shape_cast %reduce_min3A_521 : vector<128xi32> to vector<128x1xi32>
    %eq3A_523 = arith.constant 15 : i32
    %eq3A_524 = vector.broadcast %eq3A_523 : i32 to vector<128x16xi32>
    %eq3A_525 = arith.cmpi eq, %iota3A_135, %eq3A_524 : vector<128x16xi32>
    %broadcast_in_dim3A_526 = vector.shape_cast %broadcast_in_dim3A_522 : vector<128x1xi32> to vector<128x1xi32>
    %broadcast_in_dim3A_527 = vector.broadcast %broadcast_in_dim3A_526 : vector<128x1xi32> to vector<128x16xi32>
    %select_n3A_528 = arith.select %eq3A_525, %broadcast_in_dim3A_527, %select_n3A_503 : vector<128x16xi1>, vector<128x16xi32>
    %mul3A_529 = arith.constant 8192 : i32
    %mul3A_530 = arith.muli %arg0, %mul3A_529 : i32
    %add3A_531 = vector.broadcast %mul3A_530 : i32 to vector<128x16xi32>
    %add3A_532 = arith.addi %select_n3A_528, %add3A_531 : vector<128x16xi32>
    %swap3A = arith.constant 0 : index
    %swap3A_533 = arith.constant 0 : index
    %swap3A_534 = arith.constant 0 : index
    %swap3A_535 = vector.load %arg8[%swap3A, %swap3A_533, %swap3A_534] : memref<1x128x16xi32, #tpu.memory_space<vmem>>, vector<1x128x16xi32>
    %swap3A_536 = vector.shape_cast %swap3A_535 : vector<1x128x16xi32> to vector<128x16xi32>
    %swap3A_537 = vector.shape_cast %add3A_532 : vector<128x16xi32> to vector<1x128x16xi32>
    tpu.vector_store %arg8[%swap3A, %swap3A_533, %swap3A_534], %swap3A_537 {strides = array<i32>} : memref<1x128x16xi32, #tpu.memory_space<vmem>>, vector<1x128x16xi32>,
    return
  }
  func.func @transform_0(%arg0: i32, %arg1: i32) -> (i32, i32, i32) {
    %c0_i32 = arith.constant 0 : i32
    %c0_i32_0 = arith.constant 0 : i32
    %c0_i32_1 = arith.constant 0 : i32
    return %arg0, %c0_i32, %c0_i32_0 : i32, i32, i32
  }
  func.func @transform_1(%arg0: i32, %arg1: i32) -> (i32, i32, i32) {
    %c0_i32 = arith.constant 0 : i32
    %c0_i32_0 = arith.constant 0 : i32
    %c0_i32_1 = arith.constant 0 : i32
    return %arg0, %c0_i32, %c0_i32_0 : i32, i32, i32
  }
  func.func @transform_2(%arg0: i32, %arg1: i32) -> (i32, i32, i32) {
    %c0_i32 = arith.constant 0 : i32
    %c0_i32_0 = arith.constant 0 : i32
    %c0_i32_1 = arith.constant 0 : i32
    return %arg0, %c0_i32, %c0_i32_0 : i32, i32, i32
  }
  func.func @transform_3(%arg0: i32, %arg1: i32) -> (i32, i32, i32) {
    %c0_i32 = arith.constant 0 : i32
    %c0_i32_0 = arith.constant 0 : i32
    return %arg0, %arg1, %c0_i32 : i32, i32, i32
  }
  func.func @transform_4(%arg0: i32, %arg1: i32) -> (i32, i32, i32) {
    %c0_i32 = arith.constant 0 : i32
    %c0_i32_0 = arith.constant 0 : i32
    return %arg0, %arg1, %c0_i32 : i32, i32, i32
  }
  func.func @transform_5(%arg0: i32, %arg1: i32) -> (i32, i32, i32) {
    %c0_i32 = arith.constant 0 : i32
    %c0_i32_0 = arith.constant 0 : i32
    return %arg0, %arg1, %c0_i32 : i32, i32, i32
  }
  func.func @transform_6(%arg0: i32, %arg1: i32) -> (i32, i32, i32) {
    %c0_i32 = arith.constant 0 : i32
    %c0_i32_0 = arith.constant 0 : i32
    return %arg0, %arg1, %c0_i32 : i32, i32, i32
  }
}

module attributes {stable_mosaic.version = 14 : i64} {
  func.func @_final_body(%arg0: memref<4096x128xf32, #tpu.memory_space<vmem>>, %arg1: memref<128x64xf32, #tpu.memory_space<vmem>>, %arg2: memref<4096x64xf32, #tpu.memory_space<vmem>>, %arg3: memref<4096x64xf32, #tpu.memory_space<vmem>>, %arg4: memref<4096x64xf32, #tpu.memory_space<vmem>>, %arg5: memref<4096x64xf32, #tpu.memory_space<vmem>>, %arg6: memref<1x64xf32, #tpu.memory_space<vmem>>, %arg7: memref<1x64xf32, #tpu.memory_space<vmem>>, %arg8: memref<4096x64xf32, #tpu.memory_space<vmem>>) attributes {dimension_semantics = [], scalar_prefetch = 0 : i64, scratch_operands = 0 : i64, tpu.core_type = #tpu.core_type<tc>} {
    %get3A = arith.constant 0 : index
    %get3A_0 = arith.constant 0 : index
    %get3A_1 = vector.load %arg0[%get3A, %get3A_0] : memref<4096x128xf32, #tpu.memory_space<vmem>>, vector<4096x128xf32>
    %get3A_2 = arith.constant 0 : index
    %get3A_3 = arith.constant 0 : index
    %get3A_4 = vector.load %arg1[%get3A_2, %get3A_3] : memref<128x64xf32, #tpu.memory_space<vmem>>, vector<128x64xf32>
    %dot_general3A = arith.constant dense<0.000000e+00> : vector<4096x64xf32>
    %dot_general3A_5 = tpu.matmul %get3A_1, %get3A_4, %dot_general3A {dimension_numbers = #tpu.dot_dimension_numbers<[1], [0], [0], [1], [0, 0, 1, 1], [], []>, transpose_lhs_hint = false} : vector<4096x128xf32>, vector<128x64xf32>, vector<4096x64xf32> -> vector<4096x64xf32>
    %get3A_6 = arith.constant 0 : index
    %get3A_7 = arith.constant 0 : index
    %get3A_8 = vector.load %arg2[%get3A_6, %get3A_7] : memref<4096x64xf32, #tpu.memory_space<vmem>>, vector<4096x64xf32>
    %reduce_sum3A = arith.constant dense<0.000000e+00> : vector<64xf32>
    %reduce_sum3A_9 = vector.multi_reduction <add>, %get3A_8, %reduce_sum3A [0] : vector<4096x64xf32> to vector<64xf32>
    %broadcast_in_dim3A = vector.shape_cast %reduce_sum3A_9 : vector<64xf32> to vector<1x64xf32>
    %reduce_sum3A_10 = arith.constant dense<0.000000e+00> : vector<64xf32>
    %reduce_sum3A_11 = vector.multi_reduction <add>, %dot_general3A_5, %reduce_sum3A_10 [0] : vector<4096x64xf32> to vector<64xf32>
    %broadcast_in_dim3A_12 = vector.shape_cast %reduce_sum3A_11 : vector<64xf32> to vector<1x64xf32>
    %mul3A = arith.constant 1.600000e+01 : f32
    %mul3A_13 = vector.broadcast %mul3A : f32 to vector<1x64xf32>
    %mul3A_14 = arith.mulf %mul3A_13, %broadcast_in_dim3A_12 : vector<1x64xf32>
    %sub3A = arith.subf %broadcast_in_dim3A, %mul3A_14 : vector<1x64xf32>
    %get3A_15 = arith.constant 0 : index
    %get3A_16 = arith.constant 0 : index
    %get3A_17 = vector.load %arg3[%get3A_15, %get3A_16] : memref<4096x64xf32, #tpu.memory_space<vmem>>, vector<4096x64xf32>
    %reduce_sum3A_18 = arith.constant dense<0.000000e+00> : vector<64xf32>
    %reduce_sum3A_19 = vector.multi_reduction <add>, %get3A_17, %reduce_sum3A_18 [0] : vector<4096x64xf32> to vector<64xf32>
    %broadcast_in_dim3A_20 = vector.shape_cast %reduce_sum3A_19 : vector<64xf32> to vector<1x64xf32>
    %mul3A_21 = arith.mulf %dot_general3A_5, %get3A_8 : vector<4096x64xf32>
    %reduce_sum3A_22 = arith.constant dense<0.000000e+00> : vector<64xf32>
    %reduce_sum3A_23 = vector.multi_reduction <add>, %mul3A_21, %reduce_sum3A_22 [0] : vector<4096x64xf32> to vector<64xf32>
    %broadcast_in_dim3A_24 = vector.shape_cast %reduce_sum3A_23 : vector<64xf32> to vector<1x64xf32>
    %mul3A_25 = arith.constant 2.000000e+00 : f32
    %mul3A_26 = vector.broadcast %mul3A_25 : f32 to vector<1x64xf32>
    %mul3A_27 = arith.mulf %mul3A_26, %broadcast_in_dim3A_24 : vector<1x64xf32>
    %sub3A_28 = arith.subf %broadcast_in_dim3A_20, %mul3A_27 : vector<1x64xf32>
    %mul3A_29 = arith.mulf %dot_general3A_5, %dot_general3A_5 : vector<4096x64xf32>
    %reduce_sum3A_30 = arith.constant dense<0.000000e+00> : vector<64xf32>
    %reduce_sum3A_31 = vector.multi_reduction <add>, %mul3A_29, %reduce_sum3A_30 [0] : vector<4096x64xf32> to vector<64xf32>
    %broadcast_in_dim3A_32 = vector.shape_cast %reduce_sum3A_31 : vector<64xf32> to vector<1x64xf32>
    %mul3A_33 = arith.constant 1.600000e+01 : f32
    %mul3A_34 = vector.broadcast %mul3A_33 : f32 to vector<1x64xf32>
    %mul3A_35 = arith.mulf %mul3A_34, %broadcast_in_dim3A_32 : vector<1x64xf32>
    %add3A = arith.addf %sub3A_28, %mul3A_35 : vector<1x64xf32>
    %div3A = arith.constant 6.553600e+04 : f32
    %div3A_36 = vector.broadcast %div3A : f32 to vector<1x64xf32>
    %div3A_37 = arith.divf %sub3A, %div3A_36 : vector<1x64xf32>
    %div3A_38 = arith.constant 6.553600e+04 : f32
    %div3A_39 = vector.broadcast %div3A_38 : f32 to vector<1x64xf32>
    %div3A_40 = arith.divf %add3A, %div3A_39 : vector<1x64xf32>
    %mul3A_41 = arith.mulf %div3A_37, %div3A_37 : vector<1x64xf32>
    %sub3A_42 = arith.subf %div3A_40, %mul3A_41 : vector<1x64xf32>
    %get3A_43 = arith.constant 0 : index
    %get3A_44 = arith.constant 0 : index
    %get3A_45 = vector.load %arg6[%get3A_43, %get3A_44] : memref<1x64xf32, #tpu.memory_space<vmem>>, vector<1x64xf32>
    %add3A_46 = arith.constant 9.99999974E-6 : f32
    %add3A_47 = vector.broadcast %add3A_46 : f32 to vector<1x64xf32>
    %add3A_48 = arith.addf %sub3A_42, %add3A_47 : vector<1x64xf32>
    %rsqrt3A = math.rsqrt %add3A_48 : vector<1x64xf32>
    %mul3A_49 = arith.mulf %get3A_45, %rsqrt3A : vector<1x64xf32>
    %ge3A = arith.constant 0.000000e+00 : f32
    %ge3A_50 = vector.broadcast %ge3A : f32 to vector<1x64xf32>
    %ge3A_51 = arith.cmpf oge, %mul3A_49, %ge3A_50 : vector<1x64xf32>
    %get3A_52 = arith.constant 0 : index
    %get3A_53 = arith.constant 0 : index
    %get3A_54 = vector.load %arg4[%get3A_52, %get3A_53] : memref<4096x64xf32, #tpu.memory_space<vmem>>, vector<4096x64xf32>
    %get3A_55 = arith.constant 0 : index
    %get3A_56 = arith.constant 0 : index
    %get3A_57 = vector.load %arg5[%get3A_55, %get3A_56] : memref<4096x64xf32, #tpu.memory_space<vmem>>, vector<4096x64xf32>
    %broadcast_in_dim3A_58 = vector.shape_cast %ge3A_51 : vector<1x64xi1> to vector<1x64xi1>
    %broadcast_in_dim3A_59 = vector.broadcast %broadcast_in_dim3A_58 : vector<1x64xi1> to vector<4096x64xi1>
    %select_n3A = arith.select %broadcast_in_dim3A_59, %get3A_54, %get3A_57 : vector<4096x64xi1>, vector<4096x64xf32>
    %sub3A_60 = arith.subf %select_n3A, %dot_general3A_5 : vector<4096x64xf32>
    %sub3A_61 = vector.broadcast %div3A_37 : vector<1x64xf32> to vector<4096x64xf32>
    %sub3A_62 = arith.subf %sub3A_60, %sub3A_61 : vector<4096x64xf32>
    %mul3A_63 = vector.broadcast %mul3A_49 : vector<1x64xf32> to vector<4096x64xf32>
    %mul3A_64 = arith.mulf %mul3A_63, %sub3A_62 : vector<4096x64xf32>
    %get3A_65 = arith.constant 0 : index
    %get3A_66 = arith.constant 0 : index
    %get3A_67 = vector.load %arg7[%get3A_65, %get3A_66] : memref<1x64xf32, #tpu.memory_space<vmem>>, vector<1x64xf32>
    %add3A_68 = vector.broadcast %get3A_67 : vector<1x64xf32> to vector<4096x64xf32>
    %add3A_69 = arith.addf %mul3A_64, %add3A_68 : vector<4096x64xf32>
    %max3A = arith.constant 0.000000e+00 : f32
    %max3A_70 = vector.broadcast %max3A : f32 to vector<4096x64xf32>
    %max3A_71 = arith.maximumf %add3A_69, %max3A_70 : vector<4096x64xf32>
    %swap3A = arith.constant 0 : index
    %swap3A_72 = arith.constant 0 : index
    %swap3A_73 = vector.load %arg8[%swap3A, %swap3A_72] : memref<4096x64xf32, #tpu.memory_space<vmem>>, vector<4096x64xf32>
    tpu.vector_store %arg8[%swap3A, %swap3A_72], %max3A_71 {strides = array<i32>} : memref<4096x64xf32, #tpu.memory_space<vmem>>, vector<4096x64xf32>,
    return
  }
}

</mosaic_0001>

<sc_bundles>
// kernel: kernel.6.cloned.1.call-start
scs
__scs_entry_jumppad:
0x0: {  	(pc) =	sbr.rel $0x88, $3  }
0x1: {  	(tag) =	ssettag $0x0;
	lr =	simm.s32 $0x1  }
0x2: {  	[smem:$0x3F9B] =	sst lr;
	_ =	strace $0xD0000000  }
0x3: {  	_ = 	snop  }
0x4: {  	_ = 	snop  }
0x5: {  	_ = 	snop  }
0x6: {  	_ = 	snop  }
0x7: {  	_ = 	snop  }
__scs_overlays_trampoline_lowered:
0x8: {  	[smem:$0x3FAA] =	sst s0  }
0x9: {  	[smem:$0x3FAB] =	sst s1  }
0xa: {  	[smem:$0x3FAC] =	sst s2  }
0xb: {  	[smem:$0x3FAD] =	sst s3  }
0xc: {  	[smem:$0x3FAE] =	sst s4  }
0xd: {  	[smem:$0x3FAF] =	sst s5  }
0xe: {  	[smem:$0x3FB0] =	sst s6  }
0xf: {  	[smem:$0x3FB1] =	sst s7  }
0x10: {  	[smem:$0x3FB2] =	sst s8  }
0x11: {  	[smem:$0x3FB3] =	sst s9;
	s0 =	simm.s32 @!p0 $0x0  }
0x12: {  	s1 =	sld [smem:$0x3F99];
	s0 =	simm.s32 @p0 $0x1  }
0x13: {  	[smem:$0x3FB4] =	sst s0;
	s0 =	simm.s32 @!p1 $0x0  }
0x14: {  	s2 =	sld [smem:$0x3F98];
	s0 =	simm.s32 @p1 $0x1  }
0x15: {  	[smem:$0x3FB5] =	sst s0;
	s0 =	simm.s32 @!p2 $0x0  }
0x16: {  	s3 =	sld [smem:$0x3FDB];
	s0 =	simm.s32 @p2 $0x1  }
0x17: {  	s4 =	simm.s32 $0x1BF5;
	[smem:$0x3FB7] =	sst s0  }
0x18: {  	s0 =	sld [smem:$0x3F9A];
	_ =	swait.ge [sflag:s4], $0x0  }
0x19: {  	s7 =	sld [smem:$0x3F9B]  }
0x1a: {  	s8 =	sadd.s32 $0xFFFFE003, lr  }
0x1b: {  	s9 =	sadd.s32 $0xFFFFFEF7, lr;
	s5 =	simm.s32 $0xFFFFFFFF;
	p2 =	slt.u32 s8, $0xFFFFF086  }
0x1c: {  	p1 =	slt.u32 s9, $0xF7A;
	s5 =	simm.s32 @!p2 $0x0  }
0x1d: {  	s5 =	simm.s32 @p1 $0x1;
	p0 =	seq.s32 s7, s2  }
0x1e: {  	s7 =	smul.u32 @!p0 $0xF7A, s2;
	p2 =	seq.s32 @!p0 s5, $0x0  }
0x1f: {  	s9 =	smul.u32 $0xF7A, s1;
	s8 =	simm.s32 @!p0 $0x1BF5;
	p2 =	por !p2, p0  }
0x20: {  	[sflag:s8] =	ssyncset.s32 @!p0 $0xFFFFF086;
	s6 =	sadd.s32 @!p0 s3, s7;
	s7 =	simm.s32 @!p0 $0x108  }
0x21: {  	s3 =	sadd.s32 s3, s9;
	s6 =	sadd.s32 @!p0 $0x88, s6;
	s7 =	simm.s32 @p2 $0x1082  }
0x22: {  	[simem:s7], [sflag:s8] =	dma.local @!p0 [hbm:s6], $0xF7A  }
0x23: {  	s9 =	sor.u32 $0xD0000000, s2;
	s6 =	simm.s32 $0x108;
	_ =	swait.ge @!p0 [sflag:s8], $0x0  }
0x24: {  	s3 =	sadd.s32 $0x88, s3;
	s6 =	simm.s32 @!p1 $0x1082;
	[sflag:s4] =	ssyncset.s32 $0xFFFFF086  }
0x25: {  	[simem:s6], [sflag:s4] =	dma.local [hbm:s3], $0xF7A  }
0x26: {  	[smem:$0x3F9B] =	sst s1;
	(tag) =	ssettag s2;
	_ =	strace s9  }
0x27: {  	s1 =	sld [smem:$0x3FAB]  }
0x28: {  	s2 =	sld [smem:$0x3FAC]  }
0x29: {  	s4 =	sld [smem:$0x3FAE]  }
0x2a: {  	p0 =	seq.s32 s5, $0x0;
	s5 =	sld [smem:$0x3FAF]  }
0x2b: {  	s6 =	sld [smem:$0x3FB0]  }
0x2c: {  	s7 =	sld [smem:$0x3FB1]  }
0x2d: {  	s3 =	simm.s32 $0x108;
	s8 =	sld [smem:$0x3FB2]  }
0x2e: {  	s3 =	simm.s32 @!p0 $0x1082;
	s9 =	sld [smem:$0x3FB3]  }
0x2f: {  	lr =	sadd.s32 s0, s3;
	s0 =	sld [smem:$0x3FAA]  }
0x30: {  	s3 =	sld [smem:$0x3FAD]  }
0x31: {  	[smem:$0x3FB6] =	sst s10  }
0x32: {  	s10 =	sld [smem:$0x3FB4];
	_ =	sdelay $0x3  }
0x33: {  	p0 =	seq.s32 s10, $0x1;
	s10 =	sld [smem:$0x3FB6];
	_ =	sdelay $0x3  }
0x34: {  	[smem:$0x3FB6] =	sst s10  }
0x35: {  	s10 =	sld [smem:$0x3FB5];
	_ =	sdelay $0x3  }
0x36: {  	p1 =	seq.s32 s10, $0x1;
	s10 =	sld [smem:$0x3FB6];
	_ =	sdelay $0x3  }
0x37: {  	[smem:$0x3FB6] =	sst s10  }
0x38: {  	s10 =	sld [smem:$0x3FB7]  }
0x39: {  	_ = 	snop;
	(pc) =	sbr.ind lr, $3  }
0x3a: {  	_ = 	snop  }
0x3b: {  	_ = 	snop  }
0x3c: {  	p2 =	seq.s32 s10, $0x1;
	s10 =	sld [smem:$0x3FB6]  }
0x3d: {  	_ =	shalt  }
0x3e: {  	_ =	shalt  }
0x3f: {  	_ =	shalt  }
0x40: {  	_ =	shalt  }
0x41: {  	_ =	shalt  }
0x42: {  	_ =	shalt  }
0x43: {  	_ =	shalt  }
0x44: {  	_ =	shalt  }
0x45: {  	_ =	shalt  }
0x46: {  	_ =	shalt  }
0x47: {  	_ =	shalt  }
0x48: {  	_ =	shalt  }
0x49: {  	_ =	shalt  }
0x4a: {  	_ =	shalt  }
0x4b: {  	_ =	shalt  }
0x4c: {  	_ =	shalt  }
0x4d: {  	_ =	shalt  }
0x4e: {  	_ =	shalt  }
0x4f: {  	_ =	shalt  }
0x50: {  	_ =	shalt  }
0x51: {  	_ =	shalt  }
0x52: {  	_ =	shalt  }
0x53: {  	_ =	shalt  }
0x54: {  	_ =	shalt  }
0x55: {  	_ =	shalt  }
0x56: {  	_ =	shalt  }
0x57: {  	_ =	shalt  }
0x58: {  	_ =	shalt  }
0x59: {  	_ =	shalt  }
0x5a: {  	_ =	shalt  }
0x5b: {  	_ =	shalt  }
0x5c: {  	_ =	shalt  }
0x5d: {  	_ =	shalt  }
0x5e: {  	_ =	shalt  }
0x5f: {  	_ =	shalt  }
0x60: {  	_ =	shalt  }
0x61: {  	_ =	shalt  }
0x62: {  	_ =	shalt  }
0x63: {  	_ =	shalt  }
0x64: {  	_ =	shalt  }
0x65: {  	_ =	shalt  }
0x66: {  	_ =	shalt  }
0x67: {  	_ =	shalt  }
0x68: {  	_ =	shalt  }
0x69: {  	_ =	shalt  }
0x6a: {  	_ =	shalt  }
0x6b: {  	_ =	shalt  }
0x6c: {  	_ =	shalt  }
0x6d: {  	_ =	shalt  }
0x6e: {  	_ =	shalt  }
0x6f: {  	_ =	shalt  }
0x70: {  	_ =	shalt  }
0x71: {  	_ =	shalt  }
0x72: {  	_ =	shalt  }
0x73: {  	_ =	shalt  }
0x74: {  	_ =	shalt  }
0x75: {  	_ =	shalt  }
0x76: {  	_ =	shalt  }
0x77: {  	_ =	shalt  }
0x78: {  	_ =	shalt  }
0x79: {  	_ =	shalt  }
0x7a: {  	_ =	shalt  }
0x7b: {  	_ =	shalt  }
0x7c: {  	_ =	shalt  }
0x7d: {  	_ =	shalt  }
0x7e: {  	_ =	shalt  }
0x7f: {  	_ =	shalt  }
0x80: {  	_ =	shalt  }
0x81: {  	_ =	shalt  }
0x82: {  	_ =	shalt  }
0x83: {  	_ =	shalt  }
0x84: {  	_ =	shalt  }
0x85: {  	_ =	shalt  }
0x86: {  	_ =	shalt  }
0x87: {  	_ =	shalt  }
.Lfunc_end0:
.L_simem_size_0:
called_computation_lowered:
.L_overlay_start_0:
0x88: {  	s2 =	sld [smem:$0x3FD9]  }
0x89: {  	s3 =	sld [smem:$0x3FFE];
	_ =	sdelay $0x1  }
0x8a: {  	s1 =	srdreg.scid  }
0x8b: {  	s0 =	sand.u32 $0x1, s1  }
0x8c: {  	s14 =	sshll.u32 s0, $0xA;
	s2 =	sadd.s32 s3, s2  }
0x8d: {  	s2 =	sadd.s32 s2, s14  }
0x8e: {  	[smem:$0x3FC2] =	sst s2  }
0x8f: {  	_ = 	snop  }
0x90: {  	s2 =	sld [smem:$0x3FD0];
	_ =	sdelay $0x2  }
0x91: {  	s15 =	simm.s32 $0xA;
	s4 =	simm.s32 $0x10  }
0x92: {  	[smem:s4], [sflag:s15] =	dma.local [hbm:s2], $0x1  }
0x93: {  	_ =	swait.eq [sflag:s15], $0x1  }
0x94: {  	[sflag:s15] =	ssyncset.done $0x0  }
0x95: {  	[sflag:s15] =	ssyncadd.s32 $0xFFFFFFFF  }
0x96: {  	s16 =	sld [smem:$0x11];
	(tm) =	ssettm $0x1  }
0x97: {  	s17 =	sld [smem:$0x3FFB];
	_ =	sdelay $0x3  }
0x98: {  	_ =	strace s17  }
0x99: {  	s3 =	sld [smem:$0x3FFC];
	_ =	sdelay $0x3  }
0x9a: {  	_ =	strace s3  }
0x9b: {  	s3 =	sld [smem:$0x3FFD];
	_ =	sdelay $0x3  }
0x9c: {  	_ =	strace s3  }
0x9d: {  	_ =	strace $0x8FFFFFFF  }
0x9e: {  	s18 =	sld [smem:$0x3FDB];
	_ =	sdelay $0x1  }
0x9f: {  	s19 =	simm.s32 $_scs_section_size  }
0xa0: {  	s5 =	simm.s32 $_size__tile_overlayer_lowered;
	s6 =	simm.s32 $_tile_overlayer_lowered  }
0xa1: {  	s22 =	simm.s32 $0x1BFF;
	s21 =	sshll.u32 s6, $0x1;
	s3 =	sadd.s32 s19, s18  }
0xa2: {  	s7 =	simm.s32 $0x0;
	s20 =	sshll.u32 s5, $0x1;
	s5 =	sadd.s32 s21, s3  }
0xa3: {  	[timem:s7], [sflag:s22] =	dma.local [hbm:s5], s20  }
0xa4: {  	_ =	swait.ge [sflag:s22], s20  }
0xa5: {  	s4 =	ssub.s32 $0x0, s20;
	[sflag:s22] =	ssyncset.done $0x0  }
0xa6: {  	[sflag:s22] =	ssyncadd.s32 s4;
	_ =	sdelay $0x1  }
0xa7: {  	s23 =	simm.s32 $0x1B8B  }
0xa8: {  	_ =	swait.ge [sflag:s23], $0x1  }
0xa9: {  	[sflag:s23] =	ssyncset.done $0x0  }
0xaa: {  	s25 =	simm.s32 $0x1B8E;
	s24 =	sld [smem:$0x3FFE];
	[sflag:s23] =	ssyncadd.s32 $0xFFFFFFFF  }
0xab: {  	s26 =	simm.s32 $execute0_lowered;
	[smem:$0x3FD2] =	sst s25  }
0xac: {  	s5 =	sshll.u32 s26, $0x1;
	_ =	strace $0x80000046;
	[dreg:$0x1] =	wrdreg $0xFFFFFFFF  }
0xad: {  	s28 =	simm.s32 $_size_execute0_lowered;
	s3 =	sadd.s32 s3, s5;
	[dreg:$0x0] =	wrdreg $0x0  }
0xae: {  	s5 =	sshll.u32 s28, $0x1;
	[dreg:$0x2] =	wrdreg s3  }
0xaf: {  	[dreg:$0x3] =	wrdreg s5  }
0xb0: {  	[dreg:$0x4] =	wrdreg $0xC0  }
0xb1: {  	_ =	task [dreg:s7], $0x5FFFF  }
0xb2: {  	[dreg:$0x1] =	wrdreg $0xFFFFFFFF  }
0xb3: {  	[dreg:$0x0] =	wrdreg $0x60  }
0xb4: {  	[dreg:$0x2] =	wrdreg s24  }
0xb5: {  	[dreg:$0x3] =	wrdreg s16  }
0xb6: {  	[dreg:$0x4] =	wrdreg $0x9  }
0xb7: {  	_ =	task.clear_ibuf [dreg:s7], $0x5FFFF;
	_ =	strace $0x90000046  }
0xb8: {  	s29 =	simm.s32 $0x9;
	_ =	strace $0x80000048  }
0xb9: {  	_ =	swait.ge [sflag:s29], $0x1  }
0xba: {  	[sflag:s29] =	ssyncadd.s32 $0xFFFFFFFF  }
0xbb: {  	_ =	strace $0x90000048  }
0xbc: {  	_ =	sfence  }
0xbd: {  	s30 =	sld [smem:$0x0];
	_ =	sdelay $0x2  }
0xbe: {  	s31 =	sshll.u32 s1, $0xD;
	s1 =	sshrl.u32 s1, $0x2  }
0xbf: {  	s3 =	sand.u32 $0x4000, s31;
	s1 =	sadd.s32 s1, s30  }
0xc0: {  	s0 =	sor.u32 s3, s0;
	s1 =	sshll.u32 s1, $0x11  }
0xc1: {  	s0 =	sor.u32 s1, s0  }
0xc2: {  	s0 =	sadd.s32 $0x8F2B, s0  }
0xc3: {  	[sflag:s0] =	ssyncadd.remote.s32 $0x1  }
0xc4: {  	_ =	sfence.sel $0xFFFF  }
0xc5: {  	[dreg:$0x0] =	wrdreg $0xFFFFFFFF;
	(pc) =	sbr.abs _section_cstart, $3  }
0xc6: {  	[dreg:$0x1] =	wrdreg $0xFFFFFFFF  }
0xc7: {  	_ =	task.clear_ibuf [dreg:s7], $0x2FFFF;
	_ =	strace $0x9FFFFFFF  }
0xc8: {  	(tm) =	ssettm $0x7FFFFFFF  }
0xc9: {  	_ =	shalt  }
tec
execute0_lowered:
.L_overlay_start_1:
0x0: {  	(tag) =	ssettag $0x1  }
0x1: {  	s8 =	rddreg [dreg:$0x0]  }
0x2: {  	s1 =	rddreg [dreg:$0x1]  }
0x3: {  	s0 =	rddreg [dreg:$0x2];
	s2 =	simm.s32 $0x0;
	s4 =	srdreg.scid  }
0x4: {  	s13 =	simm.s32 $0x1;
	s14 =	simm.s32 $0x8100;
	s15 =	simm.s32 $0x8900  }
0x5: {  	s16 =	simm.s32 $0x9100;
	s17 =	simm.s32 $0x9900;
	s18 =	simm.s32 $0x0  }
0x6: {  	[smem:$0x7FF] =	sst s2;
	s3 =	sadd.s32 $0x1E00, s8;
	s5 =	sadd.s32 $0x41E00, s8  }
0x7: {  	s6 =	sadd.s32 $0x51E00, s8;
	s9 =	sand.u32 $0x1, s4;
	s7 =	sadd.s32 $0x61E00, s8  }
0x8: {  	s4 =	stileid.u32;
	s8 =	sadd.s32 $0x71E00, s8;
	s10 =	ssub.s32 $0x2, s9  }
0x9: {  	s12 =	sshll.u32 s4, $0x8;
	s9 =	sshll.u32 s9, $0x7;
	s11 =	sshrl.u32 s10, $0x1  }
0xa: {  	_ =	strace $0x80000047;
	s9 =	sor.u32 s9, s12;
	s10 =	ssub.s32 s10, s11  }
0xb: {  	s12 =	simm.s32 $0x100;
	s11 =	simm.s32 $0x2;
	s10 =	smax.u32 s10, $0x1  }
.LBB2_1:
0xc: {  	s19 =	simm.s32 $0x0  }
.LBB2_2:
0xd: {  	s20 =	sshll.u32 s19, $0x4  }
0xe: {  	s20 =	sadd.s32 s9, s20  }
0xf: {  	s21 =	sshll.u32 s20, $0x1  }
0x10: {  	s22 =	simm.s32 $0x0;
	s21 =	sadd.s32 s1, s21  }
0x11: {  	[tilespmem:s22], [sflag:$0x2] =	stream.linear.gather [hbm4b:s21+s22], $0x100, $0x38;
	[tilespmem:$0xA100] =	vst v63  }
0x12: {  	_ =	swait.ge [sflag:s11], $0x100  }
0x13: {  	[sflag:s11] =	ssyncset.done $0x0  }
0x14: {  	[sflag:s11] =	ssyncadd.s32 $0xFFFFFF00  }
0x15: {  	[tilespmem:s12], [sflag:$0x1] =	stream.indirect.gather [hbm4b:s3+s12], $0x80, s22, s12, $0xb8;
	[tilespmem:$0xA100] =	vst v63  }
0x16: {  	_ =	swait.ge [sflag:s13], $0x8000  }
0x17: {  	[sflag:s13] =	ssyncset.done $0x0  }
0x18: {  	s21 =	simm.s32 $0x500;
	[sflag:s13] =	ssyncadd.s32 $0xFFFF8000  }
0x19: {  	v0 =	vld [tilespmem:s21+$0xFFFFFC80]  }
0x1a: {  	v1 =	vld [tilespmem:s21+$0xFFFFFC00];
	_ =	sdelay $0x1  }
0x1b: {  	v2 =	vld [tilespmem:s21+$0xFFFFFD00];
	_ =	sdelay $0x1  }
0x1c: {  	v3 =	vld [tilespmem:s21+$0xFFFFFD80]  }
0x1d: {  	v4 =	vmul.f32 v1, v1;
	v5 =	vadd.f32 v0, v1;
	v6 =	vmul.f32 v0, v0  }
0x1e: {  	v8 =	vld [tilespmem:s21+$0xFFFFFE00];
	v7 =	vmax.f32 v1, v0  }
0x1f: {  	v4 =	vadd.f32 v6, v4;
	v5 =	vadd.f32 v2, v5;
	v6 =	vmul.f32 v2, v2  }
0x20: {  	v0 =	vmin.f32 v1, v0;
	v1 =	vmax.f32 v7, v2;
	v7 =	vld [tilespmem:s21+$0xFFFFFE80]  }
0x21: {  	v4 =	vadd.f32 v6, v4;
	v5 =	vadd.f32 v3, v5;
	v6 =	vmul.f32 v3, v3  }
0x22: {  	v0 =	vmin.f32 v0, v2;
	v2 =	vld [tilespmem:s21+$0xFFFFFF00]  }
0x23: {  	v4 =	vadd.f32 v6, v4;
	v5 =	vadd.f32 v8, v5;
	v6 =	vmul.f32 v8, v8  }
0x24: {  	v9 =	vld [tilespmem:s21+$0xFFFFFF80];
	v1 =	vmax.f32 v1, v3;
	v0 =	vmin.f32 v0, v3  }
0x25: {  	v3 =	vadd.f32 v6, v4;
	v4 =	vadd.f32 v7, v5;
	v5 =	vmul.f32 v7, v7  }
0x26: {  	v6 =	vld [tilespmem:s21+$0x0]  }
0x27: {  	v1 =	vmax.f32 v1, v8;
	v3 =	vadd.f32 v5, v3;
	v5 =	vmul.f32 v2, v2  }
0x28: {  	v0 =	vmin.f32 v0, v8;
	v1 =	vmax.f32 v1, v7;
	v8 =	vld [tilespmem:s21+$0x80];
	v4 =	vadd.f32 v2, v4  }
0x29: {  	v0 =	vmin.f32 v0, v7;
	v7 =	vmul.f32 v9, v9;
	v3 =	vadd.f32 v5, v3  }
0x2a: {  	v1 =	vmax.f32 v1, v2;
	v0 =	vmin.f32 v0, v2;
	v2 =	vld [tilespmem:s21+$0x100];
	v4 =	vadd.f32 v9, v4  }
0x2b: {  	v5 =	vmul.f32 v6, v6;
	v3 =	vadd.f32 v7, v3  }
0x2c: {  	v1 =	vmax.f32 v1, v9;
	v4 =	vadd.f32 v6, v4;
	v7 =	vld [tilespmem:s21+$0x180]  }
0x2d: {  	v0 =	vmin.f32 v0, v9;
	v9 =	vmul.f32 v8, v8;
	v3 =	vadd.f32 v5, v3  }
0x2e: {  	v4 =	vadd.f32 v8, v4;
	v5 =	vld [tilespmem:s21+$0x200]  }
0x2f: {  	v10 =	vmul.f32 v2, v2;
	v3 =	vadd.f32 v9, v3  }
0x30: {  	v1 =	vmax.f32 v1, v6;
	v0 =	vmin.f32 v0, v6;
	v6 =	vld [tilespmem:s21+$0x280];
	v4 =	vadd.f32 v2, v4  }
0x31: {  	v1 =	vmax.f32 v1, v8;
	v9 =	vmul.f32 v7, v7;
	v3 =	vadd.f32 v10, v3  }
0x32: {  	v0 =	vmin.f32 v0, v8;
	v1 =	vmax.f32 v1, v2;
	v8 =	vld [tilespmem:s21+$0x300];
	v4 =	vadd.f32 v7, v4  }
0x33: {  	v0 =	vmin.f32 v0, v2;
	v10 =	vmul.f32 v5, v5;
	v3 =	vadd.f32 v9, v3  }
0x34: {  	v2 =	vld [tilespmem:s21+$0x380];
	v1 =	vmax.f32 v1, v7;
	v0 =	vmin.f32 v0, v7;
	v4 =	vadd.f32 v5, v4  }
0x35: {  	v7 =	vmul.f32 v6, v6;
	v1 =	vmax.f32 v1, v5;
	v3 =	vadd.f32 v10, v3  }
0x36: {  	v0 =	vmin.f32 v0, v5;
	v1 =	vmax.f32 v1, v6;
	v4 =	vadd.f32 v6, v4  }
0x37: {  	v5 =	vmul.f32 v8, v8;
	v0 =	vmin.f32 v0, v6;
	v3 =	vadd.f32 v7, v3  }
0x38: {  	v1 =	vmax.f32 v1, v8;
	v0 =	vmin.f32 v0, v8;
	v4 =	vadd.f32 v8, v4  }
0x39: {  	s22 =	simm.s32 $0x0;
	v1 =	vmax.f32 v1, v2;
	v3 =	vadd.f32 v5, v3;
	v5 =	vmul.f32 v2, v2  }
0x3a: {  	v0 =	vmin.f32 v0, v2;
	[tilespmem:s22+$0x9100] =	vst v1;
	v4 =	vadd.f32 v2, v4  }
0x3b: {  	[tilespmem:s22+$0x9900] =	vst v0;
	v1 =	vadd.f32 v5, v3  }
0x3c: {  	[tilespmem:s22+$0x8100] =	vst v4  }
0x3d: {  	[tilespmem:s22+$0x8900] =	vst v1  }
0x3e: {  	v0 =	vld [tilespmem:s21+$0xFFFFFC10]  }
0x3f: {  	v1 =	vld [tilespmem:s21+$0xFFFFFC90];
	_ =	sdelay $0x1  }
0x40: {  	v2 =	vld [tilespmem:s21+$0xFFFFFD10];
	_ =	sdelay $0x1  }
0x41: {  	v3 =	vld [tilespmem:s21+$0xFFFFFD90]  }
0x42: {  	v4 =	vmul.f32 v0, v0;
	v5 =	vmul.f32 v1, v1  }
0x43: {  	v7 =	vld [tilespmem:s21+$0xFFFFFE10];
	v6 =	vadd.f32 v1, v0  }
0x44: {  	v4 =	vadd.f32 v5, v4;
	v5 =	vmul.f32 v2, v2  }
0x45: {  	v8 =	vld [tilespmem:s21+$0xFFFFFE90];
	v6 =	vadd.f32 v2, v6  }
0x46: {  	v4 =	vadd.f32 v5, v4;
	v5 =	vmul.f32 v3, v3  }
0x47: {  	v9 =	vld [tilespmem:s21+$0xFFFFFF10];
	v6 =	vadd.f32 v3, v6  }
0x48: {  	v4 =	vadd.f32 v5, v4;
	v5 =	vmul.f32 v7, v7  }
0x49: {  	v10 =	vld [tilespmem:s21+$0xFFFFFF90];
	v6 =	vadd.f32 v7, v6  }
0x4a: {  	v4 =	vadd.f32 v5, v4;
	v5 =	vmul.f32 v8, v8  }
0x4b: {  	v12 =	vld [tilespmem:s21+$0x10];
	v11 =	vmin.f32 v0, v1;
	v6 =	vadd.f32 v8, v6  }
0x4c: {  	v0 =	vmax.f32 v0, v1;
	v1 =	vadd.f32 v5, v4;
	v4 =	vmul.f32 v9, v9  }
0x4d: {  	v0 =	vmax.f32 v0, v2;
	v2 =	vmin.f32 v11, v2;
	v5 =	vld [tilespmem:s21+$0x90];
	v6 =	vadd.f32 v9, v6  }
0x4e: {  	v0 =	vmax.f32 v0, v3;
	v11 =	vmul.f32 v10, v10;
	v1 =	vadd.f32 v4, v1  }
0x4f: {  	v2 =	vmin.f32 v2, v3;
	v0 =	vmax.f32 v0, v7;
	v3 =	vld [tilespmem:s21+$0x110];
	v4 =	vadd.f32 v10, v6  }
0x50: {  	v2 =	vmin.f32 v2, v7;
	v6 =	vmul.f32 v12, v12;
	v1 =	vadd.f32 v11, v1  }
0x51: {  	v0 =	vmax.f32 v0, v8;
	v2 =	vmin.f32 v2, v8;
	v7 =	vld [tilespmem:s21+$0x190];
	v4 =	vadd.f32 v12, v4  }
0x52: {  	v0 =	vmax.f32 v0, v9;
	v8 =	vmul.f32 v5, v5;
	v1 =	vadd.f32 v6, v1  }
0x53: {  	v2 =	vmin.f32 v2, v9;
	v0 =	vmax.f32 v0, v10;
	v6 =	vld [tilespmem:s21+$0x210];
	v4 =	vadd.f32 v5, v4  }
0x54: {  	v2 =	vmin.f32 v2, v10;
	v11 =	vmul.f32 v3, v3;
	v1 =	vadd.f32 v8, v1  }
0x55: {  	v0 =	vmax.f32 v0, v12;
	v2 =	vmin.f32 v2, v12;
	v9 =	vld [tilespmem:s21+$0x290];
	v4 =	vadd.f32 v3, v4  }
0x56: {  	v10 =	vmul.f32 v7, v7;
	v2 =	vmin.f32 v2, v5;
	v1 =	vadd.f32 v11, v1  }
0x57: {  	v0 =	vmax.f32 v0, v5;
	v2 =	vmin.f32 v2, v3;
	v8 =	vld [tilespmem:s21+$0x310];
	v4 =	vadd.f32 v7, v4  }
0x58: {  	v0 =	vmax.f32 v0, v3;
	v12 =	vmul.f32 v6, v6;
	v1 =	vadd.f32 v10, v1  }
0x59: {  	v2 =	vmin.f32 v2, v7;
	v0 =	vmax.f32 v0, v7;
	v11 =	vld [tilespmem:s21+$0x390];
	v4 =	vadd.f32 v6, v4  }
0x5a: {  	v3 =	vmul.f32 v9, v9;
	v2 =	vmin.f32 v2, v6;
	v1 =	vadd.f32 v12, v1  }
0x5b: {  	v0 =	vmax.f32 v0, v6;
	v2 =	vmin.f32 v2, v9;
	v4 =	vadd.f32 v9, v4  }
0x5c: {  	v0 =	vmax.f32 v0, v9;
	v1 =	vadd.f32 v3, v1;
	v3 =	vmul.f32 v8, v8  }
0x5d: {  	v2 =	vmin.f32 v2, v8;
	v0 =	vmax.f32 v0, v8;
	v4 =	vadd.f32 v8, v4  }
0x5e: {  	v2 =	vmin.f32 v2, v11;
	v1 =	vadd.f32 v3, v1;
	v3 =	vmul.f32 v11, v11  }
0x5f: {  	v0 =	vmax.f32 v0, v11;
	[tilespmem:s22+$0x9910] =	vst v2;
	v2 =	vadd.f32 v11, v4  }
0x60: {  	[tilespmem:s22+$0x9110] =	vst v0;
	v0 =	vadd.f32 v3, v1  }
0x61: {  	[tilespmem:s22+$0x8110] =	vst v2  }
0x62: {  	[tilespmem:s22+$0x8910] =	vst v0  }
0x63: {  	v0 =	vld [tilespmem:s21+$0xFFFFFC20]  }
0x64: {  	v1 =	vld [tilespmem:s21+$0xFFFFFCA0];
	_ =	sdelay $0x1  }
0x65: {  	v2 =	vld [tilespmem:s21+$0xFFFFFD20];
	_ =	sdelay $0x1  }
0x66: {  	v3 =	vld [tilespmem:s21+$0xFFFFFDA0]  }
0x67: {  	v4 =	vmul.f32 v0, v0;
	v5 =	vmul.f32 v1, v1  }
0x68: {  	v6 =	vld [tilespmem:s21+$0xFFFFFE20];
	v7 =	vadd.f32 v1, v0  }
0x69: {  	v4 =	vadd.f32 v5, v4;
	v5 =	vmul.f32 v2, v2  }
0x6a: {  	v8 =	vld [tilespmem:s21+$0xFFFFFEA0];
	v7 =	vadd.f32 v2, v7  }
0x6b: {  	v4 =	vadd.f32 v5, v4;
	v5 =	vmul.f32 v3, v3  }
0x6c: {  	v9 =	vld [tilespmem:s21+$0xFFFFFF20];
	v7 =	vadd.f32 v3, v7  }
0x6d: {  	v4 =	vadd.f32 v5, v4;
	v5 =	vmul.f32 v6, v6  }
0x6e: {  	v10 =	vld [tilespmem:s21+$0xFFFFFFA0];
	v11 =	vmax.f32 v0, v1;
	v7 =	vadd.f32 v6, v7  }
0x6f: {  	v0 =	vmin.f32 v0, v1;
	v4 =	vadd.f32 v5, v4;
	v5 =	vmul.f32 v8, v8  }
0x70: {  	v12 =	vld [tilespmem:s21+$0x20];
	v0 =	vmin.f32 v0, v2;
	v7 =	vadd.f32 v8, v7  }
0x71: {  	v0 =	vmin.f32 v0, v3;
	v1 =	vadd.f32 v5, v4;
	v4 =	vmul.f32 v9, v9  }
0x72: {  	v0 =	vmin.f32 v0, v6;
	v5 =	vmax.f32 v11, v2;
	v2 =	vld [tilespmem:s21+$0xA0];
	v7 =	vadd.f32 v9, v7  }
0x73: {  	v5 =	vmax.f32 v5, v3;
	v1 =	vadd.f32 v4, v1;
	v4 =	vmul.f32 v10, v10  }
0x74: {  	v0 =	vmin.f32 v0, v8;
	v3 =	vmax.f32 v5, v6;
	v5 =	vld [tilespmem:s21+$0x120];
	v7 =	vadd.f32 v10, v7  }
0x75: {  	v0 =	vmin.f32 v0, v9;
	v6 =	vmul.f32 v12, v12;
	v1 =	vadd.f32 v4, v1  }
0x76: {  	v0 =	vmin.f32 v0, v10;
	v4 =	vld [tilespmem:s21+$0x1A0];
	v7 =	vadd.f32 v12, v7  }
0x77: {  	v3 =	vmax.f32 v3, v8;
	v8 =	vmul.f32 v2, v2;
	v1 =	vadd.f32 v6, v1  }
0x78: {  	v0 =	vmin.f32 v0, v12;
	v3 =	vmax.f32 v3, v9;
	v6 =	vld [tilespmem:s21+$0x220];
	v7 =	vadd.f32 v2, v7  }
0x79: {  	v3 =	vmax.f32 v3, v10;
	v10 =	vld [tilespmem:s21+$0x320];
	v9 =	vmul.f32 v5, v5;
	v1 =	vadd.f32 v8, v1  }
0x7a: {  	v0 =	vmin.f32 v0, v2;
	v8 =	vld [tilespmem:s21+$0x2A0];
	v7 =	vadd.f32 v5, v7  }
0x7b: {  	v3 =	vmax.f32 v3, v12;
	v11 =	vmul.f32 v4, v4;
	v1 =	vadd.f32 v9, v1  }
0x7c: {  	v2 =	vmax.f32 v3, v2;
	v0 =	vmin.f32 v0, v5;
	v3 =	vadd.f32 v4, v7  }
0x7d: {  	v2 =	vmax.f32 v2, v5;
	v9 =	vmul.f32 v6, v6;
	v1 =	vadd.f32 v11, v1  }
0x7e: {  	v0 =	vmin.f32 v0, v4;
	v2 =	vmax.f32 v2, v4;
	v7 =	vld [tilespmem:s21+$0x3A0];
	v3 =	vadd.f32 v6, v3  }
0x7f: {  	v4 =	vmul.f32 v10, v10;
	v5 =	vmul.f32 v8, v8;
	v1 =	vadd.f32 v9, v1  }
0x80: {  	v0 =	vmin.f32 v0, v6;
	v2 =	vmax.f32 v2, v6;
	v3 =	vadd.f32 v8, v3  }
0x81: {  	v0 =	vmin.f32 v0, v8;
	v2 =	vmax.f32 v2, v8;
	v1 =	vadd.f32 v5, v1  }
0x82: {  	v0 =	vmin.f32 v0, v10;
	v2 =	vmax.f32 v2, v10;
	v3 =	vadd.f32 v10, v3  }
0x83: {  	v0 =	vmin.f32 v0, v7;
	v1 =	vadd.f32 v4, v1;
	v4 =	vmul.f32 v7, v7  }
0x84: {  	[tilespmem:s22+$0x9920] =	vst v0;
	v0 =	vmax.f32 v2, v7;
	v2 =	vadd.f32 v7, v3  }
0x85: {  	[tilespmem:s22+$0x9120] =	vst v0;
	v0 =	vadd.f32 v4, v1  }
0x86: {  	[tilespmem:s22+$0x8120] =	vst v2  }
0x87: {  	[tilespmem:s22+$0x8920] =	vst v0  }
0x88: {  	v0 =	vld [tilespmem:s21+$0xFFFFFC30]  }
0x89: {  	v1 =	vld [tilespmem:s21+$0xFFFFFCB0]  }
0x8a: {  	v2 =	vld [tilespmem:s21+$0xFFFFFD30]  }
0x8b: {  	v9 =	vld [tilespmem:s21+$0xFFFFFDB0]  }
0x8c: {  	v8 =	vld [tilespmem:s21+$0xFFFFFE30]  }
0x8d: {  	v7 =	vld [tilespmem:s21+$0xFFFFFEB0];
	v3 =	vmul.f32 v0, v0  }
0x8e: {  	v6 =	vld [tilespmem:s21+$0xFFFFFF30];
	v4 =	vadd.f32 v1, v0;
	v10 =	vmul.f32 v1, v1;
	v5 =	vmax.f32 v0, v1  }
0x8f: {  	v0 =	vmin.f32 v0, v1;
	v1 =	vmax.f32 v5, v2;
	v5 =	vld [tilespmem:s21+$0xFFFFFFB0]  }
0x90: {  	v12 =	vmul.f32 v2, v2;
	v10 =	vadd.f32 v10, v3;
	v11 =	vadd.f32 v2, v4;
	v4 =	vld [tilespmem:s21+$0x30]  }
0x91: {  	v13 =	vmul.f32 v9, v9;
	v0 =	vmin.f32 v0, v2;
	v3 =	vld [tilespmem:s21+$0xB0]  }
0x92: {  	v1 =	vmax.f32 v1, v9;
	v2 =	vld [tilespmem:s21+$0x130];
	v12 =	vadd.f32 v12, v10;
	v11 =	vadd.f32 v9, v11  }
0x93: {  	v10 =	vmin.f32 v0, v9;
	v9 =	vmax.f32 v1, v8;
	v1 =	vld [tilespmem:s21+$0x1B0]  }
0x94: {  	s23 =	simm.s32 $0x200;
	s24 =	simm.s32 $0x500;
	v0 =	vld [tilespmem:s21+$0x230];
	v12 =	vadd.f32 v13, v12;
	v11 =	vadd.f32 v8, v11;
	v13 =	vmul.f32 v8, v8  }
.LBB2_3:
0x95: {  	p0 =	sne.s32 s23, $0x1E00  }
0x96: {  	v8 =	vmin.f32 v10, v8;
	v9 =	vmax.f32 v9, v7;
	v10 =	vld [tilespmem:s21+$0x2B0];
	s24 =	sadd.s32 $0x800, s24;
	s25 =	smov.u32 s23;
	s23 =	sadd.s32 $0x200, s23  }
0x97: {  	v12 =	vadd.f32 v13, v12;
	v11 =	vadd.f32 v7, v11;
	v13 =	vmul.f32 v7, v7;
	v14 =	vld [tilespmem:s21+$0x330]  }
0x98: {  	v7 =	vmin.f32 v8, v7;
	v8 =	vmax.f32 v9, v6;
	v9 =	vld [tilespmem:s21+$0x3B0];
	s21 =	smov.u32 s24  }
0x99: {  	v12 =	vadd.f32 v13, v12;
	v11 =	vadd.f32 v6, v11;
	v13 =	vmul.f32 v6, v6  }
0x9a: {  	v6 =	vmin.f32 v7, v6;
	v7 =	vmax.f32 v8, v5  }
0x9b: {  	v8 =	vadd.f32 v13, v12;
	v11 =	vadd.f32 v5, v11;
	v12 =	vmul.f32 v5, v5  }
0x9c: {  	v5 =	vmin.f32 v6, v5;
	v6 =	vmax.f32 v7, v4  }
0x9d: {  	v7 =	vadd.f32 v12, v8;
	v8 =	vadd.f32 v4, v11;
	v11 =	vmul.f32 v4, v4  }
0x9e: {  	v4 =	vmin.f32 v5, v4;
	v5 =	vmax.f32 v6, v3  }
0x9f: {  	v6 =	vadd.f32 v11, v7;
	v7 =	vadd.f32 v3, v8;
	v8 =	vmul.f32 v3, v3  }
0xa0: {  	v5 =	vmax.f32 v5, v2;
	v3 =	vmin.f32 v4, v3;
	v4 =	vmul.f32 v2, v2  }
0xa1: {  	v6 =	vadd.f32 v8, v6;
	v7 =	vadd.f32 v2, v7;
	v2 =	vmin.f32 v3, v2  }
0xa2: {  	v5 =	vmax.f32 v5, v1;
	v3 =	vmul.f32 v1, v1;
	v2 =	vmin.f32 v2, v1  }
0xa3: {  	v4 =	vadd.f32 v4, v6;
	v1 =	vadd.f32 v1, v7;
	v2 =	vmin.f32 v2, v0  }
0xa4: {  	v5 =	vmax.f32 v5, v0;
	v6 =	vmul.f32 v0, v0;
	v2 =	vmin.f32 v2, v10  }
0xa5: {  	v3 =	vadd.f32 v3, v4;
	v0 =	vadd.f32 v0, v1;
	v1 =	vmin.f32 v2, v14  }
0xa6: {  	v2 =	vmul.f32 v10, v10;
	v4 =	vmax.f32 v5, v10;
	v1 =	vmin.f32 v1, v9  }
0xa7: {  	v4 =	vmax.f32 v4, v14;
	v3 =	vadd.f32 v6, v3;
	v0 =	vadd.f32 v10, v0;
	[tilespmem:s22+$0x9930] =	vst v1  }
0xa8: {  	v1 =	vmax.f32 v4, v9  }
0xa9: {  	v2 =	vadd.f32 v2, v3;
	v0 =	vadd.f32 v14, v0;
	v3 =	vmul.f32 v14, v14;
	[tilespmem:s22+$0x9130] =	vst v1;
	_ =	sdelay $0x1  }
0xaa: {  	v1 =	vadd.f32 v3, v2;
	v0 =	vadd.f32 v9, v0;
	v2 =	vmul.f32 v9, v9;
	_ =	sdelay $0x1  }
0xab: {  	v1 =	vadd.f32 v2, v1;
	[tilespmem:s22+$0x8130] =	vst v0;
	_ =	sdelay $0x1  }
0xac: {  	[tilespmem:s22+$0x8930] =	vst v1  }
0xad: {  	v0 =	vld [tilespmem:s24+$0xFFFFFD00]  }
0xae: {  	v1 =	vld [tilespmem:s24+$0xFFFFFC80]  }
0xaf: {  	v2 =	vld [tilespmem:s24+$0xFFFFFC00]  }
0xb0: {  	v3 =	vld [tilespmem:s24+$0xFFFFFF80]  }
0xb1: {  	v4 =	vld [tilespmem:s24+$0x0]  }
0xb2: {  	v5 =	vld [tilespmem:s24+$0x80]  }
0xb3: {  	v6 =	vld [tilespmem:s24+$0xFFFFFD80]  }
0xb4: {  	v9 =	vmul.f32 v1, v1;
	v7 =	vmul.f32 v2, v2;
	v8 =	vadd.f32 v1, v2  }
0xb5: {  	v10 =	vmax.f32 v2, v1;
	v1 =	vmin.f32 v2, v1;
	v2 =	vld [tilespmem:s24+$0xFFFFFE00]  }
0xb6: {  	v7 =	vadd.f32 v9, v7;
	v8 =	vadd.f32 v0, v8;
	v9 =	vmul.f32 v0, v0  }
0xb7: {  	v10 =	vmax.f32 v10, v0;
	v0 =	vmin.f32 v1, v0;
	v1 =	vld [tilespmem:s24+$0xFFFFFE80]  }
0xb8: {  	v7 =	vadd.f32 v9, v7;
	v8 =	vadd.f32 v6, v8;
	v9 =	vmul.f32 v6, v6  }
0xb9: {  	v10 =	vmax.f32 v10, v6;
	v0 =	vmin.f32 v0, v6;
	v6 =	vld [tilespmem:s24+$0xFFFFFF00]  }
0xba: {  	v7 =	vadd.f32 v9, v7;
	v8 =	vadd.f32 v2, v8;
	v9 =	vmul.f32 v2, v2  }
0xbb: {  	v10 =	vmax.f32 v10, v2;
	v0 =	vmin.f32 v0, v2  }
0xbc: {  	v2 =	vadd.f32 v9, v7;
	v7 =	vadd.f32 v1, v8;
	v8 =	vmul.f32 v1, v1  }
0xbd: {  	v9 =	vmax.f32 v10, v1;
	v0 =	vmin.f32 v0, v1  }
0xbe: {  	v1 =	vadd.f32 v8, v2;
	v2 =	vadd.f32 v6, v7;
	v7 =	vmul.f32 v6, v6  }
0xbf: {  	v8 =	vmax.f32 v9, v6;
	v0 =	vmin.f32 v0, v6;
	v6 =	vmul.f32 v3, v3;
	v9 =	vld [tilespmem:s24+$0x100]  }
0xc0: {  	v0 =	vmin.f32 v0, v3;
	v1 =	vadd.f32 v7, v1;
	v2 =	vadd.f32 v3, v2;
	v7 =	vld [tilespmem:s24+$0x180]  }
0xc1: {  	v3 =	vmax.f32 v8, v3;
	v0 =	vmin.f32 v0, v4;
	v8 =	vld [tilespmem:s24+$0x200]  }
0xc2: {  	v1 =	vadd.f32 v6, v1;
	v2 =	vadd.f32 v4, v2;
	v6 =	vmul.f32 v4, v4;
	v10 =	vld [tilespmem:s24+$0x280]  }
0xc3: {  	v3 =	vmax.f32 v3, v4;
	v0 =	vmin.f32 v0, v5;
	v4 =	vmul.f32 v5, v5;
	v11 =	vld [tilespmem:s24+$0x300]  }
0xc4: {  	v1 =	vadd.f32 v6, v1;
	v2 =	vadd.f32 v5, v2;
	v0 =	vmin.f32 v0, v9;
	v6 =	vld [tilespmem:s24+$0x380]  }
0xc5: {  	v3 =	vmax.f32 v3, v5;
	v5 =	vmul.f32 v9, v9;
	v0 =	vmin.f32 v0, v7  }
0xc6: {  	v1 =	vadd.f32 v4, v1;
	v2 =	vadd.f32 v9, v2;
	v0 =	vmin.f32 v0, v8  }
0xc7: {  	v3 =	vmax.f32 v3, v9;
	v4 =	vmul.f32 v7, v7;
	v0 =	vmin.f32 v0, v10  }
0xc8: {  	v1 =	vadd.f32 v5, v1;
	v2 =	vadd.f32 v7, v2;
	v0 =	vmin.f32 v0, v11  }
0xc9: {  	v3 =	vmax.f32 v3, v7;
	v5 =	vmul.f32 v8, v8;
	v0 =	vmin.f32 v0, v6  }
0xca: {  	v3 =	vmax.f32 v3, v8;
	v1 =	vadd.f32 v4, v1;
	v2 =	vadd.f32 v8, v2  }
0xcb: {  	v3 =	vmax.f32 v3, v10;
	v4 =	vmul.f32 v10, v10  }
0xcc: {  	v3 =	vmax.f32 v3, v11;
	v1 =	vadd.f32 v5, v1;
	v2 =	vadd.f32 v10, v2  }
0xcd: {  	v3 =	vmax.f32 v3, v6  }
0xce: {  	v1 =	vadd.f32 v4, v1;
	v2 =	vadd.f32 v11, v2;
	v4 =	vmul.f32 v11, v11;
	_ =	sdelay $0x1  }
0xcf: {  	s22 =	sshra.s32 s25, $0x2;
	v1 =	vadd.f32 v4, v1;
	v2 =	vadd.f32 v6, v2;
	v4 =	vmul.f32 v6, v6  }
0xd0: {  	[tilespmem:s22+$0x9100] =	vst v3  }
0xd1: {  	v1 =	vadd.f32 v4, v1;
	[tilespmem:s22+$0x8100] =	vst v2  }
0xd2: {  	[tilespmem:s22+$0x9900] =	vst v0  }
0xd3: {  	[tilespmem:s22+$0x8900] =	vst v1  }
0xd4: {  	v0 =	vld [tilespmem:s24+$0xFFFFFC10]  }
0xd5: {  	v1 =	vld [tilespmem:s24+$0xFFFFFC90];
	_ =	sdelay $0x1  }
0xd6: {  	v2 =	vld [tilespmem:s24+$0xFFFFFD10];
	_ =	sdelay $0x1  }
0xd7: {  	v3 =	vmul.f32 v0, v0;
	v4 =	vld [tilespmem:s24+$0xFFFFFD90]  }
0xd8: {  	v5 =	vadd.f32 v1, v0;
	v6 =	vmul.f32 v1, v1;
	v7 =	vmin.f32 v0, v1  }
0xd9: {  	v0 =	vmax.f32 v0, v1;
	v1 =	vld [tilespmem:s24+$0xFFFFFE10]  }
0xda: {  	v3 =	vadd.f32 v6, v3;
	v5 =	vadd.f32 v2, v5;
	v6 =	vmul.f32 v2, v2  }
0xdb: {  	v0 =	vmax.f32 v0, v2;
	v2 =	vmin.f32 v7, v2;
	v7 =	vld [tilespmem:s24+$0xFFFFFE90]  }
0xdc: {  	v3 =	vadd.f32 v6, v3;
	v5 =	vadd.f32 v4, v5;
	v6 =	vmul.f32 v4, v4  }
0xdd: {  	v0 =	vmax.f32 v0, v4;
	v2 =	vmin.f32 v2, v4;
	v4 =	vld [tilespmem:s24+$0xFFFFFF10]  }
0xde: {  	v3 =	vadd.f32 v6, v3;
	v5 =	vadd.f32 v1, v5;
	v6 =	vmul.f32 v1, v1;
	v8 =	vld [tilespmem:s24+$0xFFFFFF90]  }
0xdf: {  	v0 =	vmax.f32 v0, v1;
	v1 =	vmin.f32 v2, v1  }
0xe0: {  	v2 =	vadd.f32 v6, v3;
	v3 =	vadd.f32 v7, v5;
	v5 =	vmul.f32 v7, v7;
	v6 =	vld [tilespmem:s24+$0x10]  }
0xe1: {  	v0 =	vmax.f32 v0, v7;
	v1 =	vmin.f32 v1, v7;
	v7 =	vld [tilespmem:s24+$0x90]  }
0xe2: {  	v2 =	vadd.f32 v5, v2;
	v3 =	vadd.f32 v4, v3;
	v5 =	vmul.f32 v4, v4;
	v9 =	vld [tilespmem:s24+$0x110]  }
0xe3: {  	v0 =	vmax.f32 v0, v4;
	v1 =	vmin.f32 v1, v4;
	v4 =	vmul.f32 v8, v8;
	v10 =	vld [tilespmem:s24+$0x190]  }
0xe4: {  	v1 =	vmin.f32 v1, v8;
	v2 =	vadd.f32 v5, v2;
	v3 =	vadd.f32 v8, v3;
	v5 =	vld [tilespmem:s24+$0x210]  }
0xe5: {  	v0 =	vmax.f32 v0, v8;
	v8 =	vmul.f32 v6, v6;
	v1 =	vmin.f32 v1, v6;
	v11 =	vld [tilespmem:s24+$0x290]  }
0xe6: {  	v2 =	vadd.f32 v4, v2;
	v3 =	vadd.f32 v6, v3;
	v1 =	vmin.f32 v1, v7;
	v4 =	vld [tilespmem:s24+$0x310]  }
0xe7: {  	v0 =	vmax.f32 v0, v6;
	v6 =	vmul.f32 v7, v7;
	v1 =	vmin.f32 v1, v9;
	v12 =	vld [tilespmem:s24+$0x390]  }
0xe8: {  	v2 =	vadd.f32 v8, v2;
	v3 =	vadd.f32 v7, v3;
	v1 =	vmin.f32 v1, v10  }
0xe9: {  	v0 =	vmax.f32 v0, v7;
	v7 =	vmul.f32 v9, v9;
	v1 =	vmin.f32 v1, v5  }
0xea: {  	v2 =	vadd.f32 v6, v2;
	v3 =	vadd.f32 v9, v3;
	v1 =	vmin.f32 v1, v11  }
0xeb: {  	v0 =	vmax.f32 v0, v9;
	v6 =	vmul.f32 v10, v10;
	v1 =	vmin.f32 v1, v4  }
0xec: {  	v2 =	vadd.f32 v7, v2;
	v3 =	vadd.f32 v10, v3;
	v1 =	vmin.f32 v1, v12  }
0xed: {  	v0 =	vmax.f32 v0, v10;
	v7 =	vmul.f32 v5, v5;
	[tilespmem:s22+$0x9910] =	vst v1  }
0xee: {  	v0 =	vmax.f32 v0, v5;
	v1 =	vadd.f32 v6, v2;
	v2 =	vadd.f32 v5, v3  }
0xef: {  	v0 =	vmax.f32 v0, v11;
	v3 =	vmul.f32 v11, v11  }
0xf0: {  	v0 =	vmax.f32 v0, v4;
	v1 =	vadd.f32 v7, v1;
	v2 =	vadd.f32 v11, v2  }
0xf1: {  	v0 =	vmax.f32 v0, v12  }
0xf2: {  	v1 =	vadd.f32 v3, v1;
	v2 =	vadd.f32 v4, v2;
	v3 =	vmul.f32 v4, v4;
	[tilespmem:s22+$0x9110] =	vst v0;
	_ =	sdelay $0x1  }
0xf3: {  	v0 =	vadd.f32 v3, v1;
	v1 =	vadd.f32 v12, v2;
	v2 =	vmul.f32 v12, v12;
	_ =	sdelay $0x1  }
0xf4: {  	v0 =	vadd.f32 v2, v0;
	[tilespmem:s22+$0x8110] =	vst v1;
	_ =	sdelay $0x1  }
0xf5: {  	[tilespmem:s22+$0x8910] =	vst v0  }
0xf6: {  	v0 =	vld [tilespmem:s24+$0xFFFFFC20]  }
0xf7: {  	v1 =	vld [tilespmem:s24+$0xFFFFFCA0]  }
0xf8: {  	v2 =	vld [tilespmem:s24+$0xFFFFFD20]  }
0xf9: {  	v3 =	vld [tilespmem:s24+$0xFFFFFDA0]  }
0xfa: {  	v4 =	vld [tilespmem:s24+$0xFFFFFE20]  }
0xfb: {  	v5 =	vmul.f32 v0, v0;
	v6 =	vld [tilespmem:s24+$0xFFFFFEA0]  }
0xfc: {  	v7 =	vadd.f32 v1, v0;
	v8 =	vmul.f32 v1, v1;
	v9 =	vmax.f32 v0, v1;
	v10 =	vld [tilespmem:s24+$0xFFFFFF20]  }
0xfd: {  	v0 =	vmin.f32 v0, v1;
	v1 =	vmax.f32 v9, v2;
	v9 =	vld [tilespmem:s24+$0xFFFFFFA0]  }
0xfe: {  	v5 =	vadd.f32 v8, v5;
	v7 =	vadd.f32 v2, v7;
	v8 =	vmul.f32 v2, v2;
	v11 =	vld [tilespmem:s24+$0x20]  }
0xff: {  	v0 =	vmin.f32 v0, v2;
	v1 =	vmax.f32 v1, v3;
	v2 =	vld [tilespmem:s24+$0xA0]  }
0x100: {  	v5 =	vadd.f32 v8, v5;
	v7 =	vadd.f32 v3, v7;
	v8 =	vmul.f32 v3, v3  }
0x101: {  	v0 =	vmin.f32 v0, v3;
	v1 =	vmax.f32 v1, v4  }
0x102: {  	v3 =	vadd.f32 v8, v5;
	v5 =	vadd.f32 v4, v7;
	v7 =	vmul.f32 v4, v4  }
0x103: {  	v0 =	vmin.f32 v0, v4;
	v1 =	vmax.f32 v1, v6  }
0x104: {  	v3 =	vadd.f32 v7, v3;
	v4 =	vadd.f32 v6, v5;
	v5 =	vmul.f32 v6, v6  }
0x105: {  	v0 =	vmin.f32 v0, v6;
	v1 =	vmax.f32 v1, v10  }
0x106: {  	v3 =	vadd.f32 v5, v3;
	v4 =	vadd.f32 v10, v4;
	v5 =	vmul.f32 v10, v10  }
0x107: {  	v0 =	vmin.f32 v0, v10;
	v1 =	vmax.f32 v1, v9;
	v6 =	vld [tilespmem:s24+$0x120]  }
0x108: {  	v3 =	vadd.f32 v5, v3;
	v4 =	vadd.f32 v9, v4;
	v5 =	vmul.f32 v9, v9;
	v7 =	vld [tilespmem:s24+$0x1A0]  }
0x109: {  	v0 =	vmin.f32 v0, v9;
	v8 =	vmul.f32 v11, v11;
	v1 =	vmax.f32 v1, v11;
	v9 =	vld [tilespmem:s24+$0x220]  }
0x10a: {  	v0 =	vmin.f32 v0, v11;
	v3 =	vadd.f32 v5, v3;
	v4 =	vadd.f32 v11, v4;
	v5 =	vld [tilespmem:s24+$0x2A0]  }
0x10b: {  	v1 =	vmax.f32 v1, v2;
	v0 =	vmin.f32 v0, v2;
	v10 =	vmul.f32 v2, v2;
	v11 =	vld [tilespmem:s24+$0x320]  }
0x10c: {  	v3 =	vadd.f32 v8, v3;
	v2 =	vadd.f32 v2, v4;
	v0 =	vmin.f32 v0, v6;
	v4 =	vld [tilespmem:s24+$0x3A0]  }
0x10d: {  	v8 =	vmul.f32 v6, v6;
	v1 =	vmax.f32 v1, v6;
	v0 =	vmin.f32 v0, v7  }
0x10e: {  	v3 =	vadd.f32 v10, v3;
	v2 =	vadd.f32 v6, v2;
	v0 =	vmin.f32 v0, v9  }
0x10f: {  	v1 =	vmax.f32 v1, v7;
	v6 =	vmul.f32 v7, v7;
	v0 =	vmin.f32 v0, v5  }
0x110: {  	v3 =	vadd.f32 v8, v3;
	v2 =	vadd.f32 v7, v2;
	v0 =	vmin.f32 v0, v11  }
0x111: {  	v1 =	vmax.f32 v1, v9;
	v7 =	vmul.f32 v9, v9;
	v0 =	vmin.f32 v0, v4  }
0x112: {  	v1 =	vmax.f32 v1, v5;
	v3 =	vadd.f32 v6, v3;
	v2 =	vadd.f32 v9, v2;
	[tilespmem:s22+$0x9920] =	vst v0  }
0x113: {  	v1 =	vmax.f32 v1, v11;
	v0 =	vmul.f32 v5, v5  }
0x114: {  	v1 =	vmax.f32 v1, v4;
	v3 =	vadd.f32 v7, v3;
	v2 =	vadd.f32 v5, v2  }
0x115: {  	[tilespmem:s22+$0x9120] =	vst v1  }
0x116: {  	v0 =	vadd.f32 v0, v3;
	v1 =	vadd.f32 v11, v2;
	v2 =	vmul.f32 v11, v11;
	_ =	sdelay $0x1  }
0x117: {  	v0 =	vadd.f32 v2, v0;
	v1 =	vadd.f32 v4, v1;
	v2 =	vmul.f32 v4, v4;
	_ =	sdelay $0x1  }
0x118: {  	v0 =	vadd.f32 v2, v0;
	[tilespmem:s22+$0x8120] =	vst v1;
	_ =	sdelay $0x1  }
0x119: {  	[tilespmem:s22+$0x8920] =	vst v0  }
0x11a: {  	v0 =	vld [tilespmem:s24+$0xFFFFFC30]  }
0x11b: {  	v1 =	vld [tilespmem:s24+$0xFFFFFCB0]  }
0x11c: {  	v2 =	vld [tilespmem:s24+$0xFFFFFD30]  }
0x11d: {  	v9 =	vld [tilespmem:s24+$0xFFFFFDB0]  }
0x11e: {  	v8 =	vld [tilespmem:s24+$0xFFFFFE30]  }
0x11f: {  	v3 =	vmul.f32 v0, v0;
	v7 =	vld [tilespmem:s24+$0xFFFFFEB0]  }
0x120: {  	v4 =	vadd.f32 v1, v0;
	v10 =	vmul.f32 v1, v1;
	v5 =	vmax.f32 v0, v1;
	v6 =	vld [tilespmem:s24+$0xFFFFFF30]  }
0x121: {  	v0 =	vmin.f32 v0, v1;
	v1 =	vmax.f32 v5, v2;
	v5 =	vld [tilespmem:s24+$0xFFFFFFB0]  }
.Ltmp0:
0x122: {  	v12 =	vmul.f32 v2, v2;
	v10 =	vadd.f32 v10, v3;
	v11 =	vadd.f32 v2, v4;
	v4 =	vld [tilespmem:s24+$0x30];
	(pc) =	sbr.rel @p0 .LBB2_3-.Ltmp0, $4  }
0x123: {  	v0 =	vmin.f32 v0, v2;
	v1 =	vmax.f32 v1, v9;
	v3 =	vld [tilespmem:s24+$0xB0]  }
0x124: {  	v13 =	vmul.f32 v9, v9;
	v12 =	vadd.f32 v12, v10;
	v11 =	vadd.f32 v9, v11;
	v2 =	vld [tilespmem:s24+$0x130]  }
0x125: {  	v10 =	vmin.f32 v0, v9;
	v9 =	vmax.f32 v1, v8;
	v1 =	vld [tilespmem:s24+$0x1B0]  }
0x126: {  	v12 =	vadd.f32 v13, v12;
	v11 =	vadd.f32 v8, v11;
	v13 =	vmul.f32 v8, v8;
	v0 =	vld [tilespmem:s24+$0x230]  }
0x127: {  	_ = 	snop  }
0x128: {  	v33 =	vmul.f32 v7, v7;
	v12 =	vadd.f32 v13, v12  }
0x129: {  	v11 =	vadd.f32 v7, v11  }
0x12a: {  	v34 =	vmul.f32 v6, v6;
	v12 =	vadd.f32 v33, v12  }
0x12b: {  	v11 =	vadd.f32 v6, v11  }
0x12c: {  	v35 =	vmul.f32 v5, v5;
	v12 =	vadd.f32 v34, v12  }
0x12d: {  	v11 =	vadd.f32 v5, v11  }
0x12e: {  	v8 =	vmin.f32 v10, v8;
	v37 =	vmul.f32 v4, v4;
	v36 =	vadd.f32 v35, v12  }
0x12f: {  	v9 =	vmax.f32 v9, v7;
	v38 =	vmin.f32 v8, v7;
	v39 =	vadd.f32 v4, v11  }
0x130: {  	v9 =	vmax.f32 v9, v6;
	v40 =	vmul.f32 v3, v3;
	v10 =	vadd.f32 v37, v36  }
0x131: {  	v46 =	vld [tilespmem:s21+$0x2B0];
	v41 =	vmin.f32 v38, v6;
	v42 =	vmax.f32 v9, v5;
	v8 =	vadd.f32 v3, v39  }
0x132: {  	v50 =	vld [tilespmem:s21+$0x330];
	v44 =	vmul.f32 v2, v2;
	v43 =	vmin.f32 v41, v5;
	v45 =	vadd.f32 v40, v10  }
0x133: {  	v53 =	vld [tilespmem:s21+$0x3B0];
	v7 =	vmax.f32 v42, v4;
	v49 =	vmul.f32 v1, v1;
	v48 =	vadd.f32 v2, v8  }
0x134: {  	v47 =	vmin.f32 v43, v4;
	v7 =	vmax.f32 v7, v3;
	v6 =	vadd.f32 v44, v45  }
0x135: {  	v55 =	vmul.f32 v0, v0;
	v51 =	vmin.f32 v47, v3;
	v5 =	vadd.f32 v1, v48  }
0x136: {  	v52 =	vmax.f32 v7, v2;
	v58 =	vmul.f32 v46, v46;
	v6 =	vadd.f32 v49, v6  }
0x137: {  	v60 =	vmul.f32 v50, v50;
	v54 =	vmin.f32 v51, v2;
	v57 =	vadd.f32 v0, v5  }
0x138: {  	v61 =	vmul.f32 v53, v53;
	v56 =	vmin.f32 v54, v1;
	v3 =	vadd.f32 v55, v6  }
0x139: {  	v4 =	vmax.f32 v52, v1;
	v1 =	vmin.f32 v56, v0;
	v2 =	vadd.f32 v46, v57  }
0x13a: {  	v59 =	vmax.f32 v4, v0;
	v1 =	vmin.f32 v1, v46;
	v3 =	vadd.f32 v58, v3  }
0x13b: {  	v1 =	vmin.f32 v1, v50;
	v0 =	vmax.f32 v59, v46;
	v2 =	vadd.f32 v50, v2  }
0x13c: {  	v1 =	vmin.f32 v1, v53;
	v0 =	vmax.f32 v0, v50;
	v3 =	vadd.f32 v60, v3  }
0x13d: {  	[tilespmem:s22+$0x9930] =	vst v1;
	v0 =	vmax.f32 v0, v53;
	v62 =	vadd.f32 v53, v2  }
0x13e: {  	[tilespmem:s22+$0x9130] =	vst v0;
	v63 =	vadd.f32 v61, v3  }
0x13f: {  	s20 =	sshll.u32 s20, $0x4;
	[tilespmem:s22+$0x8130] =	vst v62  }
0x140: {  	s29 =	sadd.s32 s5, s20;
	[tilespmem:s22+$0x8930] =	vst v63  }
0x141: {  	[hbm4b:s29+s2] =	stream.linear.scatter [tilespmem:s14], [sflag:$0x2], $0x800, $0x38;
	[tilespmem:$0xA100] =	vst v63  }
0x142: {  	_ =	swait.ge [sflag:s11], $0x800  }
0x143: {  	[sflag:s11] =	ssyncset.done $0x0  }
0x144: {  	s30 =	sadd.s32 s6, s20;
	[sflag:s11] =	ssyncadd.s32 $0xFFFFF800  }
0x145: {  	[hbm4b:s30+s2] =	stream.linear.scatter [tilespmem:s15], [sflag:$0x2], $0x800, $0x38;
	[tilespmem:$0xA100] =	vst v63  }
0x146: {  	_ =	swait.ge [sflag:s11], $0x800  }
0x147: {  	[sflag:s11] =	ssyncset.done $0x0  }
0x148: {  	s31 =	sadd.s32 s7, s20;
	[sflag:s11] =	ssyncadd.s32 $0xFFFFF800  }
0x149: {  	[hbm4b:s31+s2] =	stream.linear.scatter [tilespmem:s16], [sflag:$0x2], $0x800, $0x38;
	[tilespmem:$0xA100] =	vst v63  }
0x14a: {  	s19 =	sadd.s32 $0x1, s19;
	_ =	swait.ge [sflag:s11], $0x800  }
0x14b: {  	p0 =	sne.s32 s19, $0x8;
	[sflag:s11] =	ssyncset.done $0x0  }
.Ltmp1:
0x14c: {  	s20 =	sadd.s32 s8, s20;
	[sflag:s11] =	ssyncadd.s32 $0xFFFFF800;
	(pc) =	sbr.rel @p0 .LBB2_2-.Ltmp1, $4  }
0x14d: {  	[hbm4b:s20+s2] =	stream.linear.scatter [tilespmem:s17], [sflag:$0x2], $0x800, $0x38;
	[tilespmem:$0xA100] =	vst v63  }
0x14e: {  	_ =	swait.ge [sflag:s11], $0x800  }
0x14f: {  	[sflag:s11] =	ssyncset.done $0x0  }
0x150: {  	[sflag:s11] =	ssyncadd.s32 $0xFFFFF800  }
0x151: {  	s18 =	sadd.s32 $0x1, s18  }
0x152: {  	p0 =	sne.s32 s18, s10  }
.Ltmp2:
0x153: {  	_ = 	snop;
	(pc) =	sbr.rel @p0 .LBB2_1-.Ltmp2, $1  }
0x154: {  	_ =	sdelay $0x3  }
0x155: {  	_ =	sfence.sel $0x180000  }
0x156: {  	[bflag:$0x0] =	sbarrier.arrive $0xFFFF  }
0x157: {  	p0 =	sne.s32 s4, $0x0;
	_ =	strace $0x90000047  }
0x158: {  	s0 =	sadd.s32 @!p0 $0x100000, s0;
	[bflag:$0x2] =	sbarrier.arrive $0xFFFF  }
0x159: {  	[sflag:s0] =	ssyncadd.tile.s32 @!p0 $0x1;
	_ =	shalt  }
.Lfunc_end2:
_tile_overlayer_lowered:
.L_overlay_start_2:
0x15a: {  	(tag) =	ssettag $0x2  }
0x15b: {  	s0 =	rddreg [dreg:$0x0];
	s2 =	stileid.u32  }
0x15c: {  	s1 =	rddreg [dreg:$0x1];
	p0 =	sne.s32 s2, $0x0  }
0x15d: {  	s3 =	rddreg [dreg:$0x2];
	[bflag:$0x3] =	sbarrier.arrive $0xFFFF;
	s2 =	simm.s32 @!p0 $0x1C02  }
0x15e: {  	[timem:s3], [sflag:s2] =	dma.local @!p0 [hbm:s0], s1  }
0x15f: {  	s0 =	simm.s32 @!p0 $0x2  }
0x160: {  	_ =	swait.ge @!p0 [sflag:s0], s1  }
0x161: {  	s1 =	ssub.s32 @!p0 $0x0, s1;
	[sflag:s0] =	ssyncset.done @!p0 $0x0  }
0x162: {  	[sflag:s0] =	ssyncadd.s32 @!p0 s1  }
0x163: {  	[bflag:$0x3] =	sbarrier.arrive $0xFFFF  }
0x164: {  	_ =	shalt  }

</sc_bundles>
